<compile_context>
chip_gen: v7x
topology: tpu7x:2x2x1
jax: 0.10.2.dev20260603
libtpu: 0.0.44.dev20260713+nightly
codegen_flags: <defaults>
</compile_context>

<pallas_src>
import functools

import jax
import jax.numpy as jnp
from jax import lax
from jax.experimental import pallas as pl
from jax.experimental.pallas import tpu as pltpu
from jax.experimental.pallas import tpu_sc as plsc

_K = 64
_N = 32768
_L = 16
_NV = _N // _L
_ROWS = 128
_NC = 2
_NS = 16
_NW = _NC * _NS
_RPW = _ROWS // _NW
_UA = 4
_UB = 2
_HREG = 256 * _L
_NHIST = _UA * _HREG
_MINKEY = -(2**31)


def _body(x_hbm, out_hbm, row_v, canda, candb, hist, merged, fin_i, outrow,
          sem):
    wid = lax.axis_index("s") * _NC + lax.axis_index("c")
    lane = lax.iota(jnp.int32, _L)
    ones = jnp.ones((_L,), jnp.int32)
    zeros16 = jnp.zeros((_L,), jnp.int32)
    lane_base = lane * 256

    def clear_hist(nreg):
        @plsc.parallel_loop(0, nreg * _HREG // _L, unroll=8)
        def _clr(i):
            hist[pl.ds(i * _L, _L)] = zeros16

    def merge_hist(nreg):
        @plsc.parallel_loop(0, 256 // _L, unroll=2)
        def _mrg(i):
            acc = zeros16
            for reg in range(nreg):
                for l in range(_L):
                    acc = acc + hist[pl.ds(reg * _HREG + l * 256 + i * _L,
                                           _L)]
            merged[pl.ds(i * _L, _L)] = acc

    def merge_hist_t(nreg):
        @plsc.parallel_loop(0, _HREG // _L, unroll=4)
        def _fold(i):
            acc = hist[pl.ds(i * _L, _L)]
            for reg in range(1, nreg):
                acc = acc + hist[pl.ds(reg * _HREG + i * _L, _L)]
            hist[pl.ds(i * _L, _L)] = acc

        @plsc.parallel_loop(0, 256, unroll=4)
        def _sums(b):
            s = jnp.sum(hist[pl.ds(b * _L, _L)])
            plsc.store_scatter(merged, [zeros16 + b], zeros16 + s,
                               mask=lane == 0)

    def find_digit(need):
        def fd(j, carry):
            cum, d = carry
            jv = 15 - j
            vec = merged[pl.ds(jv * _L, _L)]
            suf = lax.rev(plsc.cumsum(lax.rev(vec, (0,))), (0,)) + cum
            cnt = jnp.sum((suf >= need).astype(jnp.int32))
            d = jnp.where((d < 0) & (cnt > 0), jv * _L + cnt - 1, d)
            return cum + jnp.sum(vec), d
        _, d = lax.fori_loop(0, 16, fd, (jnp.int32(0), jnp.int32(-1)))
        return d

    def do_row(r, carry):
        row = wid * _RPW + r

        @pl.when(r > 0)
        def _wait_dma():
            pltpu.make_async_copy(x_hbm.at[row], row_v, sem).wait()

        clear_hist(_UA)

        @plsc.parallel_loop(0, _NV // _UA, unroll=2)
        def _sw_a(i):
            for u in range(_UA):
                ii = i * _UA + u
                v = row_v[pl.ds(ii * _L, _L)]
                bi = plsc.bitcast(v, jnp.int32)
                skey = jnp.where(bi < 0, bi ^ jnp.int32(0x7FFFFFFF), bi)
                row_v[pl.ds(ii * _L, _L)] = plsc.bitcast(skey, jnp.float32)
                d = (skey >> 24) + 128
                plsc.addupdate_scatter(hist, [u * _HREG + d * _L + lane],
                                       ones)
        merge_hist_t(_UA)
        d0 = find_digit(jnp.int32(_K))

        t0 = d0 - 128
        thr0 = t0 * (1 << 24)

        @plsc.parallel_loop(0, _NV // _UB, unroll=2, carry=zeros16)
        def _sw_b(i, ncand_v):
            for u in range(_UB):
                ii = i * _UB + u
                skey = plsc.bitcast(row_v[pl.ds(ii * _L, _L)], jnp.int32)
                m = skey >= thr0
                idx = lane + ii * _L
                pos = ncand_v + plsc.cumsum(m.astype(jnp.int32)) - 1
                plsc.store_scatter(canda, [pos], idx, mask=m)
                ncand_v = ncand_v + plsc.all_reduce_population_count(m)
            return ncand_v
        n1 = jnp.max(_sw_b)

        def sweep_list(src, n, shift, t, dst):
            def body(i, carry):
                nab_v, ndst_v = carry
                valid = (lane + i * _L) < n
                idx = src[pl.ds(i * _L, _L)]
                g = plsc.load_gather(row_v, [idx], mask=valid)
                skey = plsc.bitcast(g, jnp.int32)
                pre = skey >> shift
                m_eq = (pre == t) & valid
                m_ab = (pre > t) & valid
                b2 = (skey >> (shift - 8)) & 0xFF
                plsc.addupdate_scatter(hist, [lane_base + b2], ones,
                                       mask=m_eq)
                nab_v = nab_v + plsc.all_reduce_population_count(m_ab)
                if dst is not None:
                    m = m_eq | m_ab
                    pos = ndst_v + plsc.cumsum(m.astype(jnp.int32)) - 1
                    plsc.store_scatter(dst, [pos], idx, mask=m)
                    ndst_v = ndst_v + plsc.all_reduce_population_count(m)
                return nab_v, ndst_v
            nv = (n + _L - 1) // _L
            return lax.fori_loop(0, nv, body, (zeros16, zeros16))

        clear_hist(1)
        nab_v, _ = sweep_list(canda, n1, 24, t0, None)
        merge_hist(1)
        d1 = find_digit(_K - jnp.max(nab_v))
        t1 = t0 * 256 + d1

        clear_hist(1)
        nab_v, n2_v = sweep_list(canda, n1, 16, t1, candb)
        merge_hist(1)
        d2 = find_digit(_K - jnp.max(nab_v))
        t2 = t1 * 256 + d2

        clear_hist(1)
        nab_v, n3_v = sweep_list(candb, jnp.max(n2_v), 8, t2, canda)
        merge_hist(1)
        d3 = find_digit(_K - jnp.max(nab_v))
        t3 = t2 * 256 + d3
        n3 = jnp.max(n3_v)

        def split(i, carry):
            nfin_v, neq_v = carry
            valid = (lane + i * _L) < n3
            idx = canda[pl.ds(i * _L, _L)]
            g = plsc.load_gather(row_v, [idx], mask=valid)
            skey = plsc.bitcast(g, jnp.int32)
            m_hi = (skey > t3) & valid
            m_eq = (skey == t3) & valid
            pos_hi = nfin_v + plsc.cumsum(m_hi.astype(jnp.int32)) - 1
            plsc.store_scatter(fin_i, [pos_hi], idx, mask=m_hi)
            pos_eq = neq_v + plsc.cumsum(m_eq.astype(jnp.int32)) - 1
            plsc.store_scatter(candb, [pos_eq], idx, mask=m_eq)
            nfin_v = nfin_v + plsc.all_reduce_population_count(m_hi)
            neq_v = neq_v + plsc.all_reduce_population_count(m_eq)
            return nfin_v, neq_v
        nfin_v, neq_v = lax.fori_loop(0, (n3 + _L - 1) // _L, split,
                                      (zeros16, zeros16))
        nfin = jnp.max(nfin_v)

        need_eq = _K - nfin

        def app(i, nf_v):
            valid = (lane + i * _L) < need_eq
            idxv = candb[pl.ds(i * _L, _L)]
            plsc.store_scatter(fin_i, [nf_v + lane], idxv, mask=valid)
            return nf_v + plsc.all_reduce_population_count(valid)
        lax.fori_loop(0, (need_eq + _L - 1) // _L, app, nfin_v)

        ks = []
        for j in range(4):
            fi = fin_i[pl.ds(j * _L, _L)]
            ks.append(plsc.bitcast(plsc.load_gather(row_v, [fi]), jnp.int32))

        @pl.when(r < _RPW - 1)
        def _prefetch():
            pltpu.async_copy(x_hbm.at[row + 1], row_v, sem)

        def sel(j, kvec):
            k0, k1, k2, k3 = kvec
            g = jnp.max(jnp.maximum(jnp.maximum(k0, k1),
                                    jnp.maximum(k2, k3)))
            posv = zeros16 + jnp.int32(9999)
            for jj, kj in enumerate((k0, k1, k2, k3)):
                f = plsc.all_reduce_ffs(kj == g)
                posv = jnp.minimum(posv,
                                   jnp.where(f < _L, f + jj * _L, 9999))
            iv = plsc.load_gather(fin_i, [posv])
            plsc.store_scatter(outrow, [zeros16 + j], iv, mask=lane == 0)
            out = []
            for jj, kj in enumerate((k0, k1, k2, k3)):
                out.append(jnp.where(posv - jj * _L == lane, _MINKEY, kj))
            return tuple(out)
        lax.fori_loop(0, _K, sel, tuple(ks))

        pltpu.sync_copy(outrow, out_hbm.at[row])
        return carry

    pltpu.sync_copy(x_hbm.at[wid * _RPW], row_v)
    lax.fori_loop(0, _RPW, do_row, 0)


@jax.jit
def kernel(x):
    f = pl.kernel(
        _body,
        out_type=jax.ShapeDtypeStruct((_ROWS, _K), jnp.int32),
        mesh=plsc.VectorSubcoreMesh(core_axis_name="c", subcore_axis_name="s",
                                    num_cores=_NC, num_subcores=_NS),
        compiler_params=pltpu.CompilerParams(needs_layout_passes=False),
        scratch_types=[
            pltpu.VMEM((_N,), jnp.float32),
            pltpu.VMEM((_N,), jnp.int32),
            pltpu.VMEM((_N,), jnp.int32),
            pltpu.VMEM((_NHIST,), jnp.int32),
            pltpu.VMEM((256,), jnp.int32),
            pltpu.VMEM((_K + _L,), jnp.int32),
            pltpu.VMEM((_K,), jnp.int32),
            pltpu.SemaphoreType.DMA,
        ],
    )
    return f(x)

# --- scband reference (transcript-rebuilt; emitter-appended) ---
"""Pipeline reference for scband-top-kindices-24773371363404 (READ-ONLY COPY).

The authoritative reference and input builder live on the scoring server;
editing this copy changes nothing except your own understanding.
"""

import jax, jax.numpy as jnp
import numpy as np

K = 64

def setup_inputs(seed: int = 0) -> dict:
    key = jax.random.key(seed)
    x = jax.random.normal(key, (128, 32768), dtype=jnp.float32)
    return {"x": x}

def reference(x) -> jnp.ndarray:
    # torch.topk(x, k)[1] -> indices of the k largest elements along the last dim,
    # sorted in descending order of value (jax.lax.top_k matches this convention).
    values, indices = jax.lax.top_k(x, K)
    return indices

if __name__ == "__main__":
    import jax
    _d = setup_inputs()
    print(jax.jit(kernel)(*tuple(_d.values())))

</pallas_src>

<mosaic_0001>
#map = affine_map<(d0, d1) -> (0, 0)>
module attributes {stable_mosaic.version = 14 : i64} {
  func.func @_body(%arg0: i32, %arg1: i32, %arg2: memref<128x32768xf32, #tpu.memory_space<hbm>>, %arg3: memref<128x64xi32, #tpu.memory_space<hbm>>, %arg4: memref<32768xf32, #tpu.memory_space<vmem>>, %arg5: memref<32768xi32, #tpu.memory_space<vmem>>, %arg6: memref<32768xi32, #tpu.memory_space<vmem>>, %arg7: memref<16384xi32, #tpu.memory_space<vmem>>, %arg8: memref<256xi32, #tpu.memory_space<vmem>>, %arg9: memref<80xi32, #tpu.memory_space<vmem>>, %arg10: memref<64xi32, #tpu.memory_space<vmem>>, %arg11: memref<!tpu.dma_semaphore, #tpu.memory_space<semaphore_mem>>) attributes {dimension_semantics = [#tpu.dimension_semantics<core_parallel>, #tpu.dimension_semantics<subcore_parallel>], iteration_bounds = array<i64: 2, 16>, scalar_prefetch = 0 : i64, scratch_operands = 8 : i64, tpu.core_type = #tpu.core_type<sc_vector_subcore>, window_params = [{transform_indices = #map}, {transform_indices = #map}]} {
    %mul3A = arith.constant 2 : i32
    %mul3A_0 = arith.muli %arg1, %mul3A : i32
    %add3A = arith.addi %mul3A_0, %arg0 : i32
    %iota3A = tpu.iota {dimensions = array<i32: 0>} : vector<16xi32>
    %broadcast_in_dim3A = arith.constant 1 : i32
    %broadcast_in_dim3A_1 = vector.broadcast %broadcast_in_dim3A : i32 to vector<16xi32>
    %broadcast_in_dim3A_2 = arith.constant 0 : i32
    %broadcast_in_dim3A_3 = vector.broadcast %broadcast_in_dim3A_2 : i32 to vector<16xi32>
    %mul3A_4 = arith.constant 256 : i32
    %mul3A_5 = vector.broadcast %mul3A_4 : i32 to vector<16xi32>
    %mul3A_6 = arith.muli %iota3A, %mul3A_5 : vector<16xi32>
    %mul3A_7 = arith.constant 4 : i32
    %mul3A_8 = arith.muli %add3A, %mul3A_7 : i32
    "tpu.region"() ({
      %run_scoped3A = tpu.sem_alloc : memref<!tpu.dma_semaphore, #tpu.memory_space<semaphore_mem>>
      %dma_start3A = arith.constant 0 : i32
      %dma_start3A_14 = tpu.memref_slice %arg2[%mul3A_8, %dma_start3A] : memref<128x32768xf32, #tpu.memory_space<hbm>> -> memref<1x32768xf32, #tpu.memory_space<hbm>>
      %dma_start3A_15 = tpu.memref_squeeze %dma_start3A_14 : memref<1x32768xf32, #tpu.memory_space<hbm>> -> memref<32768xf32, #tpu.memory_space<hbm>>
      %dma_start3A_16 = arith.constant 0 : i32
      %dma_start3A_17 = tpu.memref_slice %arg2[%mul3A_8, %dma_start3A_16] : memref<128x32768xf32, #tpu.memory_space<hbm>> -> memref<1x32768xf32, #tpu.memory_space<hbm>>
      %dma_start3A_18 = tpu.memref_squeeze %dma_start3A_17 : memref<1x32768xf32, #tpu.memory_space<hbm>> -> memref<32768xf32, #tpu.memory_space<hbm>>
      tpu.enqueue_dma source(%dma_start3A_18 : memref<32768xf32, #tpu.memory_space<hbm>>) target(%arg4 : memref<32768xf32, #tpu.memory_space<vmem>>) target_semaphore(%run_scoped3A : memref<!tpu.dma_semaphore, #tpu.memory_space<semaphore_mem>>)
      %dma_wait3A = arith.constant 0 : i32
      %dma_wait3A_19 = tpu.memref_slice %arg2[%mul3A_8, %dma_wait3A] : memref<128x32768xf32, #tpu.memory_space<hbm>> -> memref<1x32768xf32, #tpu.memory_space<hbm>>
      %dma_wait3A_20 = tpu.memref_squeeze %dma_wait3A_19 : memref<1x32768xf32, #tpu.memory_space<hbm>> -> memref<32768xf32, #tpu.memory_space<hbm>>
      %dma_wait3A_21 = arith.constant 0 : i32
      %dma_wait3A_22 = tpu.memref_slice %arg2[%mul3A_8, %dma_wait3A_21] : memref<128x32768xf32, #tpu.memory_space<hbm>> -> memref<1x32768xf32, #tpu.memory_space<hbm>>
      %dma_wait3A_23 = tpu.memref_squeeze %dma_wait3A_22 : memref<1x32768xf32, #tpu.memory_space<hbm>> -> memref<32768xf32, #tpu.memory_space<hbm>>
      tpu.wait_dma2 semaphore(%run_scoped3A : memref<!tpu.dma_semaphore, #tpu.memory_space<semaphore_mem>>) src(%dma_wait3A_23 : memref<32768xf32, #tpu.memory_space<hbm>>) dst(%arg4 : memref<32768xf32, #tpu.memory_space<vmem>>)
      tpu.yield
    }) : () -> ()
    %scan3A = arith.constant 0 : i32
    %scan3A_9 = arith.constant 0 : i32
    %scan3A_10 = arith.constant 4 : i32
    %scan3A_11 = arith.addi %scan3A_9, %scan3A_10 : i32
    %scan3A_12 = arith.constant 1 : i32
    scf.for %scan3A_14 = %scan3A_9 to %scan3A_11 step %scan3A_12  : i32 {
      %mul3A_15 = arith.constant 4 : i32
      %mul3A_16 = arith.muli %add3A, %mul3A_15 : i32
      %add3A_17 = arith.addi %mul3A_16, %scan3A_14 : i32
      %gt3A = arith.constant 0 : i32
      %gt3A_18 = arith.cmpi sgt, %scan3A_14, %gt3A : i32
      %convert_element_type3A = arith.extui %gt3A_18 : i1 to i32
      %cond3A = arith.constant 0 : i32
      %cond3A_19 = arith.cmpi ne, %convert_element_type3A, %cond3A : i32
      scf.if %cond3A_19 {
        %dma_wait3A = arith.constant 0 : i32
        %dma_wait3A_371 = tpu.memref_slice %arg2[%add3A_17, %dma_wait3A] : memref<128x32768xf32, #tpu.memory_space<hbm>> -> memref<1x32768xf32, #tpu.memory_space<hbm>>
        %dma_wait3A_372 = tpu.memref_squeeze %dma_wait3A_371 : memref<1x32768xf32, #tpu.memory_space<hbm>> -> memref<32768xf32, #tpu.memory_space<hbm>>
        %dma_wait3A_373 = arith.constant 0 : i32
        %dma_wait3A_374 = tpu.memref_slice %arg2[%add3A_17, %dma_wait3A_373] : memref<128x32768xf32, #tpu.memory_space<hbm>> -> memref<1x32768xf32, #tpu.memory_space<hbm>>
        %dma_wait3A_375 = tpu.memref_squeeze %dma_wait3A_374 : memref<1x32768xf32, #tpu.memory_space<hbm>> -> memref<32768xf32, #tpu.memory_space<hbm>>
        tpu.wait_dma2 semaphore(%arg11 : memref<!tpu.dma_semaphore, #tpu.memory_space<semaphore_mem>>) src(%dma_wait3A_375 : memref<32768xf32, #tpu.memory_space<hbm>>) dst(%arg4 : memref<32768xf32, #tpu.memory_space<vmem>>)
      } else {
      }
      %parallel_loop3A = arith.constant 0 : i32
      %parallel_loop3A_20 = arith.constant 1024 : i32
      %parallel_loop3A_21 = arith.constant 1 : i32
      scf.for %parallel_loop3A_371 = %parallel_loop3A to %parallel_loop3A_20 step %parallel_loop3A_21  : i32 {
        %parallel_loop3A_372 = arith.constant 16 : i32
        %parallel_loop3A_373 = arith.muli %parallel_loop3A_371, %parallel_loop3A_372 : i32
        %parallel_loop3A_374 = arith.index_cast %parallel_loop3A_373 : i32 to index
        %parallel_loop3A_375 = tpu.vector_load %arg7[%parallel_loop3A_374] {strides = array<i32>} : memref<16384xi32, #tpu.memory_space<vmem>>, vector<16xi32>,
        tpu.vector_store %arg7[%parallel_loop3A_374], %broadcast_in_dim3A_3 {strides = array<i32>} : memref<16384xi32, #tpu.memory_space<vmem>>, vector<16xi32>,
      } {sc.loop_unroll_factor = 8 : i64, sc.parallel_access}
      %parallel_loop3A_22 = arith.constant 0 : i32
      %parallel_loop3A_23 = arith.constant 512 : i32
      %parallel_loop3A_24 = arith.constant 1 : i32
      scf.for %parallel_loop3A_371 = %parallel_loop3A_22 to %parallel_loop3A_23 step %parallel_loop3A_24  : i32 {
        %parallel_loop3A_372 = arith.constant 4 : i32
        %parallel_loop3A_373 = arith.muli %parallel_loop3A_371, %parallel_loop3A_372 : i32
        %parallel_loop3A_374 = arith.constant 0 : i32
        %parallel_loop3A_375 = arith.addi %parallel_loop3A_373, %parallel_loop3A_374 : i32
        %parallel_loop3A_376 = arith.constant 16 : i32
        %parallel_loop3A_377 = arith.muli %parallel_loop3A_375, %parallel_loop3A_376 : i32
        %parallel_loop3A_378 = arith.index_cast %parallel_loop3A_377 : i32 to index
        %parallel_loop3A_379 = tpu.vector_load %arg4[%parallel_loop3A_378] {strides = array<i32>} : memref<32768xf32, #tpu.memory_space<vmem>>, vector<16xf32>,
        %parallel_loop3A_380 = vector.bitcast %parallel_loop3A_379 : vector<16xf32> to vector<16xi32>
        %parallel_loop3A_381 = arith.constant 0 : i32
        %parallel_loop3A_382 = vector.broadcast %parallel_loop3A_381 : i32 to vector<16xi32>
        %parallel_loop3A_383 = arith.cmpi slt, %parallel_loop3A_380, %parallel_loop3A_382 : vector<16xi32>
        %parallel_loop3A_384 = arith.constant 2147483647 : i32
        %parallel_loop3A_385 = vector.broadcast %parallel_loop3A_384 : i32 to vector<16xi32>
        %parallel_loop3A_386 = arith.xori %parallel_loop3A_380, %parallel_loop3A_385 : vector<16xi32>
        %parallel_loop3A_387 = arith.select %parallel_loop3A_383, %parallel_loop3A_386, %parallel_loop3A_380 : vector<16xi1>, vector<16xi32>
        %parallel_loop3A_388 = vector.bitcast %parallel_loop3A_387 : vector<16xi32> to vector<16xf32>
        %parallel_loop3A_389 = arith.constant 16 : i32
        %parallel_loop3A_390 = arith.muli %parallel_loop3A_375, %parallel_loop3A_389 : i32
        %parallel_loop3A_391 = arith.index_cast %parallel_loop3A_390 : i32 to index
        %parallel_loop3A_392 = tpu.vector_load %arg4[%parallel_loop3A_391] {strides = array<i32>} : memref<32768xf32, #tpu.memory_space<vmem>>, vector<16xf32>,
        tpu.vector_store %arg4[%parallel_loop3A_391], %parallel_loop3A_388 {strides = array<i32>} : memref<32768xf32, #tpu.memory_space<vmem>>, vector<16xf32>,
        %parallel_loop3A_393 = arith.constant 24 : i32
        %parallel_loop3A_394 = vector.broadcast %parallel_loop3A_393 : i32 to vector<16xi32>
        %parallel_loop3A_395 = arith.shrsi %parallel_loop3A_387, %parallel_loop3A_394 : vector<16xi32>
        %parallel_loop3A_396 = arith.constant 128 : i32
        %parallel_loop3A_397 = vector.broadcast %parallel_loop3A_396 : i32 to vector<16xi32>
        %parallel_loop3A_398 = arith.addi %parallel_loop3A_395, %parallel_loop3A_397 : vector<16xi32>
        %parallel_loop3A_399 = arith.constant 16 : i32
        %parallel_loop3A_400 = vector.broadcast %parallel_loop3A_399 : i32 to vector<16xi32>
        %parallel_loop3A_401 = arith.muli %parallel_loop3A_398, %parallel_loop3A_400 : vector<16xi32>
        %parallel_loop3A_402 = arith.constant 0 : i32
        %parallel_loop3A_403 = vector.broadcast %parallel_loop3A_402 : i32 to vector<16xi32>
        %parallel_loop3A_404 = arith.addi %parallel_loop3A_403, %parallel_loop3A_401 : vector<16xi32>
        %parallel_loop3A_405 = arith.addi %parallel_loop3A_404, %iota3A : vector<16xi32>
        tpu.vector_store_idx %arg7[%parallel_loop3A_405], %broadcast_in_dim3A_1 {add = true} : memref<16384xi32, #tpu.memory_space<vmem>>[vector<16xi32>], vector<16xi32>,
        %parallel_loop3A_406 = arith.constant 4 : i32
        %parallel_loop3A_407 = arith.muli %parallel_loop3A_371, %parallel_loop3A_406 : i32
        %parallel_loop3A_408 = arith.constant 1 : i32
        %parallel_loop3A_409 = arith.addi %parallel_loop3A_407, %parallel_loop3A_408 : i32
        %parallel_loop3A_410 = arith.constant 16 : i32
        %parallel_loop3A_411 = arith.muli %parallel_loop3A_409, %parallel_loop3A_410 : i32
        %parallel_loop3A_412 = arith.index_cast %parallel_loop3A_411 : i32 to index
        %parallel_loop3A_413 = tpu.vector_load %arg4[%parallel_loop3A_412] {strides = array<i32>} : memref<32768xf32, #tpu.memory_space<vmem>>, vector<16xf32>,
        %parallel_loop3A_414 = vector.bitcast %parallel_loop3A_413 : vector<16xf32> to vector<16xi32>
        %parallel_loop3A_415 = arith.constant 0 : i32
        %parallel_loop3A_416 = vector.broadcast %parallel_loop3A_415 : i32 to vector<16xi32>
        %parallel_loop3A_417 = arith.cmpi slt, %parallel_loop3A_414, %parallel_loop3A_416 : vector<16xi32>
        %parallel_loop3A_418 = arith.constant 2147483647 : i32
        %parallel_loop3A_419 = vector.broadcast %parallel_loop3A_418 : i32 to vector<16xi32>
        %parallel_loop3A_420 = arith.xori %parallel_loop3A_414, %parallel_loop3A_419 : vector<16xi32>
        %parallel_loop3A_421 = arith.select %parallel_loop3A_417, %parallel_loop3A_420, %parallel_loop3A_414 : vector<16xi1>, vector<16xi32>
        %parallel_loop3A_422 = vector.bitcast %parallel_loop3A_421 : vector<16xi32> to vector<16xf32>
        %parallel_loop3A_423 = arith.constant 16 : i32
        %parallel_loop3A_424 = arith.muli %parallel_loop3A_409, %parallel_loop3A_423 : i32
        %parallel_loop3A_425 = arith.index_cast %parallel_loop3A_424 : i32 to index
        %parallel_loop3A_426 = tpu.vector_load %arg4[%parallel_loop3A_425] {strides = array<i32>} : memref<32768xf32, #tpu.memory_space<vmem>>, vector<16xf32>,
        tpu.vector_store %arg4[%parallel_loop3A_425], %parallel_loop3A_422 {strides = array<i32>} : memref<32768xf32, #tpu.memory_space<vmem>>, vector<16xf32>,
        %parallel_loop3A_427 = arith.constant 24 : i32
        %parallel_loop3A_428 = vector.broadcast %parallel_loop3A_427 : i32 to vector<16xi32>
        %parallel_loop3A_429 = arith.shrsi %parallel_loop3A_421, %parallel_loop3A_428 : vector<16xi32>
        %parallel_loop3A_430 = arith.constant 128 : i32
        %parallel_loop3A_431 = vector.broadcast %parallel_loop3A_430 : i32 to vector<16xi32>
        %parallel_loop3A_432 = arith.addi %parallel_loop3A_429, %parallel_loop3A_431 : vector<16xi32>
        %parallel_loop3A_433 = arith.constant 16 : i32
        %parallel_loop3A_434 = vector.broadcast %parallel_loop3A_433 : i32 to vector<16xi32>
        %parallel_loop3A_435 = arith.muli %parallel_loop3A_432, %parallel_loop3A_434 : vector<16xi32>
        %parallel_loop3A_436 = arith.constant 4096 : i32
        %parallel_loop3A_437 = vector.broadcast %parallel_loop3A_436 : i32 to vector<16xi32>
        %parallel_loop3A_438 = arith.addi %parallel_loop3A_437, %parallel_loop3A_435 : vector<16xi32>
        %parallel_loop3A_439 = arith.addi %parallel_loop3A_438, %iota3A : vector<16xi32>
        tpu.vector_store_idx %arg7[%parallel_loop3A_439], %broadcast_in_dim3A_1 {add = true} : memref<16384xi32, #tpu.memory_space<vmem>>[vector<16xi32>], vector<16xi32>,
        %parallel_loop3A_440 = arith.constant 4 : i32
        %parallel_loop3A_441 = arith.muli %parallel_loop3A_371, %parallel_loop3A_440 : i32
        %parallel_loop3A_442 = arith.constant 2 : i32
        %parallel_loop3A_443 = arith.addi %parallel_loop3A_441, %parallel_loop3A_442 : i32
        %parallel_loop3A_444 = arith.constant 16 : i32
        %parallel_loop3A_445 = arith.muli %parallel_loop3A_443, %parallel_loop3A_444 : i32
        %parallel_loop3A_446 = arith.index_cast %parallel_loop3A_445 : i32 to index
        %parallel_loop3A_447 = tpu.vector_load %arg4[%parallel_loop3A_446] {strides = array<i32>} : memref<32768xf32, #tpu.memory_space<vmem>>, vector<16xf32>,
        %parallel_loop3A_448 = vector.bitcast %parallel_loop3A_447 : vector<16xf32> to vector<16xi32>
        %parallel_loop3A_449 = arith.constant 0 : i32
        %parallel_loop3A_450 = vector.broadcast %parallel_loop3A_449 : i32 to vector<16xi32>
        %parallel_loop3A_451 = arith.cmpi slt, %parallel_loop3A_448, %parallel_loop3A_450 : vector<16xi32>
        %parallel_loop3A_452 = arith.constant 2147483647 : i32
        %parallel_loop3A_453 = vector.broadcast %parallel_loop3A_452 : i32 to vector<16xi32>
        %parallel_loop3A_454 = arith.xori %parallel_loop3A_448, %parallel_loop3A_453 : vector<16xi32>
        %parallel_loop3A_455 = arith.select %parallel_loop3A_451, %parallel_loop3A_454, %parallel_loop3A_448 : vector<16xi1>, vector<16xi32>
        %parallel_loop3A_456 = vector.bitcast %parallel_loop3A_455 : vector<16xi32> to vector<16xf32>
        %parallel_loop3A_457 = arith.constant 16 : i32
        %parallel_loop3A_458 = arith.muli %parallel_loop3A_443, %parallel_loop3A_457 : i32
        %parallel_loop3A_459 = arith.index_cast %parallel_loop3A_458 : i32 to index
        %parallel_loop3A_460 = tpu.vector_load %arg4[%parallel_loop3A_459] {strides = array<i32>} : memref<32768xf32, #tpu.memory_space<vmem>>, vector<16xf32>,
        tpu.vector_store %arg4[%parallel_loop3A_459], %parallel_loop3A_456 {strides = array<i32>} : memref<32768xf32, #tpu.memory_space<vmem>>, vector<16xf32>,
        %parallel_loop3A_461 = arith.constant 24 : i32
        %parallel_loop3A_462 = vector.broadcast %parallel_loop3A_461 : i32 to vector<16xi32>
        %parallel_loop3A_463 = arith.shrsi %parallel_loop3A_455, %parallel_loop3A_462 : vector<16xi32>
        %parallel_loop3A_464 = arith.constant 128 : i32
        %parallel_loop3A_465 = vector.broadcast %parallel_loop3A_464 : i32 to vector<16xi32>
        %parallel_loop3A_466 = arith.addi %parallel_loop3A_463, %parallel_loop3A_465 : vector<16xi32>
        %parallel_loop3A_467 = arith.constant 16 : i32
        %parallel_loop3A_468 = vector.broadcast %parallel_loop3A_467 : i32 to vector<16xi32>
        %parallel_loop3A_469 = arith.muli %parallel_loop3A_466, %parallel_loop3A_468 : vector<16xi32>
        %parallel_loop3A_470 = arith.constant 8192 : i32
        %parallel_loop3A_471 = vector.broadcast %parallel_loop3A_470 : i32 to vector<16xi32>
        %parallel_loop3A_472 = arith.addi %parallel_loop3A_471, %parallel_loop3A_469 : vector<16xi32>
        %parallel_loop3A_473 = arith.addi %parallel_loop3A_472, %iota3A : vector<16xi32>
        tpu.vector_store_idx %arg7[%parallel_loop3A_473], %broadcast_in_dim3A_1 {add = true} : memref<16384xi32, #tpu.memory_space<vmem>>[vector<16xi32>], vector<16xi32>,
        %parallel_loop3A_474 = arith.constant 4 : i32
        %parallel_loop3A_475 = arith.muli %parallel_loop3A_371, %parallel_loop3A_474 : i32
        %parallel_loop3A_476 = arith.constant 3 : i32
        %parallel_loop3A_477 = arith.addi %parallel_loop3A_475, %parallel_loop3A_476 : i32
        %parallel_loop3A_478 = arith.constant 16 : i32
        %parallel_loop3A_479 = arith.muli %parallel_loop3A_477, %parallel_loop3A_478 : i32
        %parallel_loop3A_480 = arith.index_cast %parallel_loop3A_479 : i32 to index
        %parallel_loop3A_481 = tpu.vector_load %arg4[%parallel_loop3A_480] {strides = array<i32>} : memref<32768xf32, #tpu.memory_space<vmem>>, vector<16xf32>,
        %parallel_loop3A_482 = vector.bitcast %parallel_loop3A_481 : vector<16xf32> to vector<16xi32>
        %parallel_loop3A_483 = arith.constant 0 : i32
        %parallel_loop3A_484 = vector.broadcast %parallel_loop3A_483 : i32 to vector<16xi32>
        %parallel_loop3A_485 = arith.cmpi slt, %parallel_loop3A_482, %parallel_loop3A_484 : vector<16xi32>
        %parallel_loop3A_486 = arith.constant 2147483647 : i32
        %parallel_loop3A_487 = vector.broadcast %parallel_loop3A_486 : i32 to vector<16xi32>
        %parallel_loop3A_488 = arith.xori %parallel_loop3A_482, %parallel_loop3A_487 : vector<16xi32>
        %parallel_loop3A_489 = arith.select %parallel_loop3A_485, %parallel_loop3A_488, %parallel_loop3A_482 : vector<16xi1>, vector<16xi32>
        %parallel_loop3A_490 = vector.bitcast %parallel_loop3A_489 : vector<16xi32> to vector<16xf32>
        %parallel_loop3A_491 = arith.constant 16 : i32
        %parallel_loop3A_492 = arith.muli %parallel_loop3A_477, %parallel_loop3A_491 : i32
        %parallel_loop3A_493 = arith.index_cast %parallel_loop3A_492 : i32 to index
        %parallel_loop3A_494 = tpu.vector_load %arg4[%parallel_loop3A_493] {strides = array<i32>} : memref<32768xf32, #tpu.memory_space<vmem>>, vector<16xf32>,
        tpu.vector_store %arg4[%parallel_loop3A_493], %parallel_loop3A_490 {strides = array<i32>} : memref<32768xf32, #tpu.memory_space<vmem>>, vector<16xf32>,
        %parallel_loop3A_495 = arith.constant 24 : i32
        %parallel_loop3A_496 = vector.broadcast %parallel_loop3A_495 : i32 to vector<16xi32>
        %parallel_loop3A_497 = arith.shrsi %parallel_loop3A_489, %parallel_loop3A_496 : vector<16xi32>
        %parallel_loop3A_498 = arith.constant 128 : i32
        %parallel_loop3A_499 = vector.broadcast %parallel_loop3A_498 : i32 to vector<16xi32>
        %parallel_loop3A_500 = arith.addi %parallel_loop3A_497, %parallel_loop3A_499 : vector<16xi32>
        %parallel_loop3A_501 = arith.constant 16 : i32
        %parallel_loop3A_502 = vector.broadcast %parallel_loop3A_501 : i32 to vector<16xi32>
        %parallel_loop3A_503 = arith.muli %parallel_loop3A_500, %parallel_loop3A_502 : vector<16xi32>
        %parallel_loop3A_504 = arith.constant 12288 : i32
        %parallel_loop3A_505 = vector.broadcast %parallel_loop3A_504 : i32 to vector<16xi32>
        %parallel_loop3A_506 = arith.addi %parallel_loop3A_505, %parallel_loop3A_503 : vector<16xi32>
        %parallel_loop3A_507 = arith.addi %parallel_loop3A_506, %iota3A : vector<16xi32>
        tpu.vector_store_idx %arg7[%parallel_loop3A_507], %broadcast_in_dim3A_1 {add = true} : memref<16384xi32, #tpu.memory_space<vmem>>[vector<16xi32>], vector<16xi32>,
      } {sc.loop_unroll_factor = 2 : i64, sc.parallel_access}
      %parallel_loop3A_25 = arith.constant 0 : i32
      %parallel_loop3A_26 = arith.constant 256 : i32
      %parallel_loop3A_27 = arith.constant 1 : i32
      scf.for %parallel_loop3A_371 = %parallel_loop3A_25 to %parallel_loop3A_26 step %parallel_loop3A_27  : i32 {
        %parallel_loop3A_372 = arith.constant 16 : i32
        %parallel_loop3A_373 = arith.muli %parallel_loop3A_371, %parallel_loop3A_372 : i32
        %parallel_loop3A_374 = arith.index_cast %parallel_loop3A_373 : i32 to index
        %parallel_loop3A_375 = tpu.vector_load %arg7[%parallel_loop3A_374] {strides = array<i32>} : memref<16384xi32, #tpu.memory_space<vmem>>, vector<16xi32>,
        %parallel_loop3A_376 = arith.constant 16 : i32
        %parallel_loop3A_377 = arith.muli %parallel_loop3A_371, %parallel_loop3A_376 : i32
        %parallel_loop3A_378 = arith.constant 4096 : i32
        %parallel_loop3A_379 = arith.addi %parallel_loop3A_378, %parallel_loop3A_377 : i32
        %parallel_loop3A_380 = arith.index_cast %parallel_loop3A_379 : i32 to index
        %parallel_loop3A_381 = tpu.vector_load %arg7[%parallel_loop3A_380] {strides = array<i32>} : memref<16384xi32, #tpu.memory_space<vmem>>, vector<16xi32>,
        %parallel_loop3A_382 = arith.addi %parallel_loop3A_375, %parallel_loop3A_381 : vector<16xi32>
        %parallel_loop3A_383 = arith.constant 16 : i32
        %parallel_loop3A_384 = arith.muli %parallel_loop3A_371, %parallel_loop3A_383 : i32
        %parallel_loop3A_385 = arith.constant 8192 : i32
        %parallel_loop3A_386 = arith.addi %parallel_loop3A_385, %parallel_loop3A_384 : i32
        %parallel_loop3A_387 = arith.index_cast %parallel_loop3A_386 : i32 to index
        %parallel_loop3A_388 = tpu.vector_load %arg7[%parallel_loop3A_387] {strides = array<i32>} : memref<16384xi32, #tpu.memory_space<vmem>>, vector<16xi32>,
        %parallel_loop3A_389 = arith.addi %parallel_loop3A_382, %parallel_loop3A_388 : vector<16xi32>
        %parallel_loop3A_390 = arith.constant 16 : i32
        %parallel_loop3A_391 = arith.muli %parallel_loop3A_371, %parallel_loop3A_390 : i32
        %parallel_loop3A_392 = arith.constant 12288 : i32
        %parallel_loop3A_393 = arith.addi %parallel_loop3A_392, %parallel_loop3A_391 : i32
        %parallel_loop3A_394 = arith.index_cast %parallel_loop3A_393 : i32 to index
        %parallel_loop3A_395 = tpu.vector_load %arg7[%parallel_loop3A_394] {strides = array<i32>} : memref<16384xi32, #tpu.memory_space<vmem>>, vector<16xi32>,
        %parallel_loop3A_396 = arith.addi %parallel_loop3A_389, %parallel_loop3A_395 : vector<16xi32>
        %parallel_loop3A_397 = arith.constant 16 : i32
        %parallel_loop3A_398 = arith.muli %parallel_loop3A_371, %parallel_loop3A_397 : i32
        %parallel_loop3A_399 = arith.index_cast %parallel_loop3A_398 : i32 to index
        %parallel_loop3A_400 = tpu.vector_load %arg7[%parallel_loop3A_399] {strides = array<i32>} : memref<16384xi32, #tpu.memory_space<vmem>>, vector<16xi32>,
        tpu.vector_store %arg7[%parallel_loop3A_399], %parallel_loop3A_396 {strides = array<i32>} : memref<16384xi32, #tpu.memory_space<vmem>>, vector<16xi32>,
      } {sc.loop_unroll_factor = 4 : i64, sc.parallel_access}
      %parallel_loop3A_28 = arith.constant 0 : i32
      %parallel_loop3A_29 = arith.constant 256 : i32
      %parallel_loop3A_30 = arith.constant 1 : i32
      scf.for %parallel_loop3A_371 = %parallel_loop3A_28 to %parallel_loop3A_29 step %parallel_loop3A_30  : i32 {
        %parallel_loop3A_372 = arith.constant 16 : i32
        %parallel_loop3A_373 = arith.muli %parallel_loop3A_371, %parallel_loop3A_372 : i32
        %parallel_loop3A_374 = arith.index_cast %parallel_loop3A_373 : i32 to index
        %parallel_loop3A_375 = tpu.vector_load %arg7[%parallel_loop3A_374] {strides = array<i32>} : memref<16384xi32, #tpu.memory_space<vmem>>, vector<16xi32>,
        %parallel_loop3A_376 = arith.constant true
        %parallel_loop3A_377 = vector.broadcast %parallel_loop3A_376 : i1 to vector<16xi1>
        %parallel_loop3A_378 = tpu.scan <sum>, %parallel_loop3A_375 masked %parallel_loop3A_377 : vector<16xi32>, vector<16xi1> -> vector<16xi32>
        %parallel_loop3A_379 = vector.extract %parallel_loop3A_378[15] : i32 from vector<16xi32>
        %parallel_loop3A_380 = vector.broadcast %parallel_loop3A_371 : i32 to vector<16xi32>
        %parallel_loop3A_381 = arith.addi %broadcast_in_dim3A_3, %parallel_loop3A_380 : vector<16xi32>
        %parallel_loop3A_382 = vector.broadcast %parallel_loop3A_379 : i32 to vector<16xi32>
        %parallel_loop3A_383 = arith.addi %broadcast_in_dim3A_3, %parallel_loop3A_382 : vector<16xi32>
        %parallel_loop3A_384 = arith.constant 0 : i32
        %parallel_loop3A_385 = vector.broadcast %parallel_loop3A_384 : i32 to vector<16xi32>
        %parallel_loop3A_386 = arith.cmpi eq, %iota3A, %parallel_loop3A_385 : vector<16xi32>
        tpu.vector_store_idx %arg8[%parallel_loop3A_381], %parallel_loop3A_383 masked %parallel_loop3A_386 : memref<256xi32, #tpu.memory_space<vmem>>[vector<16xi32>], vector<16xi32>, vector<16xi1>
      } {sc.loop_unroll_factor = 4 : i64, sc.parallel_access}
      %scan3A_31 = arith.constant 64 : i32
      %scan3A_32 = arith.constant 0 : i32
      %scan3A_33 = arith.constant -1 : i32
      %scan3A_34 = arith.constant 0 : i32
      %scan3A_35 = arith.constant 16 : i32
      %scan3A_36 = arith.addi %scan3A_34, %scan3A_35 : i32
      %scan3A_37 = arith.constant 1 : i32
      %scan3A_38:2 = scf.for %scan3A_371 = %scan3A_34 to %scan3A_36 step %scan3A_37 iter_args(%scan3A_372 = %scan3A_32, %scan3A_373 = %scan3A_33) -> (i32, i32)  : i32 {
        %sub3A_374 = arith.constant 15 : i32
        %sub3A_375 = arith.subi %sub3A_374, %scan3A_371 : i32
        %mul3A_376 = arith.constant 16 : i32
        %mul3A_377 = arith.muli %sub3A_375, %mul3A_376 : i32
        %get3A_378 = arith.index_cast %mul3A_377 : i32 to index
        %get3A_379 = tpu.vector_load %arg8[%get3A_378] {strides = array<i32>} : memref<256xi32, #tpu.memory_space<vmem>>, vector<16xi32>,
        %rev3A = arith.constant 15 : i32
        %rev3A_380 = vector.broadcast %rev3A : i32 to vector<16xi32>
        %rev3A_381 = tpu.iota {dimensions = array<i32: 0>} : vector<16xi32>
        %rev3A_382 = arith.subi %rev3A_380, %rev3A_381 : vector<16xi32>
        %rev3A_383 = tpu.dynamic_gather %get3A_379[%rev3A_382] in [0] : vector<16xi32>, vector<16xi32> -> vector<16xi32>
        %broadcast_in_dim3A_384 = arith.constant true
        %broadcast_in_dim3A_385 = vector.broadcast %broadcast_in_dim3A_384 : i1 to vector<16xi1>
        %masked_cumsum3A = tpu.scan <sum>, %rev3A_383 masked %broadcast_in_dim3A_385 : vector<16xi32>, vector<16xi1> -> vector<16xi32>
        %rev3A_386 = arith.constant 15 : i32
        %rev3A_387 = vector.broadcast %rev3A_386 : i32 to vector<16xi32>
        %rev3A_388 = tpu.iota {dimensions = array<i32: 0>} : vector<16xi32>
        %rev3A_389 = arith.subi %rev3A_387, %rev3A_388 : vector<16xi32>
        %rev3A_390 = tpu.dynamic_gather %masked_cumsum3A[%rev3A_389] in [0] : vector<16xi32>, vector<16xi32> -> vector<16xi32>
        %add3A_391 = vector.broadcast %scan3A_372 : i32 to vector<16xi32>
        %add3A_392 = arith.addi %rev3A_390, %add3A_391 : vector<16xi32>
        %ge3A = vector.broadcast %scan3A_31 : i32 to vector<16xi32>
        %ge3A_393 = arith.cmpi sge, %add3A_392, %ge3A : vector<16xi32>
        %convert_element_type3A_394 = arith.extui %ge3A_393 : vector<16xi1> to vector<16xi32>
        %reduce_sum3A = arith.constant true
        %reduce_sum3A_395 = vector.broadcast %reduce_sum3A : i1 to vector<16xi1>
        %reduce_sum3A_396 = tpu.scan <sum>, %convert_element_type3A_394 masked %reduce_sum3A_395 : vector<16xi32>, vector<16xi1> -> vector<16xi32>
        %reduce_sum3A_397 = vector.extract %reduce_sum3A_396[15] : i32 from vector<16xi32>
        %lt3A_398 = arith.constant 0 : i32
        %lt3A_399 = arith.cmpi slt, %scan3A_373, %lt3A_398 : i32
        %gt3A_400 = arith.constant 0 : i32
        %gt3A_401 = arith.cmpi sgt, %reduce_sum3A_397, %gt3A_400 : i32
        %and3A_402 = arith.andi %lt3A_399, %gt3A_401 : i1
        %mul3A_403 = arith.constant 16 : i32
        %mul3A_404 = arith.muli %sub3A_375, %mul3A_403 : i32
        %add3A_405 = arith.addi %mul3A_404, %reduce_sum3A_397 : i32
        %sub3A_406 = arith.constant 1 : i32
        %sub3A_407 = arith.subi %add3A_405, %sub3A_406 : i32
        %select_n3A_408 = arith.select %and3A_402, %sub3A_407, %scan3A_373 : i32
        %reduce_sum3A_409 = arith.constant true
        %reduce_sum3A_410 = vector.broadcast %reduce_sum3A_409 : i1 to vector<16xi1>
        %reduce_sum3A_411 = tpu.scan <sum>, %get3A_379 masked %reduce_sum3A_410 : vector<16xi32>, vector<16xi1> -> vector<16xi32>
        %reduce_sum3A_412 = vector.extract %reduce_sum3A_411[15] : i32 from vector<16xi32>
        %add3A_413 = arith.addi %scan3A_372, %reduce_sum3A_412 : i32
        scf.yield %add3A_413, %select_n3A_408 : i32, i32
      }
      %scan3A_39 = arith.constant 16 : i32
      %sub3A = arith.constant 128 : i32
      %sub3A_40 = arith.subi %scan3A_38#1, %sub3A : i32
      %mul3A_41 = arith.constant 16777216 : i32
      %mul3A_42 = arith.muli %sub3A_40, %mul3A_41 : i32
      %parallel_loop3A_43 = arith.constant 0 : i32
      %parallel_loop3A_44 = arith.constant 1024 : i32
      %parallel_loop3A_45 = arith.constant 1 : i32
      %parallel_loop3A_46 = scf.for %parallel_loop3A_371 = %parallel_loop3A_43 to %parallel_loop3A_44 step %parallel_loop3A_45 iter_args(%parallel_loop3A_372 = %broadcast_in_dim3A_3) -> (vector<16xi32>)  : i32 {
        %parallel_loop3A_373 = arith.constant 2 : i32
        %parallel_loop3A_374 = arith.muli %parallel_loop3A_371, %parallel_loop3A_373 : i32
        %parallel_loop3A_375 = arith.constant 0 : i32
        %parallel_loop3A_376 = arith.addi %parallel_loop3A_374, %parallel_loop3A_375 : i32
        %parallel_loop3A_377 = arith.constant 16 : i32
        %parallel_loop3A_378 = arith.muli %parallel_loop3A_376, %parallel_loop3A_377 : i32
        %parallel_loop3A_379 = arith.index_cast %parallel_loop3A_378 : i32 to index
        %parallel_loop3A_380 = tpu.vector_load %arg4[%parallel_loop3A_379] {strides = array<i32>} : memref<32768xf32, #tpu.memory_space<vmem>>, vector<16xf32>,
        %parallel_loop3A_381 = vector.bitcast %parallel_loop3A_380 : vector<16xf32> to vector<16xi32>
        %parallel_loop3A_382 = vector.broadcast %mul3A_42 : i32 to vector<16xi32>
        %parallel_loop3A_383 = arith.cmpi sge, %parallel_loop3A_381, %parallel_loop3A_382 : vector<16xi32>
        %parallel_loop3A_384 = arith.constant 16 : i32
        %parallel_loop3A_385 = arith.muli %parallel_loop3A_376, %parallel_loop3A_384 : i32
        %parallel_loop3A_386 = vector.broadcast %parallel_loop3A_385 : i32 to vector<16xi32>
        %parallel_loop3A_387 = arith.addi %iota3A, %parallel_loop3A_386 : vector<16xi32>
        %parallel_loop3A_388 = arith.extui %parallel_loop3A_383 : vector<16xi1> to vector<16xi32>
        %parallel_loop3A_389 = arith.constant true
        %parallel_loop3A_390 = vector.broadcast %parallel_loop3A_389 : i1 to vector<16xi1>
        %parallel_loop3A_391 = tpu.scan <sum>, %parallel_loop3A_388 masked %parallel_loop3A_390 : vector<16xi32>, vector<16xi1> -> vector<16xi32>
        %parallel_loop3A_392 = arith.addi %parallel_loop3A_372, %parallel_loop3A_391 : vector<16xi32>
        %parallel_loop3A_393 = arith.constant 1 : i32
        %parallel_loop3A_394 = vector.broadcast %parallel_loop3A_393 : i32 to vector<16xi32>
        %parallel_loop3A_395 = arith.subi %parallel_loop3A_392, %parallel_loop3A_394 : vector<16xi32>
        tpu.vector_store_idx %arg5[%parallel_loop3A_395], %parallel_loop3A_387 masked %parallel_loop3A_383 : memref<32768xi32, #tpu.memory_space<vmem>>[vector<16xi32>], vector<16xi32>, vector<16xi1>
        %parallel_loop3A_396 = tpu.all_reduce %parallel_loop3A_383 {dim = 0 : i64, kind = #tpu.reduction_kind<sum>} : vector<16xi1> -> vector<16xi32>
        %parallel_loop3A_397 = arith.addi %parallel_loop3A_372, %parallel_loop3A_396 : vector<16xi32>
        %parallel_loop3A_398 = arith.constant 2 : i32
        %parallel_loop3A_399 = arith.muli %parallel_loop3A_371, %parallel_loop3A_398 : i32
        %parallel_loop3A_400 = arith.constant 1 : i32
        %parallel_loop3A_401 = arith.addi %parallel_loop3A_399, %parallel_loop3A_400 : i32
        %parallel_loop3A_402 = arith.constant 16 : i32
        %parallel_loop3A_403 = arith.muli %parallel_loop3A_401, %parallel_loop3A_402 : i32
        %parallel_loop3A_404 = arith.index_cast %parallel_loop3A_403 : i32 to index
        %parallel_loop3A_405 = tpu.vector_load %arg4[%parallel_loop3A_404] {strides = array<i32>} : memref<32768xf32, #tpu.memory_space<vmem>>, vector<16xf32>,
        %parallel_loop3A_406 = vector.bitcast %parallel_loop3A_405 : vector<16xf32> to vector<16xi32>
        %parallel_loop3A_407 = vector.broadcast %mul3A_42 : i32 to vector<16xi32>
        %parallel_loop3A_408 = arith.cmpi sge, %parallel_loop3A_406, %parallel_loop3A_407 : vector<16xi32>
        %parallel_loop3A_409 = arith.constant 16 : i32
        %parallel_loop3A_410 = arith.muli %parallel_loop3A_401, %parallel_loop3A_409 : i32
        %parallel_loop3A_411 = vector.broadcast %parallel_loop3A_410 : i32 to vector<16xi32>
        %parallel_loop3A_412 = arith.addi %iota3A, %parallel_loop3A_411 : vector<16xi32>
        %parallel_loop3A_413 = arith.extui %parallel_loop3A_408 : vector<16xi1> to vector<16xi32>
        %parallel_loop3A_414 = arith.constant true
        %parallel_loop3A_415 = vector.broadcast %parallel_loop3A_414 : i1 to vector<16xi1>
        %parallel_loop3A_416 = tpu.scan <sum>, %parallel_loop3A_413 masked %parallel_loop3A_415 : vector<16xi32>, vector<16xi1> -> vector<16xi32>
        %parallel_loop3A_417 = arith.addi %parallel_loop3A_397, %parallel_loop3A_416 : vector<16xi32>
        %parallel_loop3A_418 = arith.constant 1 : i32
        %parallel_loop3A_419 = vector.broadcast %parallel_loop3A_418 : i32 to vector<16xi32>
        %parallel_loop3A_420 = arith.subi %parallel_loop3A_417, %parallel_loop3A_419 : vector<16xi32>
        tpu.vector_store_idx %arg5[%parallel_loop3A_420], %parallel_loop3A_412 masked %parallel_loop3A_408 : memref<32768xi32, #tpu.memory_space<vmem>>[vector<16xi32>], vector<16xi32>, vector<16xi1>
        %parallel_loop3A_421 = tpu.all_reduce %parallel_loop3A_408 {dim = 0 : i64, kind = #tpu.reduction_kind<sum>} : vector<16xi1> -> vector<16xi32>
        %parallel_loop3A_422 = arith.addi %parallel_loop3A_397, %parallel_loop3A_421 : vector<16xi32>
        scf.yield %parallel_loop3A_422 : vector<16xi32>
      } {sc.loop_unroll_factor = 2 : i64, sc.parallel_access}
      %reduce_max3A = arith.constant true
      %reduce_max3A_47 = vector.broadcast %reduce_max3A : i1 to vector<16xi1>
      %reduce_max3A_48 = arith.constant -2147483648 : i32
      %reduce_max3A_49 = vector.broadcast %reduce_max3A_48 : i32 to vector<16xi32>
      %reduce_max3A_50 = arith.xori %parallel_loop3A_46, %reduce_max3A_49 : vector<16xi32>
      %reduce_max3A_51 = tpu.scan <max>, %reduce_max3A_50 masked %reduce_max3A_47 : vector<16xi32>, vector<16xi1> -> vector<16xi32>
      %reduce_max3A_52 = arith.xori %reduce_max3A_51, %reduce_max3A_49 : vector<16xi32>
      %reduce_max3A_53 = vector.extract %reduce_max3A_52[15] : i32 from vector<16xi32>
      %parallel_loop3A_54 = arith.constant 0 : i32
      %parallel_loop3A_55 = arith.constant 256 : i32
      %parallel_loop3A_56 = arith.constant 1 : i32
      scf.for %parallel_loop3A_371 = %parallel_loop3A_54 to %parallel_loop3A_55 step %parallel_loop3A_56  : i32 {
        %parallel_loop3A_372 = arith.constant 16 : i32
        %parallel_loop3A_373 = arith.muli %parallel_loop3A_371, %parallel_loop3A_372 : i32
        %parallel_loop3A_374 = arith.index_cast %parallel_loop3A_373 : i32 to index
        %parallel_loop3A_375 = tpu.vector_load %arg7[%parallel_loop3A_374] {strides = array<i32>} : memref<16384xi32, #tpu.memory_space<vmem>>, vector<16xi32>,
        tpu.vector_store %arg7[%parallel_loop3A_374], %broadcast_in_dim3A_3 {strides = array<i32>} : memref<16384xi32, #tpu.memory_space<vmem>>, vector<16xi32>,
      } {sc.loop_unroll_factor = 8 : i64, sc.parallel_access}
      %add3A_57 = arith.constant 16 : i32
      %add3A_58 = arith.addi %reduce_max3A_53, %add3A_57 : i32
      %sub3A_59 = arith.constant 1 : i32
      %sub3A_60 = arith.subi %add3A_58, %sub3A_59 : i32
      %jit3A = arith.constant 16 : i32
      %div3A = arith.divsi %sub3A_60, %jit3A : i32
      %sign3A = arith.constant 0 : i32
      %sign3A_61 = arith.cmpi sgt, %sub3A_60, %sign3A : i32
      %sign3A_62 = arith.extui %sign3A_61 : i1 to i32
      %sign3A_63 = arith.constant 0 : i32
      %sign3A_64 = arith.cmpi slt, %sub3A_60, %sign3A_63 : i32
      %sign3A_65 = arith.extui %sign3A_64 : i1 to i32
      %sign3A_66 = arith.subi %sign3A_62, %sign3A_65 : i32
      %sign3A_67 = arith.constant 0 : i32
      %sign3A_68 = arith.cmpi sgt, %jit3A, %sign3A_67 : i32
      %sign3A_69 = arith.extui %sign3A_68 : i1 to i32
      %sign3A_70 = arith.constant 0 : i32
      %sign3A_71 = arith.cmpi slt, %jit3A, %sign3A_70 : i32
      %sign3A_72 = arith.extui %sign3A_71 : i1 to i32
      %sign3A_73 = arith.subi %sign3A_69, %sign3A_72 : i32
      %ne3A = arith.cmpi ne, %sign3A_66, %sign3A_73 : i32
      %rem3A = arith.remsi %sub3A_60, %jit3A : i32
      %ne3A_74 = arith.constant 0 : i32
      %ne3A_75 = arith.cmpi ne, %rem3A, %ne3A_74 : i32
      %and3A = arith.andi %ne3A, %ne3A_75 : i1
      %sub3A_76 = arith.constant 1 : i32
      %sub3A_77 = arith.subi %div3A, %sub3A_76 : i32
      %select_n3A = arith.select %and3A, %sub3A_77, %div3A : i32
      %while3A = arith.constant 0 : i32
      %while3A_78 = arith.subi %select_n3A, %while3A : i32
      %while3A_79 = arith.addi %while3A, %while3A_78 : i32
      %while3A_80 = arith.constant 1 : i32
      %while3A_81 = arith.divsi %while3A_78, %while3A_80 : i32
      %while3A_82 = arith.muli %while3A_81, %while3A_80 : i32
      %while3A_83 = arith.addi %while3A, %while3A_82 : i32
      %while3A_84 = arith.constant 1 : i32
      %while3A_85 = scf.for %while3A_371 = %while3A to %while3A_83 step %while3A_84 iter_args(%while3A_372 = %broadcast_in_dim3A_3) -> (vector<16xi32>)  : i32 {
        %mul3A_373 = arith.constant 16 : i32
        %mul3A_374 = arith.muli %while3A_371, %mul3A_373 : i32
        %add3A_375 = vector.broadcast %mul3A_374 : i32 to vector<16xi32>
        %add3A_376 = arith.addi %iota3A, %add3A_375 : vector<16xi32>
        %lt3A_377 = vector.broadcast %reduce_max3A_53 : i32 to vector<16xi32>
        %lt3A_378 = arith.cmpi slt, %add3A_376, %lt3A_377 : vector<16xi32>
        %mul3A_379 = arith.constant 16 : i32
        %mul3A_380 = arith.muli %while3A_371, %mul3A_379 : i32
        %get3A_381 = arith.index_cast %mul3A_380 : i32 to index
        %get3A_382 = tpu.vector_load %arg5[%get3A_381] {strides = array<i32>} : memref<32768xi32, #tpu.memory_space<vmem>>, vector<16xi32>,
        %gather3A_383 = tpu.vector_load_idx %arg4[%get3A_382] masked %lt3A_378 : memref<32768xf32, #tpu.memory_space<vmem>>[vector<16xi32>], vector<16xf32>, vector<16xi1>
        %bitcast3A_384 = vector.bitcast %gather3A_383 : vector<16xf32> to vector<16xi32>
        %shift_right_arithmetic3A = arith.constant 24 : i32
        %shift_right_arithmetic3A_385 = vector.broadcast %shift_right_arithmetic3A : i32 to vector<16xi32>
        %shift_right_arithmetic3A_386 = arith.shrsi %bitcast3A_384, %shift_right_arithmetic3A_385 : vector<16xi32>
        %eq3A = vector.broadcast %sub3A_40 : i32 to vector<16xi32>
        %eq3A_387 = arith.cmpi eq, %shift_right_arithmetic3A_386, %eq3A : vector<16xi32>
        %and3A_388 = arith.andi %eq3A_387, %lt3A_378 : vector<16xi1>
        %gt3A_389 = vector.broadcast %sub3A_40 : i32 to vector<16xi32>
        %gt3A_390 = arith.cmpi sgt, %shift_right_arithmetic3A_386, %gt3A_389 : vector<16xi32>
        %and3A_391 = arith.andi %gt3A_390, %lt3A_378 : vector<16xi1>
        %shift_right_arithmetic3A_392 = arith.constant 16 : i32
        %shift_right_arithmetic3A_393 = vector.broadcast %shift_right_arithmetic3A_392 : i32 to vector<16xi32>
        %shift_right_arithmetic3A_394 = arith.shrsi %bitcast3A_384, %shift_right_arithmetic3A_393 : vector<16xi32>
        %and3A_395 = arith.constant 255 : i32
        %and3A_396 = vector.broadcast %and3A_395 : i32 to vector<16xi32>
        %and3A_397 = arith.andi %shift_right_arithmetic3A_394, %and3A_396 : vector<16xi32>
        %add3A_398 = arith.addi %mul3A_6, %and3A_397 : vector<16xi32>
        tpu.vector_store_idx %arg7[%add3A_398], %broadcast_in_dim3A_1 masked %and3A_388 {add = true} : memref<16384xi32, #tpu.memory_space<vmem>>[vector<16xi32>], vector<16xi32>, vector<16xi1>
        %all_reduce_population_count3A = tpu.all_reduce %and3A_391 {dim = 0 : i64, kind = #tpu.reduction_kind<sum>} : vector<16xi1> -> vector<16xi32>
        %add3A_399 = arith.addi %while3A_372, %all_reduce_population_count3A : vector<16xi32>
        scf.yield %add3A_399 : vector<16xi32>
      }
      %while3A_86 = arith.constant 1 : i32
      %while3A_87 = scf.for %while3A_371 = %while3A_83 to %while3A_79 step %while3A_86 iter_args(%while3A_372 = %while3A_85) -> (vector<16xi32>)  : i32 {
        %mul3A_373 = arith.constant 16 : i32
        %mul3A_374 = arith.muli %while3A_371, %mul3A_373 : i32
        %add3A_375 = vector.broadcast %mul3A_374 : i32 to vector<16xi32>
        %add3A_376 = arith.addi %iota3A, %add3A_375 : vector<16xi32>
        %lt3A_377 = vector.broadcast %reduce_max3A_53 : i32 to vector<16xi32>
        %lt3A_378 = arith.cmpi slt, %add3A_376, %lt3A_377 : vector<16xi32>
        %mul3A_379 = arith.constant 16 : i32
        %mul3A_380 = arith.muli %while3A_371, %mul3A_379 : i32
        %get3A_381 = arith.index_cast %mul3A_380 : i32 to index
        %get3A_382 = tpu.vector_load %arg5[%get3A_381] {strides = array<i32>} : memref<32768xi32, #tpu.memory_space<vmem>>, vector<16xi32>,
        %gather3A_383 = tpu.vector_load_idx %arg4[%get3A_382] masked %lt3A_378 : memref<32768xf32, #tpu.memory_space<vmem>>[vector<16xi32>], vector<16xf32>, vector<16xi1>
        %bitcast3A_384 = vector.bitcast %gather3A_383 : vector<16xf32> to vector<16xi32>
        %shift_right_arithmetic3A = arith.constant 24 : i32
        %shift_right_arithmetic3A_385 = vector.broadcast %shift_right_arithmetic3A : i32 to vector<16xi32>
        %shift_right_arithmetic3A_386 = arith.shrsi %bitcast3A_384, %shift_right_arithmetic3A_385 : vector<16xi32>
        %eq3A = vector.broadcast %sub3A_40 : i32 to vector<16xi32>
        %eq3A_387 = arith.cmpi eq, %shift_right_arithmetic3A_386, %eq3A : vector<16xi32>
        %and3A_388 = arith.andi %eq3A_387, %lt3A_378 : vector<16xi1>
        %gt3A_389 = vector.broadcast %sub3A_40 : i32 to vector<16xi32>
        %gt3A_390 = arith.cmpi sgt, %shift_right_arithmetic3A_386, %gt3A_389 : vector<16xi32>
        %and3A_391 = arith.andi %gt3A_390, %lt3A_378 : vector<16xi1>
        %shift_right_arithmetic3A_392 = arith.constant 16 : i32
        %shift_right_arithmetic3A_393 = vector.broadcast %shift_right_arithmetic3A_392 : i32 to vector<16xi32>
        %shift_right_arithmetic3A_394 = arith.shrsi %bitcast3A_384, %shift_right_arithmetic3A_393 : vector<16xi32>
        %and3A_395 = arith.constant 255 : i32
        %and3A_396 = vector.broadcast %and3A_395 : i32 to vector<16xi32>
        %and3A_397 = arith.andi %shift_right_arithmetic3A_394, %and3A_396 : vector<16xi32>
        %add3A_398 = arith.addi %mul3A_6, %and3A_397 : vector<16xi32>
        tpu.vector_store_idx %arg7[%add3A_398], %broadcast_in_dim3A_1 masked %and3A_388 {add = true} : memref<16384xi32, #tpu.memory_space<vmem>>[vector<16xi32>], vector<16xi32>, vector<16xi1>
        %all_reduce_population_count3A = tpu.all_reduce %and3A_391 {dim = 0 : i64, kind = #tpu.reduction_kind<sum>} : vector<16xi1> -> vector<16xi32>
        %add3A_399 = arith.addi %while3A_372, %all_reduce_population_count3A : vector<16xi32>
        scf.yield %add3A_399 : vector<16xi32>
      }
      %parallel_loop3A_88 = arith.constant 0 : i32
      %parallel_loop3A_89 = arith.constant 16 : i32
      %parallel_loop3A_90 = arith.constant 1 : i32
      scf.for %parallel_loop3A_371 = %parallel_loop3A_88 to %parallel_loop3A_89 step %parallel_loop3A_90  : i32 {
        %parallel_loop3A_372 = arith.constant 16 : i32
        %parallel_loop3A_373 = arith.muli %parallel_loop3A_371, %parallel_loop3A_372 : i32
        %parallel_loop3A_374 = arith.constant 0 : i32
        %parallel_loop3A_375 = arith.addi %parallel_loop3A_374, %parallel_loop3A_373 : i32
        %parallel_loop3A_376 = arith.index_cast %parallel_loop3A_375 : i32 to index
        %parallel_loop3A_377 = tpu.vector_load %arg7[%parallel_loop3A_376] {strides = array<i32>} : memref<16384xi32, #tpu.memory_space<vmem>>, vector<16xi32>,
        %parallel_loop3A_378 = arith.addi %broadcast_in_dim3A_3, %parallel_loop3A_377 : vector<16xi32>
        %parallel_loop3A_379 = arith.constant 16 : i32
        %parallel_loop3A_380 = arith.muli %parallel_loop3A_371, %parallel_loop3A_379 : i32
        %parallel_loop3A_381 = arith.constant 256 : i32
        %parallel_loop3A_382 = arith.addi %parallel_loop3A_381, %parallel_loop3A_380 : i32
        %parallel_loop3A_383 = arith.index_cast %parallel_loop3A_382 : i32 to index
        %parallel_loop3A_384 = tpu.vector_load %arg7[%parallel_loop3A_383] {strides = array<i32>} : memref<16384xi32, #tpu.memory_space<vmem>>, vector<16xi32>,
        %parallel_loop3A_385 = arith.addi %parallel_loop3A_378, %parallel_loop3A_384 : vector<16xi32>
        %parallel_loop3A_386 = arith.constant 16 : i32
        %parallel_loop3A_387 = arith.muli %parallel_loop3A_371, %parallel_loop3A_386 : i32
        %parallel_loop3A_388 = arith.constant 512 : i32
        %parallel_loop3A_389 = arith.addi %parallel_loop3A_388, %parallel_loop3A_387 : i32
        %parallel_loop3A_390 = arith.index_cast %parallel_loop3A_389 : i32 to index
        %parallel_loop3A_391 = tpu.vector_load %arg7[%parallel_loop3A_390] {strides = array<i32>} : memref<16384xi32, #tpu.memory_space<vmem>>, vector<16xi32>,
        %parallel_loop3A_392 = arith.addi %parallel_loop3A_385, %parallel_loop3A_391 : vector<16xi32>
        %parallel_loop3A_393 = arith.constant 16 : i32
        %parallel_loop3A_394 = arith.muli %parallel_loop3A_371, %parallel_loop3A_393 : i32
        %parallel_loop3A_395 = arith.constant 768 : i32
        %parallel_loop3A_396 = arith.addi %parallel_loop3A_395, %parallel_loop3A_394 : i32
        %parallel_loop3A_397 = arith.index_cast %parallel_loop3A_396 : i32 to index
        %parallel_loop3A_398 = tpu.vector_load %arg7[%parallel_loop3A_397] {strides = array<i32>} : memref<16384xi32, #tpu.memory_space<vmem>>, vector<16xi32>,
        %parallel_loop3A_399 = arith.addi %parallel_loop3A_392, %parallel_loop3A_398 : vector<16xi32>
        %parallel_loop3A_400 = arith.constant 16 : i32
        %parallel_loop3A_401 = arith.muli %parallel_loop3A_371, %parallel_loop3A_400 : i32
        %parallel_loop3A_402 = arith.constant 1024 : i32
        %parallel_loop3A_403 = arith.addi %parallel_loop3A_402, %parallel_loop3A_401 : i32
        %parallel_loop3A_404 = arith.index_cast %parallel_loop3A_403 : i32 to index
        %parallel_loop3A_405 = tpu.vector_load %arg7[%parallel_loop3A_404] {strides = array<i32>} : memref<16384xi32, #tpu.memory_space<vmem>>, vector<16xi32>,
        %parallel_loop3A_406 = arith.addi %parallel_loop3A_399, %parallel_loop3A_405 : vector<16xi32>
        %parallel_loop3A_407 = arith.constant 16 : i32
        %parallel_loop3A_408 = arith.muli %parallel_loop3A_371, %parallel_loop3A_407 : i32
        %parallel_loop3A_409 = arith.constant 1280 : i32
        %parallel_loop3A_410 = arith.addi %parallel_loop3A_409, %parallel_loop3A_408 : i32
        %parallel_loop3A_411 = arith.index_cast %parallel_loop3A_410 : i32 to index
        %parallel_loop3A_412 = tpu.vector_load %arg7[%parallel_loop3A_411] {strides = array<i32>} : memref<16384xi32, #tpu.memory_space<vmem>>, vector<16xi32>,
        %parallel_loop3A_413 = arith.addi %parallel_loop3A_406, %parallel_loop3A_412 : vector<16xi32>
        %parallel_loop3A_414 = arith.constant 16 : i32
        %parallel_loop3A_415 = arith.muli %parallel_loop3A_371, %parallel_loop3A_414 : i32
        %parallel_loop3A_416 = arith.constant 1536 : i32
        %parallel_loop3A_417 = arith.addi %parallel_loop3A_416, %parallel_loop3A_415 : i32
        %parallel_loop3A_418 = arith.index_cast %parallel_loop3A_417 : i32 to index
        %parallel_loop3A_419 = tpu.vector_load %arg7[%parallel_loop3A_418] {strides = array<i32>} : memref<16384xi32, #tpu.memory_space<vmem>>, vector<16xi32>,
        %parallel_loop3A_420 = arith.addi %parallel_loop3A_413, %parallel_loop3A_419 : vector<16xi32>
        %parallel_loop3A_421 = arith.constant 16 : i32
        %parallel_loop3A_422 = arith.muli %parallel_loop3A_371, %parallel_loop3A_421 : i32
        %parallel_loop3A_423 = arith.constant 1792 : i32
        %parallel_loop3A_424 = arith.addi %parallel_loop3A_423, %parallel_loop3A_422 : i32
        %parallel_loop3A_425 = arith.index_cast %parallel_loop3A_424 : i32 to index
        %parallel_loop3A_426 = tpu.vector_load %arg7[%parallel_loop3A_425] {strides = array<i32>} : memref<16384xi32, #tpu.memory_space<vmem>>, vector<16xi32>,
        %parallel_loop3A_427 = arith.addi %parallel_loop3A_420, %parallel_loop3A_426 : vector<16xi32>
        %parallel_loop3A_428 = arith.constant 16 : i32
        %parallel_loop3A_429 = arith.muli %parallel_loop3A_371, %parallel_loop3A_428 : i32
        %parallel_loop3A_430 = arith.constant 2048 : i32
        %parallel_loop3A_431 = arith.addi %parallel_loop3A_430, %parallel_loop3A_429 : i32
        %parallel_loop3A_432 = arith.index_cast %parallel_loop3A_431 : i32 to index
        %parallel_loop3A_433 = tpu.vector_load %arg7[%parallel_loop3A_432] {strides = array<i32>} : memref<16384xi32, #tpu.memory_space<vmem>>, vector<16xi32>,
        %parallel_loop3A_434 = arith.addi %parallel_loop3A_427, %parallel_loop3A_433 : vector<16xi32>
        %parallel_loop3A_435 = arith.constant 16 : i32
        %parallel_loop3A_436 = arith.muli %parallel_loop3A_371, %parallel_loop3A_435 : i32
        %parallel_loop3A_437 = arith.constant 2304 : i32
        %parallel_loop3A_438 = arith.addi %parallel_loop3A_437, %parallel_loop3A_436 : i32
        %parallel_loop3A_439 = arith.index_cast %parallel_loop3A_438 : i32 to index
        %parallel_loop3A_440 = tpu.vector_load %arg7[%parallel_loop3A_439] {strides = array<i32>} : memref<16384xi32, #tpu.memory_space<vmem>>, vector<16xi32>,
        %parallel_loop3A_441 = arith.addi %parallel_loop3A_434, %parallel_loop3A_440 : vector<16xi32>
        %parallel_loop3A_442 = arith.constant 16 : i32
        %parallel_loop3A_443 = arith.muli %parallel_loop3A_371, %parallel_loop3A_442 : i32
        %parallel_loop3A_444 = arith.constant 2560 : i32
        %parallel_loop3A_445 = arith.addi %parallel_loop3A_444, %parallel_loop3A_443 : i32
        %parallel_loop3A_446 = arith.index_cast %parallel_loop3A_445 : i32 to index
        %parallel_loop3A_447 = tpu.vector_load %arg7[%parallel_loop3A_446] {strides = array<i32>} : memref<16384xi32, #tpu.memory_space<vmem>>, vector<16xi32>,
        %parallel_loop3A_448 = arith.addi %parallel_loop3A_441, %parallel_loop3A_447 : vector<16xi32>
        %parallel_loop3A_449 = arith.constant 16 : i32
        %parallel_loop3A_450 = arith.muli %parallel_loop3A_371, %parallel_loop3A_449 : i32
        %parallel_loop3A_451 = arith.constant 2816 : i32
        %parallel_loop3A_452 = arith.addi %parallel_loop3A_451, %parallel_loop3A_450 : i32
        %parallel_loop3A_453 = arith.index_cast %parallel_loop3A_452 : i32 to index
        %parallel_loop3A_454 = tpu.vector_load %arg7[%parallel_loop3A_453] {strides = array<i32>} : memref<16384xi32, #tpu.memory_space<vmem>>, vector<16xi32>,
        %parallel_loop3A_455 = arith.addi %parallel_loop3A_448, %parallel_loop3A_454 : vector<16xi32>
        %parallel_loop3A_456 = arith.constant 16 : i32
        %parallel_loop3A_457 = arith.muli %parallel_loop3A_371, %parallel_loop3A_456 : i32
        %parallel_loop3A_458 = arith.constant 3072 : i32
        %parallel_loop3A_459 = arith.addi %parallel_loop3A_458, %parallel_loop3A_457 : i32
        %parallel_loop3A_460 = arith.index_cast %parallel_loop3A_459 : i32 to index
        %parallel_loop3A_461 = tpu.vector_load %arg7[%parallel_loop3A_460] {strides = array<i32>} : memref<16384xi32, #tpu.memory_space<vmem>>, vector<16xi32>,
        %parallel_loop3A_462 = arith.addi %parallel_loop3A_455, %parallel_loop3A_461 : vector<16xi32>
        %parallel_loop3A_463 = arith.constant 16 : i32
        %parallel_loop3A_464 = arith.muli %parallel_loop3A_371, %parallel_loop3A_463 : i32
        %parallel_loop3A_465 = arith.constant 3328 : i32
        %parallel_loop3A_466 = arith.addi %parallel_loop3A_465, %parallel_loop3A_464 : i32
        %parallel_loop3A_467 = arith.index_cast %parallel_loop3A_466 : i32 to index
        %parallel_loop3A_468 = tpu.vector_load %arg7[%parallel_loop3A_467] {strides = array<i32>} : memref<16384xi32, #tpu.memory_space<vmem>>, vector<16xi32>,
        %parallel_loop3A_469 = arith.addi %parallel_loop3A_462, %parallel_loop3A_468 : vector<16xi32>
        %parallel_loop3A_470 = arith.constant 16 : i32
        %parallel_loop3A_471 = arith.muli %parallel_loop3A_371, %parallel_loop3A_470 : i32
        %parallel_loop3A_472 = arith.constant 3584 : i32
        %parallel_loop3A_473 = arith.addi %parallel_loop3A_472, %parallel_loop3A_471 : i32
        %parallel_loop3A_474 = arith.index_cast %parallel_loop3A_473 : i32 to index
        %parallel_loop3A_475 = tpu.vector_load %arg7[%parallel_loop3A_474] {strides = array<i32>} : memref<16384xi32, #tpu.memory_space<vmem>>, vector<16xi32>,
        %parallel_loop3A_476 = arith.addi %parallel_loop3A_469, %parallel_loop3A_475 : vector<16xi32>
        %parallel_loop3A_477 = arith.constant 16 : i32
        %parallel_loop3A_478 = arith.muli %parallel_loop3A_371, %parallel_loop3A_477 : i32
        %parallel_loop3A_479 = arith.constant 3840 : i32
        %parallel_loop3A_480 = arith.addi %parallel_loop3A_479, %parallel_loop3A_478 : i32
        %parallel_loop3A_481 = arith.index_cast %parallel_loop3A_480 : i32 to index
        %parallel_loop3A_482 = tpu.vector_load %arg7[%parallel_loop3A_481] {strides = array<i32>} : memref<16384xi32, #tpu.memory_space<vmem>>, vector<16xi32>,
        %parallel_loop3A_483 = arith.addi %parallel_loop3A_476, %parallel_loop3A_482 : vector<16xi32>
        %parallel_loop3A_484 = arith.constant 16 : i32
        %parallel_loop3A_485 = arith.muli %parallel_loop3A_371, %parallel_loop3A_484 : i32
        %parallel_loop3A_486 = arith.index_cast %parallel_loop3A_485 : i32 to index
        %parallel_loop3A_487 = tpu.vector_load %arg8[%parallel_loop3A_486] {strides = array<i32>} : memref<256xi32, #tpu.memory_space<vmem>>, vector<16xi32>,
        tpu.vector_store %arg8[%parallel_loop3A_486], %parallel_loop3A_483 {strides = array<i32>} : memref<256xi32, #tpu.memory_space<vmem>>, vector<16xi32>,
      } {sc.loop_unroll_factor = 2 : i64, sc.parallel_access}
      %reduce_max3A_91 = arith.constant true
      %reduce_max3A_92 = vector.broadcast %reduce_max3A_91 : i1 to vector<16xi1>
      %reduce_max3A_93 = arith.constant -2147483648 : i32
      %reduce_max3A_94 = vector.broadcast %reduce_max3A_93 : i32 to vector<16xi32>
      %reduce_max3A_95 = arith.xori %while3A_87, %reduce_max3A_94 : vector<16xi32>
      %reduce_max3A_96 = tpu.scan <max>, %reduce_max3A_95 masked %reduce_max3A_92 : vector<16xi32>, vector<16xi1> -> vector<16xi32>
      %reduce_max3A_97 = arith.xori %reduce_max3A_96, %reduce_max3A_94 : vector<16xi32>
      %reduce_max3A_98 = vector.extract %reduce_max3A_97[15] : i32 from vector<16xi32>
      %sub3A_99 = arith.constant 64 : i32
      %sub3A_100 = arith.subi %sub3A_99, %reduce_max3A_98 : i32
      %scan3A_101 = arith.constant 0 : i32
      %scan3A_102 = arith.constant -1 : i32
      %scan3A_103 = arith.constant 0 : i32
      %scan3A_104 = arith.constant 16 : i32
      %scan3A_105 = arith.addi %scan3A_103, %scan3A_104 : i32
      %scan3A_106 = arith.constant 1 : i32
      %scan3A_107:2 = scf.for %scan3A_371 = %scan3A_103 to %scan3A_105 step %scan3A_106 iter_args(%scan3A_372 = %scan3A_101, %scan3A_373 = %scan3A_102) -> (i32, i32)  : i32 {
        %sub3A_374 = arith.constant 15 : i32
        %sub3A_375 = arith.subi %sub3A_374, %scan3A_371 : i32
        %mul3A_376 = arith.constant 16 : i32
        %mul3A_377 = arith.muli %sub3A_375, %mul3A_376 : i32
        %get3A_378 = arith.index_cast %mul3A_377 : i32 to index
        %get3A_379 = tpu.vector_load %arg8[%get3A_378] {strides = array<i32>} : memref<256xi32, #tpu.memory_space<vmem>>, vector<16xi32>,
        %rev3A = arith.constant 15 : i32
        %rev3A_380 = vector.broadcast %rev3A : i32 to vector<16xi32>
        %rev3A_381 = tpu.iota {dimensions = array<i32: 0>} : vector<16xi32>
        %rev3A_382 = arith.subi %rev3A_380, %rev3A_381 : vector<16xi32>
        %rev3A_383 = tpu.dynamic_gather %get3A_379[%rev3A_382] in [0] : vector<16xi32>, vector<16xi32> -> vector<16xi32>
        %broadcast_in_dim3A_384 = arith.constant true
        %broadcast_in_dim3A_385 = vector.broadcast %broadcast_in_dim3A_384 : i1 to vector<16xi1>
        %masked_cumsum3A = tpu.scan <sum>, %rev3A_383 masked %broadcast_in_dim3A_385 : vector<16xi32>, vector<16xi1> -> vector<16xi32>
        %rev3A_386 = arith.constant 15 : i32
        %rev3A_387 = vector.broadcast %rev3A_386 : i32 to vector<16xi32>
        %rev3A_388 = tpu.iota {dimensions = array<i32: 0>} : vector<16xi32>
        %rev3A_389 = arith.subi %rev3A_387, %rev3A_388 : vector<16xi32>
        %rev3A_390 = tpu.dynamic_gather %masked_cumsum3A[%rev3A_389] in [0] : vector<16xi32>, vector<16xi32> -> vector<16xi32>
        %add3A_391 = vector.broadcast %scan3A_372 : i32 to vector<16xi32>
        %add3A_392 = arith.addi %rev3A_390, %add3A_391 : vector<16xi32>
        %ge3A = vector.broadcast %sub3A_100 : i32 to vector<16xi32>
        %ge3A_393 = arith.cmpi sge, %add3A_392, %ge3A : vector<16xi32>
        %convert_element_type3A_394 = arith.extui %ge3A_393 : vector<16xi1> to vector<16xi32>
        %reduce_sum3A = arith.constant true
        %reduce_sum3A_395 = vector.broadcast %reduce_sum3A : i1 to vector<16xi1>
        %reduce_sum3A_396 = tpu.scan <sum>, %convert_element_type3A_394 masked %reduce_sum3A_395 : vector<16xi32>, vector<16xi1> -> vector<16xi32>
        %reduce_sum3A_397 = vector.extract %reduce_sum3A_396[15] : i32 from vector<16xi32>
        %lt3A_398 = arith.constant 0 : i32
        %lt3A_399 = arith.cmpi slt, %scan3A_373, %lt3A_398 : i32
        %gt3A_400 = arith.constant 0 : i32
        %gt3A_401 = arith.cmpi sgt, %reduce_sum3A_397, %gt3A_400 : i32
        %and3A_402 = arith.andi %lt3A_399, %gt3A_401 : i1
        %mul3A_403 = arith.constant 16 : i32
        %mul3A_404 = arith.muli %sub3A_375, %mul3A_403 : i32
        %add3A_405 = arith.addi %mul3A_404, %reduce_sum3A_397 : i32
        %sub3A_406 = arith.constant 1 : i32
        %sub3A_407 = arith.subi %add3A_405, %sub3A_406 : i32
        %select_n3A_408 = arith.select %and3A_402, %sub3A_407, %scan3A_373 : i32
        %reduce_sum3A_409 = arith.constant true
        %reduce_sum3A_410 = vector.broadcast %reduce_sum3A_409 : i1 to vector<16xi1>
        %reduce_sum3A_411 = tpu.scan <sum>, %get3A_379 masked %reduce_sum3A_410 : vector<16xi32>, vector<16xi1> -> vector<16xi32>
        %reduce_sum3A_412 = vector.extract %reduce_sum3A_411[15] : i32 from vector<16xi32>
        %add3A_413 = arith.addi %scan3A_372, %reduce_sum3A_412 : i32
        scf.yield %add3A_413, %select_n3A_408 : i32, i32
      }
      %scan3A_108 = arith.constant 16 : i32
      %mul3A_109 = arith.constant 256 : i32
      %mul3A_110 = arith.muli %sub3A_40, %mul3A_109 : i32
      %add3A_111 = arith.addi %mul3A_110, %scan3A_107#1 : i32
      %parallel_loop3A_112 = arith.constant 0 : i32
      %parallel_loop3A_113 = arith.constant 256 : i32
      %parallel_loop3A_114 = arith.constant 1 : i32
      scf.for %parallel_loop3A_371 = %parallel_loop3A_112 to %parallel_loop3A_113 step %parallel_loop3A_114  : i32 {
        %parallel_loop3A_372 = arith.constant 16 : i32
        %parallel_loop3A_373 = arith.muli %parallel_loop3A_371, %parallel_loop3A_372 : i32
        %parallel_loop3A_374 = arith.index_cast %parallel_loop3A_373 : i32 to index
        %parallel_loop3A_375 = tpu.vector_load %arg7[%parallel_loop3A_374] {strides = array<i32>} : memref<16384xi32, #tpu.memory_space<vmem>>, vector<16xi32>,
        tpu.vector_store %arg7[%parallel_loop3A_374], %broadcast_in_dim3A_3 {strides = array<i32>} : memref<16384xi32, #tpu.memory_space<vmem>>, vector<16xi32>,
      } {sc.loop_unroll_factor = 8 : i64, sc.parallel_access}
      %add3A_115 = arith.constant 16 : i32
      %add3A_116 = arith.addi %reduce_max3A_53, %add3A_115 : i32
      %sub3A_117 = arith.constant 1 : i32
      %sub3A_118 = arith.subi %add3A_116, %sub3A_117 : i32
      %jit3A_119 = arith.constant 16 : i32
      %div3A_120 = arith.divsi %sub3A_118, %jit3A_119 : i32
      %sign3A_121 = arith.constant 0 : i32
      %sign3A_122 = arith.cmpi sgt, %sub3A_118, %sign3A_121 : i32
      %sign3A_123 = arith.extui %sign3A_122 : i1 to i32
      %sign3A_124 = arith.constant 0 : i32
      %sign3A_125 = arith.cmpi slt, %sub3A_118, %sign3A_124 : i32
      %sign3A_126 = arith.extui %sign3A_125 : i1 to i32
      %sign3A_127 = arith.subi %sign3A_123, %sign3A_126 : i32
      %sign3A_128 = arith.constant 0 : i32
      %sign3A_129 = arith.cmpi sgt, %jit3A_119, %sign3A_128 : i32
      %sign3A_130 = arith.extui %sign3A_129 : i1 to i32
      %sign3A_131 = arith.constant 0 : i32
      %sign3A_132 = arith.cmpi slt, %jit3A_119, %sign3A_131 : i32
      %sign3A_133 = arith.extui %sign3A_132 : i1 to i32
      %sign3A_134 = arith.subi %sign3A_130, %sign3A_133 : i32
      %ne3A_135 = arith.cmpi ne, %sign3A_127, %sign3A_134 : i32
      %rem3A_136 = arith.remsi %sub3A_118, %jit3A_119 : i32
      %ne3A_137 = arith.constant 0 : i32
      %ne3A_138 = arith.cmpi ne, %rem3A_136, %ne3A_137 : i32
      %and3A_139 = arith.andi %ne3A_135, %ne3A_138 : i1
      %sub3A_140 = arith.constant 1 : i32
      %sub3A_141 = arith.subi %div3A_120, %sub3A_140 : i32
      %select_n3A_142 = arith.select %and3A_139, %sub3A_141, %div3A_120 : i32
      %while3A_143 = arith.constant 0 : i32
      %while3A_144 = arith.subi %select_n3A_142, %while3A_143 : i32
      %while3A_145 = arith.addi %while3A_143, %while3A_144 : i32
      %while3A_146 = arith.constant 1 : i32
      %while3A_147 = arith.divsi %while3A_144, %while3A_146 : i32
      %while3A_148 = arith.muli %while3A_147, %while3A_146 : i32
      %while3A_149 = arith.addi %while3A_143, %while3A_148 : i32
      %while3A_150 = arith.constant 1 : i32
      %while3A_151:2 = scf.for %while3A_371 = %while3A_143 to %while3A_149 step %while3A_150 iter_args(%while3A_372 = %broadcast_in_dim3A_3, %while3A_373 = %broadcast_in_dim3A_3) -> (vector<16xi32>, vector<16xi32>)  : i32 {
        %mul3A_374 = arith.constant 16 : i32
        %mul3A_375 = arith.muli %while3A_371, %mul3A_374 : i32
        %add3A_376 = vector.broadcast %mul3A_375 : i32 to vector<16xi32>
        %add3A_377 = arith.addi %iota3A, %add3A_376 : vector<16xi32>
        %lt3A_378 = vector.broadcast %reduce_max3A_53 : i32 to vector<16xi32>
        %lt3A_379 = arith.cmpi slt, %add3A_377, %lt3A_378 : vector<16xi32>
        %mul3A_380 = arith.constant 16 : i32
        %mul3A_381 = arith.muli %while3A_371, %mul3A_380 : i32
        %get3A_382 = arith.index_cast %mul3A_381 : i32 to index
        %get3A_383 = tpu.vector_load %arg5[%get3A_382] {strides = array<i32>} : memref<32768xi32, #tpu.memory_space<vmem>>, vector<16xi32>,
        %gather3A_384 = tpu.vector_load_idx %arg4[%get3A_383] masked %lt3A_379 : memref<32768xf32, #tpu.memory_space<vmem>>[vector<16xi32>], vector<16xf32>, vector<16xi1>
        %bitcast3A_385 = vector.bitcast %gather3A_384 : vector<16xf32> to vector<16xi32>
        %shift_right_arithmetic3A = arith.constant 16 : i32
        %shift_right_arithmetic3A_386 = vector.broadcast %shift_right_arithmetic3A : i32 to vector<16xi32>
        %shift_right_arithmetic3A_387 = arith.shrsi %bitcast3A_385, %shift_right_arithmetic3A_386 : vector<16xi32>
        %eq3A = vector.broadcast %add3A_111 : i32 to vector<16xi32>
        %eq3A_388 = arith.cmpi eq, %shift_right_arithmetic3A_387, %eq3A : vector<16xi32>
        %and3A_389 = arith.andi %eq3A_388, %lt3A_379 : vector<16xi1>
        %gt3A_390 = vector.broadcast %add3A_111 : i32 to vector<16xi32>
        %gt3A_391 = arith.cmpi sgt, %shift_right_arithmetic3A_387, %gt3A_390 : vector<16xi32>
        %and3A_392 = arith.andi %gt3A_391, %lt3A_379 : vector<16xi1>
        %shift_right_arithmetic3A_393 = arith.constant 8 : i32
        %shift_right_arithmetic3A_394 = vector.broadcast %shift_right_arithmetic3A_393 : i32 to vector<16xi32>
        %shift_right_arithmetic3A_395 = arith.shrsi %bitcast3A_385, %shift_right_arithmetic3A_394 : vector<16xi32>
        %and3A_396 = arith.constant 255 : i32
        %and3A_397 = vector.broadcast %and3A_396 : i32 to vector<16xi32>
        %and3A_398 = arith.andi %shift_right_arithmetic3A_395, %and3A_397 : vector<16xi32>
        %add3A_399 = arith.addi %mul3A_6, %and3A_398 : vector<16xi32>
        tpu.vector_store_idx %arg7[%add3A_399], %broadcast_in_dim3A_1 masked %and3A_389 {add = true} : memref<16384xi32, #tpu.memory_space<vmem>>[vector<16xi32>], vector<16xi32>, vector<16xi1>
        %all_reduce_population_count3A = tpu.all_reduce %and3A_392 {dim = 0 : i64, kind = #tpu.reduction_kind<sum>} : vector<16xi1> -> vector<16xi32>
        %add3A_400 = arith.addi %while3A_372, %all_reduce_population_count3A : vector<16xi32>
        %or3A = arith.ori %and3A_389, %and3A_392 : vector<16xi1>
        %convert_element_type3A_401 = arith.extui %or3A : vector<16xi1> to vector<16xi32>
        %broadcast_in_dim3A_402 = arith.constant true
        %broadcast_in_dim3A_403 = vector.broadcast %broadcast_in_dim3A_402 : i1 to vector<16xi1>
        %masked_cumsum3A = tpu.scan <sum>, %convert_element_type3A_401 masked %broadcast_in_dim3A_403 : vector<16xi32>, vector<16xi1> -> vector<16xi32>
        %add3A_404 = arith.addi %while3A_373, %masked_cumsum3A : vector<16xi32>
        %sub3A_405 = arith.constant 1 : i32
        %sub3A_406 = vector.broadcast %sub3A_405 : i32 to vector<16xi32>
        %sub3A_407 = arith.subi %add3A_404, %sub3A_406 : vector<16xi32>
        tpu.vector_store_idx %arg6[%sub3A_407], %get3A_383 masked %or3A : memref<32768xi32, #tpu.memory_space<vmem>>[vector<16xi32>], vector<16xi32>, vector<16xi1>
        %all_reduce_population_count3A_408 = tpu.all_reduce %or3A {dim = 0 : i64, kind = #tpu.reduction_kind<sum>} : vector<16xi1> -> vector<16xi32>
        %add3A_409 = arith.addi %while3A_373, %all_reduce_population_count3A_408 : vector<16xi32>
        scf.yield %add3A_400, %add3A_409 : vector<16xi32>, vector<16xi32>
      }
      %while3A_152 = arith.constant 1 : i32
      %while3A_153:2 = scf.for %while3A_371 = %while3A_149 to %while3A_145 step %while3A_152 iter_args(%while3A_372 = %while3A_151#0, %while3A_373 = %while3A_151#1) -> (vector<16xi32>, vector<16xi32>)  : i32 {
        %mul3A_374 = arith.constant 16 : i32
        %mul3A_375 = arith.muli %while3A_371, %mul3A_374 : i32
        %add3A_376 = vector.broadcast %mul3A_375 : i32 to vector<16xi32>
        %add3A_377 = arith.addi %iota3A, %add3A_376 : vector<16xi32>
        %lt3A_378 = vector.broadcast %reduce_max3A_53 : i32 to vector<16xi32>
        %lt3A_379 = arith.cmpi slt, %add3A_377, %lt3A_378 : vector<16xi32>
        %mul3A_380 = arith.constant 16 : i32
        %mul3A_381 = arith.muli %while3A_371, %mul3A_380 : i32
        %get3A_382 = arith.index_cast %mul3A_381 : i32 to index
        %get3A_383 = tpu.vector_load %arg5[%get3A_382] {strides = array<i32>} : memref<32768xi32, #tpu.memory_space<vmem>>, vector<16xi32>,
        %gather3A_384 = tpu.vector_load_idx %arg4[%get3A_383] masked %lt3A_379 : memref<32768xf32, #tpu.memory_space<vmem>>[vector<16xi32>], vector<16xf32>, vector<16xi1>
        %bitcast3A_385 = vector.bitcast %gather3A_384 : vector<16xf32> to vector<16xi32>
        %shift_right_arithmetic3A = arith.constant 16 : i32
        %shift_right_arithmetic3A_386 = vector.broadcast %shift_right_arithmetic3A : i32 to vector<16xi32>
        %shift_right_arithmetic3A_387 = arith.shrsi %bitcast3A_385, %shift_right_arithmetic3A_386 : vector<16xi32>
        %eq3A = vector.broadcast %add3A_111 : i32 to vector<16xi32>
        %eq3A_388 = arith.cmpi eq, %shift_right_arithmetic3A_387, %eq3A : vector<16xi32>
        %and3A_389 = arith.andi %eq3A_388, %lt3A_379 : vector<16xi1>
        %gt3A_390 = vector.broadcast %add3A_111 : i32 to vector<16xi32>
        %gt3A_391 = arith.cmpi sgt, %shift_right_arithmetic3A_387, %gt3A_390 : vector<16xi32>
        %and3A_392 = arith.andi %gt3A_391, %lt3A_379 : vector<16xi1>
        %shift_right_arithmetic3A_393 = arith.constant 8 : i32
        %shift_right_arithmetic3A_394 = vector.broadcast %shift_right_arithmetic3A_393 : i32 to vector<16xi32>
        %shift_right_arithmetic3A_395 = arith.shrsi %bitcast3A_385, %shift_right_arithmetic3A_394 : vector<16xi32>
        %and3A_396 = arith.constant 255 : i32
        %and3A_397 = vector.broadcast %and3A_396 : i32 to vector<16xi32>
        %and3A_398 = arith.andi %shift_right_arithmetic3A_395, %and3A_397 : vector<16xi32>
        %add3A_399 = arith.addi %mul3A_6, %and3A_398 : vector<16xi32>
        tpu.vector_store_idx %arg7[%add3A_399], %broadcast_in_dim3A_1 masked %and3A_389 {add = true} : memref<16384xi32, #tpu.memory_space<vmem>>[vector<16xi32>], vector<16xi32>, vector<16xi1>
        %all_reduce_population_count3A = tpu.all_reduce %and3A_392 {dim = 0 : i64, kind = #tpu.reduction_kind<sum>} : vector<16xi1> -> vector<16xi32>
        %add3A_400 = arith.addi %while3A_372, %all_reduce_population_count3A : vector<16xi32>
        %or3A = arith.ori %and3A_389, %and3A_392 : vector<16xi1>
        %convert_element_type3A_401 = arith.extui %or3A : vector<16xi1> to vector<16xi32>
        %broadcast_in_dim3A_402 = arith.constant true
        %broadcast_in_dim3A_403 = vector.broadcast %broadcast_in_dim3A_402 : i1 to vector<16xi1>
        %masked_cumsum3A = tpu.scan <sum>, %convert_element_type3A_401 masked %broadcast_in_dim3A_403 : vector<16xi32>, vector<16xi1> -> vector<16xi32>
        %add3A_404 = arith.addi %while3A_373, %masked_cumsum3A : vector<16xi32>
        %sub3A_405 = arith.constant 1 : i32
        %sub3A_406 = vector.broadcast %sub3A_405 : i32 to vector<16xi32>
        %sub3A_407 = arith.subi %add3A_404, %sub3A_406 : vector<16xi32>
        tpu.vector_store_idx %arg6[%sub3A_407], %get3A_383 masked %or3A : memref<32768xi32, #tpu.memory_space<vmem>>[vector<16xi32>], vector<16xi32>, vector<16xi1>
        %all_reduce_population_count3A_408 = tpu.all_reduce %or3A {dim = 0 : i64, kind = #tpu.reduction_kind<sum>} : vector<16xi1> -> vector<16xi32>
        %add3A_409 = arith.addi %while3A_373, %all_reduce_population_count3A_408 : vector<16xi32>
        scf.yield %add3A_400, %add3A_409 : vector<16xi32>, vector<16xi32>
      }
      %parallel_loop3A_154 = arith.constant 0 : i32
      %parallel_loop3A_155 = arith.constant 16 : i32
      %parallel_loop3A_156 = arith.constant 1 : i32
      scf.for %parallel_loop3A_371 = %parallel_loop3A_154 to %parallel_loop3A_155 step %parallel_loop3A_156  : i32 {
        %parallel_loop3A_372 = arith.constant 16 : i32
        %parallel_loop3A_373 = arith.muli %parallel_loop3A_371, %parallel_loop3A_372 : i32
        %parallel_loop3A_374 = arith.constant 0 : i32
        %parallel_loop3A_375 = arith.addi %parallel_loop3A_374, %parallel_loop3A_373 : i32
        %parallel_loop3A_376 = arith.index_cast %parallel_loop3A_375 : i32 to index
        %parallel_loop3A_377 = tpu.vector_load %arg7[%parallel_loop3A_376] {strides = array<i32>} : memref<16384xi32, #tpu.memory_space<vmem>>, vector<16xi32>,
        %parallel_loop3A_378 = arith.addi %broadcast_in_dim3A_3, %parallel_loop3A_377 : vector<16xi32>
        %parallel_loop3A_379 = arith.constant 16 : i32
        %parallel_loop3A_380 = arith.muli %parallel_loop3A_371, %parallel_loop3A_379 : i32
        %parallel_loop3A_381 = arith.constant 256 : i32
        %parallel_loop3A_382 = arith.addi %parallel_loop3A_381, %parallel_loop3A_380 : i32
        %parallel_loop3A_383 = arith.index_cast %parallel_loop3A_382 : i32 to index
        %parallel_loop3A_384 = tpu.vector_load %arg7[%parallel_loop3A_383] {strides = array<i32>} : memref<16384xi32, #tpu.memory_space<vmem>>, vector<16xi32>,
        %parallel_loop3A_385 = arith.addi %parallel_loop3A_378, %parallel_loop3A_384 : vector<16xi32>
        %parallel_loop3A_386 = arith.constant 16 : i32
        %parallel_loop3A_387 = arith.muli %parallel_loop3A_371, %parallel_loop3A_386 : i32
        %parallel_loop3A_388 = arith.constant 512 : i32
        %parallel_loop3A_389 = arith.addi %parallel_loop3A_388, %parallel_loop3A_387 : i32
        %parallel_loop3A_390 = arith.index_cast %parallel_loop3A_389 : i32 to index
        %parallel_loop3A_391 = tpu.vector_load %arg7[%parallel_loop3A_390] {strides = array<i32>} : memref<16384xi32, #tpu.memory_space<vmem>>, vector<16xi32>,
        %parallel_loop3A_392 = arith.addi %parallel_loop3A_385, %parallel_loop3A_391 : vector<16xi32>
        %parallel_loop3A_393 = arith.constant 16 : i32
        %parallel_loop3A_394 = arith.muli %parallel_loop3A_371, %parallel_loop3A_393 : i32
        %parallel_loop3A_395 = arith.constant 768 : i32
        %parallel_loop3A_396 = arith.addi %parallel_loop3A_395, %parallel_loop3A_394 : i32
        %parallel_loop3A_397 = arith.index_cast %parallel_loop3A_396 : i32 to index
        %parallel_loop3A_398 = tpu.vector_load %arg7[%parallel_loop3A_397] {strides = array<i32>} : memref<16384xi32, #tpu.memory_space<vmem>>, vector<16xi32>,
        %parallel_loop3A_399 = arith.addi %parallel_loop3A_392, %parallel_loop3A_398 : vector<16xi32>
        %parallel_loop3A_400 = arith.constant 16 : i32
        %parallel_loop3A_401 = arith.muli %parallel_loop3A_371, %parallel_loop3A_400 : i32
        %parallel_loop3A_402 = arith.constant 1024 : i32
        %parallel_loop3A_403 = arith.addi %parallel_loop3A_402, %parallel_loop3A_401 : i32
        %parallel_loop3A_404 = arith.index_cast %parallel_loop3A_403 : i32 to index
        %parallel_loop3A_405 = tpu.vector_load %arg7[%parallel_loop3A_404] {strides = array<i32>} : memref<16384xi32, #tpu.memory_space<vmem>>, vector<16xi32>,
        %parallel_loop3A_406 = arith.addi %parallel_loop3A_399, %parallel_loop3A_405 : vector<16xi32>
        %parallel_loop3A_407 = arith.constant 16 : i32
        %parallel_loop3A_408 = arith.muli %parallel_loop3A_371, %parallel_loop3A_407 : i32
        %parallel_loop3A_409 = arith.constant 1280 : i32
        %parallel_loop3A_410 = arith.addi %parallel_loop3A_409, %parallel_loop3A_408 : i32
        %parallel_loop3A_411 = arith.index_cast %parallel_loop3A_410 : i32 to index
        %parallel_loop3A_412 = tpu.vector_load %arg7[%parallel_loop3A_411] {strides = array<i32>} : memref<16384xi32, #tpu.memory_space<vmem>>, vector<16xi32>,
        %parallel_loop3A_413 = arith.addi %parallel_loop3A_406, %parallel_loop3A_412 : vector<16xi32>
        %parallel_loop3A_414 = arith.constant 16 : i32
        %parallel_loop3A_415 = arith.muli %parallel_loop3A_371, %parallel_loop3A_414 : i32
        %parallel_loop3A_416 = arith.constant 1536 : i32
        %parallel_loop3A_417 = arith.addi %parallel_loop3A_416, %parallel_loop3A_415 : i32
        %parallel_loop3A_418 = arith.index_cast %parallel_loop3A_417 : i32 to index
        %parallel_loop3A_419 = tpu.vector_load %arg7[%parallel_loop3A_418] {strides = array<i32>} : memref<16384xi32, #tpu.memory_space<vmem>>, vector<16xi32>,
        %parallel_loop3A_420 = arith.addi %parallel_loop3A_413, %parallel_loop3A_419 : vector<16xi32>
        %parallel_loop3A_421 = arith.constant 16 : i32
        %parallel_loop3A_422 = arith.muli %parallel_loop3A_371, %parallel_loop3A_421 : i32
        %parallel_loop3A_423 = arith.constant 1792 : i32
        %parallel_loop3A_424 = arith.addi %parallel_loop3A_423, %parallel_loop3A_422 : i32
        %parallel_loop3A_425 = arith.index_cast %parallel_loop3A_424 : i32 to index
        %parallel_loop3A_426 = tpu.vector_load %arg7[%parallel_loop3A_425] {strides = array<i32>} : memref<16384xi32, #tpu.memory_space<vmem>>, vector<16xi32>,
        %parallel_loop3A_427 = arith.addi %parallel_loop3A_420, %parallel_loop3A_426 : vector<16xi32>
        %parallel_loop3A_428 = arith.constant 16 : i32
        %parallel_loop3A_429 = arith.muli %parallel_loop3A_371, %parallel_loop3A_428 : i32
        %parallel_loop3A_430 = arith.constant 2048 : i32
        %parallel_loop3A_431 = arith.addi %parallel_loop3A_430, %parallel_loop3A_429 : i32
        %parallel_loop3A_432 = arith.index_cast %parallel_loop3A_431 : i32 to index
        %parallel_loop3A_433 = tpu.vector_load %arg7[%parallel_loop3A_432] {strides = array<i32>} : memref<16384xi32, #tpu.memory_space<vmem>>, vector<16xi32>,
        %parallel_loop3A_434 = arith.addi %parallel_loop3A_427, %parallel_loop3A_433 : vector<16xi32>
        %parallel_loop3A_435 = arith.constant 16 : i32
        %parallel_loop3A_436 = arith.muli %parallel_loop3A_371, %parallel_loop3A_435 : i32
        %parallel_loop3A_437 = arith.constant 2304 : i32
        %parallel_loop3A_438 = arith.addi %parallel_loop3A_437, %parallel_loop3A_436 : i32
        %parallel_loop3A_439 = arith.index_cast %parallel_loop3A_438 : i32 to index
        %parallel_loop3A_440 = tpu.vector_load %arg7[%parallel_loop3A_439] {strides = array<i32>} : memref<16384xi32, #tpu.memory_space<vmem>>, vector<16xi32>,
        %parallel_loop3A_441 = arith.addi %parallel_loop3A_434, %parallel_loop3A_440 : vector<16xi32>
        %parallel_loop3A_442 = arith.constant 16 : i32
        %parallel_loop3A_443 = arith.muli %parallel_loop3A_371, %parallel_loop3A_442 : i32
        %parallel_loop3A_444 = arith.constant 2560 : i32
        %parallel_loop3A_445 = arith.addi %parallel_loop3A_444, %parallel_loop3A_443 : i32
        %parallel_loop3A_446 = arith.index_cast %parallel_loop3A_445 : i32 to index
        %parallel_loop3A_447 = tpu.vector_load %arg7[%parallel_loop3A_446] {strides = array<i32>} : memref<16384xi32, #tpu.memory_space<vmem>>, vector<16xi32>,
        %parallel_loop3A_448 = arith.addi %parallel_loop3A_441, %parallel_loop3A_447 : vector<16xi32>
        %parallel_loop3A_449 = arith.constant 16 : i32
        %parallel_loop3A_450 = arith.muli %parallel_loop3A_371, %parallel_loop3A_449 : i32
        %parallel_loop3A_451 = arith.constant 2816 : i32
        %parallel_loop3A_452 = arith.addi %parallel_loop3A_451, %parallel_loop3A_450 : i32
        %parallel_loop3A_453 = arith.index_cast %parallel_loop3A_452 : i32 to index
        %parallel_loop3A_454 = tpu.vector_load %arg7[%parallel_loop3A_453] {strides = array<i32>} : memref<16384xi32, #tpu.memory_space<vmem>>, vector<16xi32>,
        %parallel_loop3A_455 = arith.addi %parallel_loop3A_448, %parallel_loop3A_454 : vector<16xi32>
        %parallel_loop3A_456 = arith.constant 16 : i32
        %parallel_loop3A_457 = arith.muli %parallel_loop3A_371, %parallel_loop3A_456 : i32
        %parallel_loop3A_458 = arith.constant 3072 : i32
        %parallel_loop3A_459 = arith.addi %parallel_loop3A_458, %parallel_loop3A_457 : i32
        %parallel_loop3A_460 = arith.index_cast %parallel_loop3A_459 : i32 to index
        %parallel_loop3A_461 = tpu.vector_load %arg7[%parallel_loop3A_460] {strides = array<i32>} : memref<16384xi32, #tpu.memory_space<vmem>>, vector<16xi32>,
        %parallel_loop3A_462 = arith.addi %parallel_loop3A_455, %parallel_loop3A_461 : vector<16xi32>
        %parallel_loop3A_463 = arith.constant 16 : i32
        %parallel_loop3A_464 = arith.muli %parallel_loop3A_371, %parallel_loop3A_463 : i32
        %parallel_loop3A_465 = arith.constant 3328 : i32
        %parallel_loop3A_466 = arith.addi %parallel_loop3A_465, %parallel_loop3A_464 : i32
        %parallel_loop3A_467 = arith.index_cast %parallel_loop3A_466 : i32 to index
        %parallel_loop3A_468 = tpu.vector_load %arg7[%parallel_loop3A_467] {strides = array<i32>} : memref<16384xi32, #tpu.memory_space<vmem>>, vector<16xi32>,
        %parallel_loop3A_469 = arith.addi %parallel_loop3A_462, %parallel_loop3A_468 : vector<16xi32>
        %parallel_loop3A_470 = arith.constant 16 : i32
        %parallel_loop3A_471 = arith.muli %parallel_loop3A_371, %parallel_loop3A_470 : i32
        %parallel_loop3A_472 = arith.constant 3584 : i32
        %parallel_loop3A_473 = arith.addi %parallel_loop3A_472, %parallel_loop3A_471 : i32
        %parallel_loop3A_474 = arith.index_cast %parallel_loop3A_473 : i32 to index
        %parallel_loop3A_475 = tpu.vector_load %arg7[%parallel_loop3A_474] {strides = array<i32>} : memref<16384xi32, #tpu.memory_space<vmem>>, vector<16xi32>,
        %parallel_loop3A_476 = arith.addi %parallel_loop3A_469, %parallel_loop3A_475 : vector<16xi32>
        %parallel_loop3A_477 = arith.constant 16 : i32
        %parallel_loop3A_478 = arith.muli %parallel_loop3A_371, %parallel_loop3A_477 : i32
        %parallel_loop3A_479 = arith.constant 3840 : i32
        %parallel_loop3A_480 = arith.addi %parallel_loop3A_479, %parallel_loop3A_478 : i32
        %parallel_loop3A_481 = arith.index_cast %parallel_loop3A_480 : i32 to index
        %parallel_loop3A_482 = tpu.vector_load %arg7[%parallel_loop3A_481] {strides = array<i32>} : memref<16384xi32, #tpu.memory_space<vmem>>, vector<16xi32>,
        %parallel_loop3A_483 = arith.addi %parallel_loop3A_476, %parallel_loop3A_482 : vector<16xi32>
        %parallel_loop3A_484 = arith.constant 16 : i32
        %parallel_loop3A_485 = arith.muli %parallel_loop3A_371, %parallel_loop3A_484 : i32
        %parallel_loop3A_486 = arith.index_cast %parallel_loop3A_485 : i32 to index
        %parallel_loop3A_487 = tpu.vector_load %arg8[%parallel_loop3A_486] {strides = array<i32>} : memref<256xi32, #tpu.memory_space<vmem>>, vector<16xi32>,
        tpu.vector_store %arg8[%parallel_loop3A_486], %parallel_loop3A_483 {strides = array<i32>} : memref<256xi32, #tpu.memory_space<vmem>>, vector<16xi32>,
      } {sc.loop_unroll_factor = 2 : i64, sc.parallel_access}
      %reduce_max3A_157 = arith.constant true
      %reduce_max3A_158 = vector.broadcast %reduce_max3A_157 : i1 to vector<16xi1>
      %reduce_max3A_159 = arith.constant -2147483648 : i32
      %reduce_max3A_160 = vector.broadcast %reduce_max3A_159 : i32 to vector<16xi32>
      %reduce_max3A_161 = arith.xori %while3A_153#0, %reduce_max3A_160 : vector<16xi32>
      %reduce_max3A_162 = tpu.scan <max>, %reduce_max3A_161 masked %reduce_max3A_158 : vector<16xi32>, vector<16xi1> -> vector<16xi32>
      %reduce_max3A_163 = arith.xori %reduce_max3A_162, %reduce_max3A_160 : vector<16xi32>
      %reduce_max3A_164 = vector.extract %reduce_max3A_163[15] : i32 from vector<16xi32>
      %sub3A_165 = arith.constant 64 : i32
      %sub3A_166 = arith.subi %sub3A_165, %reduce_max3A_164 : i32
      %scan3A_167 = arith.constant 0 : i32
      %scan3A_168 = arith.constant -1 : i32
      %scan3A_169 = arith.constant 0 : i32
      %scan3A_170 = arith.constant 16 : i32
      %scan3A_171 = arith.addi %scan3A_169, %scan3A_170 : i32
      %scan3A_172 = arith.constant 1 : i32
      %scan3A_173:2 = scf.for %scan3A_371 = %scan3A_169 to %scan3A_171 step %scan3A_172 iter_args(%scan3A_372 = %scan3A_167, %scan3A_373 = %scan3A_168) -> (i32, i32)  : i32 {
        %sub3A_374 = arith.constant 15 : i32
        %sub3A_375 = arith.subi %sub3A_374, %scan3A_371 : i32
        %mul3A_376 = arith.constant 16 : i32
        %mul3A_377 = arith.muli %sub3A_375, %mul3A_376 : i32
        %get3A_378 = arith.index_cast %mul3A_377 : i32 to index
        %get3A_379 = tpu.vector_load %arg8[%get3A_378] {strides = array<i32>} : memref<256xi32, #tpu.memory_space<vmem>>, vector<16xi32>,
        %rev3A = arith.constant 15 : i32
        %rev3A_380 = vector.broadcast %rev3A : i32 to vector<16xi32>
        %rev3A_381 = tpu.iota {dimensions = array<i32: 0>} : vector<16xi32>
        %rev3A_382 = arith.subi %rev3A_380, %rev3A_381 : vector<16xi32>
        %rev3A_383 = tpu.dynamic_gather %get3A_379[%rev3A_382] in [0] : vector<16xi32>, vector<16xi32> -> vector<16xi32>
        %broadcast_in_dim3A_384 = arith.constant true
        %broadcast_in_dim3A_385 = vector.broadcast %broadcast_in_dim3A_384 : i1 to vector<16xi1>
        %masked_cumsum3A = tpu.scan <sum>, %rev3A_383 masked %broadcast_in_dim3A_385 : vector<16xi32>, vector<16xi1> -> vector<16xi32>
        %rev3A_386 = arith.constant 15 : i32
        %rev3A_387 = vector.broadcast %rev3A_386 : i32 to vector<16xi32>
        %rev3A_388 = tpu.iota {dimensions = array<i32: 0>} : vector<16xi32>
        %rev3A_389 = arith.subi %rev3A_387, %rev3A_388 : vector<16xi32>
        %rev3A_390 = tpu.dynamic_gather %masked_cumsum3A[%rev3A_389] in [0] : vector<16xi32>, vector<16xi32> -> vector<16xi32>
        %add3A_391 = vector.broadcast %scan3A_372 : i32 to vector<16xi32>
        %add3A_392 = arith.addi %rev3A_390, %add3A_391 : vector<16xi32>
        %ge3A = vector.broadcast %sub3A_166 : i32 to vector<16xi32>
        %ge3A_393 = arith.cmpi sge, %add3A_392, %ge3A : vector<16xi32>
        %convert_element_type3A_394 = arith.extui %ge3A_393 : vector<16xi1> to vector<16xi32>
        %reduce_sum3A = arith.constant true
        %reduce_sum3A_395 = vector.broadcast %reduce_sum3A : i1 to vector<16xi1>
        %reduce_sum3A_396 = tpu.scan <sum>, %convert_element_type3A_394 masked %reduce_sum3A_395 : vector<16xi32>, vector<16xi1> -> vector<16xi32>
        %reduce_sum3A_397 = vector.extract %reduce_sum3A_396[15] : i32 from vector<16xi32>
        %lt3A_398 = arith.constant 0 : i32
        %lt3A_399 = arith.cmpi slt, %scan3A_373, %lt3A_398 : i32
        %gt3A_400 = arith.constant 0 : i32
        %gt3A_401 = arith.cmpi sgt, %reduce_sum3A_397, %gt3A_400 : i32
        %and3A_402 = arith.andi %lt3A_399, %gt3A_401 : i1
        %mul3A_403 = arith.constant 16 : i32
        %mul3A_404 = arith.muli %sub3A_375, %mul3A_403 : i32
        %add3A_405 = arith.addi %mul3A_404, %reduce_sum3A_397 : i32
        %sub3A_406 = arith.constant 1 : i32
        %sub3A_407 = arith.subi %add3A_405, %sub3A_406 : i32
        %select_n3A_408 = arith.select %and3A_402, %sub3A_407, %scan3A_373 : i32
        %reduce_sum3A_409 = arith.constant true
        %reduce_sum3A_410 = vector.broadcast %reduce_sum3A_409 : i1 to vector<16xi1>
        %reduce_sum3A_411 = tpu.scan <sum>, %get3A_379 masked %reduce_sum3A_410 : vector<16xi32>, vector<16xi1> -> vector<16xi32>
        %reduce_sum3A_412 = vector.extract %reduce_sum3A_411[15] : i32 from vector<16xi32>
        %add3A_413 = arith.addi %scan3A_372, %reduce_sum3A_412 : i32
        scf.yield %add3A_413, %select_n3A_408 : i32, i32
      }
      %scan3A_174 = arith.constant 16 : i32
      %mul3A_175 = arith.constant 256 : i32
      %mul3A_176 = arith.muli %add3A_111, %mul3A_175 : i32
      %add3A_177 = arith.addi %mul3A_176, %scan3A_173#1 : i32
      %parallel_loop3A_178 = arith.constant 0 : i32
      %parallel_loop3A_179 = arith.constant 256 : i32
      %parallel_loop3A_180 = arith.constant 1 : i32
      scf.for %parallel_loop3A_371 = %parallel_loop3A_178 to %parallel_loop3A_179 step %parallel_loop3A_180  : i32 {
        %parallel_loop3A_372 = arith.constant 16 : i32
        %parallel_loop3A_373 = arith.muli %parallel_loop3A_371, %parallel_loop3A_372 : i32
        %parallel_loop3A_374 = arith.index_cast %parallel_loop3A_373 : i32 to index
        %parallel_loop3A_375 = tpu.vector_load %arg7[%parallel_loop3A_374] {strides = array<i32>} : memref<16384xi32, #tpu.memory_space<vmem>>, vector<16xi32>,
        tpu.vector_store %arg7[%parallel_loop3A_374], %broadcast_in_dim3A_3 {strides = array<i32>} : memref<16384xi32, #tpu.memory_space<vmem>>, vector<16xi32>,
      } {sc.loop_unroll_factor = 8 : i64, sc.parallel_access}
      %reduce_max3A_181 = arith.constant true
      %reduce_max3A_182 = vector.broadcast %reduce_max3A_181 : i1 to vector<16xi1>
      %reduce_max3A_183 = arith.constant -2147483648 : i32
      %reduce_max3A_184 = vector.broadcast %reduce_max3A_183 : i32 to vector<16xi32>
      %reduce_max3A_185 = arith.xori %while3A_153#1, %reduce_max3A_184 : vector<16xi32>
      %reduce_max3A_186 = tpu.scan <max>, %reduce_max3A_185 masked %reduce_max3A_182 : vector<16xi32>, vector<16xi1> -> vector<16xi32>
      %reduce_max3A_187 = arith.xori %reduce_max3A_186, %reduce_max3A_184 : vector<16xi32>
      %reduce_max3A_188 = vector.extract %reduce_max3A_187[15] : i32 from vector<16xi32>
      %add3A_189 = arith.constant 16 : i32
      %add3A_190 = arith.addi %reduce_max3A_188, %add3A_189 : i32
      %sub3A_191 = arith.constant 1 : i32
      %sub3A_192 = arith.subi %add3A_190, %sub3A_191 : i32
      %jit3A_193 = arith.constant 16 : i32
      %div3A_194 = arith.divsi %sub3A_192, %jit3A_193 : i32
      %sign3A_195 = arith.constant 0 : i32
      %sign3A_196 = arith.cmpi sgt, %sub3A_192, %sign3A_195 : i32
      %sign3A_197 = arith.extui %sign3A_196 : i1 to i32
      %sign3A_198 = arith.constant 0 : i32
      %sign3A_199 = arith.cmpi slt, %sub3A_192, %sign3A_198 : i32
      %sign3A_200 = arith.extui %sign3A_199 : i1 to i32
      %sign3A_201 = arith.subi %sign3A_197, %sign3A_200 : i32
      %sign3A_202 = arith.constant 0 : i32
      %sign3A_203 = arith.cmpi sgt, %jit3A_193, %sign3A_202 : i32
      %sign3A_204 = arith.extui %sign3A_203 : i1 to i32
      %sign3A_205 = arith.constant 0 : i32
      %sign3A_206 = arith.cmpi slt, %jit3A_193, %sign3A_205 : i32
      %sign3A_207 = arith.extui %sign3A_206 : i1 to i32
      %sign3A_208 = arith.subi %sign3A_204, %sign3A_207 : i32
      %ne3A_209 = arith.cmpi ne, %sign3A_201, %sign3A_208 : i32
      %rem3A_210 = arith.remsi %sub3A_192, %jit3A_193 : i32
      %ne3A_211 = arith.constant 0 : i32
      %ne3A_212 = arith.cmpi ne, %rem3A_210, %ne3A_211 : i32
      %and3A_213 = arith.andi %ne3A_209, %ne3A_212 : i1
      %sub3A_214 = arith.constant 1 : i32
      %sub3A_215 = arith.subi %div3A_194, %sub3A_214 : i32
      %select_n3A_216 = arith.select %and3A_213, %sub3A_215, %div3A_194 : i32
      %while3A_217 = arith.constant 0 : i32
      %while3A_218 = arith.subi %select_n3A_216, %while3A_217 : i32
      %while3A_219 = arith.addi %while3A_217, %while3A_218 : i32
      %while3A_220 = arith.constant 1 : i32
      %while3A_221 = arith.divsi %while3A_218, %while3A_220 : i32
      %while3A_222 = arith.muli %while3A_221, %while3A_220 : i32
      %while3A_223 = arith.addi %while3A_217, %while3A_222 : i32
      %while3A_224 = arith.constant 1 : i32
      %while3A_225:2 = scf.for %while3A_371 = %while3A_217 to %while3A_223 step %while3A_224 iter_args(%while3A_372 = %broadcast_in_dim3A_3, %while3A_373 = %broadcast_in_dim3A_3) -> (vector<16xi32>, vector<16xi32>)  : i32 {
        %mul3A_374 = arith.constant 16 : i32
        %mul3A_375 = arith.muli %while3A_371, %mul3A_374 : i32
        %add3A_376 = vector.broadcast %mul3A_375 : i32 to vector<16xi32>
        %add3A_377 = arith.addi %iota3A, %add3A_376 : vector<16xi32>
        %lt3A_378 = vector.broadcast %reduce_max3A_188 : i32 to vector<16xi32>
        %lt3A_379 = arith.cmpi slt, %add3A_377, %lt3A_378 : vector<16xi32>
        %mul3A_380 = arith.constant 16 : i32
        %mul3A_381 = arith.muli %while3A_371, %mul3A_380 : i32
        %get3A_382 = arith.index_cast %mul3A_381 : i32 to index
        %get3A_383 = tpu.vector_load %arg6[%get3A_382] {strides = array<i32>} : memref<32768xi32, #tpu.memory_space<vmem>>, vector<16xi32>,
        %gather3A_384 = tpu.vector_load_idx %arg4[%get3A_383] masked %lt3A_379 : memref<32768xf32, #tpu.memory_space<vmem>>[vector<16xi32>], vector<16xf32>, vector<16xi1>
        %bitcast3A_385 = vector.bitcast %gather3A_384 : vector<16xf32> to vector<16xi32>
        %shift_right_arithmetic3A = arith.constant 8 : i32
        %shift_right_arithmetic3A_386 = vector.broadcast %shift_right_arithmetic3A : i32 to vector<16xi32>
        %shift_right_arithmetic3A_387 = arith.shrsi %bitcast3A_385, %shift_right_arithmetic3A_386 : vector<16xi32>
        %eq3A = vector.broadcast %add3A_177 : i32 to vector<16xi32>
        %eq3A_388 = arith.cmpi eq, %shift_right_arithmetic3A_387, %eq3A : vector<16xi32>
        %and3A_389 = arith.andi %eq3A_388, %lt3A_379 : vector<16xi1>
        %gt3A_390 = vector.broadcast %add3A_177 : i32 to vector<16xi32>
        %gt3A_391 = arith.cmpi sgt, %shift_right_arithmetic3A_387, %gt3A_390 : vector<16xi32>
        %and3A_392 = arith.andi %gt3A_391, %lt3A_379 : vector<16xi1>
        %shift_right_arithmetic3A_393 = arith.constant 0 : i32
        %shift_right_arithmetic3A_394 = vector.broadcast %shift_right_arithmetic3A_393 : i32 to vector<16xi32>
        %shift_right_arithmetic3A_395 = arith.shrsi %bitcast3A_385, %shift_right_arithmetic3A_394 : vector<16xi32>
        %and3A_396 = arith.constant 255 : i32
        %and3A_397 = vector.broadcast %and3A_396 : i32 to vector<16xi32>
        %and3A_398 = arith.andi %shift_right_arithmetic3A_395, %and3A_397 : vector<16xi32>
        %add3A_399 = arith.addi %mul3A_6, %and3A_398 : vector<16xi32>
        tpu.vector_store_idx %arg7[%add3A_399], %broadcast_in_dim3A_1 masked %and3A_389 {add = true} : memref<16384xi32, #tpu.memory_space<vmem>>[vector<16xi32>], vector<16xi32>, vector<16xi1>
        %all_reduce_population_count3A = tpu.all_reduce %and3A_392 {dim = 0 : i64, kind = #tpu.reduction_kind<sum>} : vector<16xi1> -> vector<16xi32>
        %add3A_400 = arith.addi %while3A_372, %all_reduce_population_count3A : vector<16xi32>
        %or3A = arith.ori %and3A_389, %and3A_392 : vector<16xi1>
        %convert_element_type3A_401 = arith.extui %or3A : vector<16xi1> to vector<16xi32>
        %broadcast_in_dim3A_402 = arith.constant true
        %broadcast_in_dim3A_403 = vector.broadcast %broadcast_in_dim3A_402 : i1 to vector<16xi1>
        %masked_cumsum3A = tpu.scan <sum>, %convert_element_type3A_401 masked %broadcast_in_dim3A_403 : vector<16xi32>, vector<16xi1> -> vector<16xi32>
        %add3A_404 = arith.addi %while3A_373, %masked_cumsum3A : vector<16xi32>
        %sub3A_405 = arith.constant 1 : i32
        %sub3A_406 = vector.broadcast %sub3A_405 : i32 to vector<16xi32>
        %sub3A_407 = arith.subi %add3A_404, %sub3A_406 : vector<16xi32>
        tpu.vector_store_idx %arg5[%sub3A_407], %get3A_383 masked %or3A : memref<32768xi32, #tpu.memory_space<vmem>>[vector<16xi32>], vector<16xi32>, vector<16xi1>
        %all_reduce_population_count3A_408 = tpu.all_reduce %or3A {dim = 0 : i64, kind = #tpu.reduction_kind<sum>} : vector<16xi1> -> vector<16xi32>
        %add3A_409 = arith.addi %while3A_373, %all_reduce_population_count3A_408 : vector<16xi32>
        scf.yield %add3A_400, %add3A_409 : vector<16xi32>, vector<16xi32>
      }
      %while3A_226 = arith.constant 1 : i32
      %while3A_227:2 = scf.for %while3A_371 = %while3A_223 to %while3A_219 step %while3A_226 iter_args(%while3A_372 = %while3A_225#0, %while3A_373 = %while3A_225#1) -> (vector<16xi32>, vector<16xi32>)  : i32 {
        %mul3A_374 = arith.constant 16 : i32
        %mul3A_375 = arith.muli %while3A_371, %mul3A_374 : i32
        %add3A_376 = vector.broadcast %mul3A_375 : i32 to vector<16xi32>
        %add3A_377 = arith.addi %iota3A, %add3A_376 : vector<16xi32>
        %lt3A_378 = vector.broadcast %reduce_max3A_188 : i32 to vector<16xi32>
        %lt3A_379 = arith.cmpi slt, %add3A_377, %lt3A_378 : vector<16xi32>
        %mul3A_380 = arith.constant 16 : i32
        %mul3A_381 = arith.muli %while3A_371, %mul3A_380 : i32
        %get3A_382 = arith.index_cast %mul3A_381 : i32 to index
        %get3A_383 = tpu.vector_load %arg6[%get3A_382] {strides = array<i32>} : memref<32768xi32, #tpu.memory_space<vmem>>, vector<16xi32>,
        %gather3A_384 = tpu.vector_load_idx %arg4[%get3A_383] masked %lt3A_379 : memref<32768xf32, #tpu.memory_space<vmem>>[vector<16xi32>], vector<16xf32>, vector<16xi1>
        %bitcast3A_385 = vector.bitcast %gather3A_384 : vector<16xf32> to vector<16xi32>
        %shift_right_arithmetic3A = arith.constant 8 : i32
        %shift_right_arithmetic3A_386 = vector.broadcast %shift_right_arithmetic3A : i32 to vector<16xi32>
        %shift_right_arithmetic3A_387 = arith.shrsi %bitcast3A_385, %shift_right_arithmetic3A_386 : vector<16xi32>
        %eq3A = vector.broadcast %add3A_177 : i32 to vector<16xi32>
        %eq3A_388 = arith.cmpi eq, %shift_right_arithmetic3A_387, %eq3A : vector<16xi32>
        %and3A_389 = arith.andi %eq3A_388, %lt3A_379 : vector<16xi1>
        %gt3A_390 = vector.broadcast %add3A_177 : i32 to vector<16xi32>
        %gt3A_391 = arith.cmpi sgt, %shift_right_arithmetic3A_387, %gt3A_390 : vector<16xi32>
        %and3A_392 = arith.andi %gt3A_391, %lt3A_379 : vector<16xi1>
        %shift_right_arithmetic3A_393 = arith.constant 0 : i32
        %shift_right_arithmetic3A_394 = vector.broadcast %shift_right_arithmetic3A_393 : i32 to vector<16xi32>
        %shift_right_arithmetic3A_395 = arith.shrsi %bitcast3A_385, %shift_right_arithmetic3A_394 : vector<16xi32>
        %and3A_396 = arith.constant 255 : i32
        %and3A_397 = vector.broadcast %and3A_396 : i32 to vector<16xi32>
        %and3A_398 = arith.andi %shift_right_arithmetic3A_395, %and3A_397 : vector<16xi32>
        %add3A_399 = arith.addi %mul3A_6, %and3A_398 : vector<16xi32>
        tpu.vector_store_idx %arg7[%add3A_399], %broadcast_in_dim3A_1 masked %and3A_389 {add = true} : memref<16384xi32, #tpu.memory_space<vmem>>[vector<16xi32>], vector<16xi32>, vector<16xi1>
        %all_reduce_population_count3A = tpu.all_reduce %and3A_392 {dim = 0 : i64, kind = #tpu.reduction_kind<sum>} : vector<16xi1> -> vector<16xi32>
        %add3A_400 = arith.addi %while3A_372, %all_reduce_population_count3A : vector<16xi32>
        %or3A = arith.ori %and3A_389, %and3A_392 : vector<16xi1>
        %convert_element_type3A_401 = arith.extui %or3A : vector<16xi1> to vector<16xi32>
        %broadcast_in_dim3A_402 = arith.constant true
        %broadcast_in_dim3A_403 = vector.broadcast %broadcast_in_dim3A_402 : i1 to vector<16xi1>
        %masked_cumsum3A = tpu.scan <sum>, %convert_element_type3A_401 masked %broadcast_in_dim3A_403 : vector<16xi32>, vector<16xi1> -> vector<16xi32>
        %add3A_404 = arith.addi %while3A_373, %masked_cumsum3A : vector<16xi32>
        %sub3A_405 = arith.constant 1 : i32
        %sub3A_406 = vector.broadcast %sub3A_405 : i32 to vector<16xi32>
        %sub3A_407 = arith.subi %add3A_404, %sub3A_406 : vector<16xi32>
        tpu.vector_store_idx %arg5[%sub3A_407], %get3A_383 masked %or3A : memref<32768xi32, #tpu.memory_space<vmem>>[vector<16xi32>], vector<16xi32>, vector<16xi1>
        %all_reduce_population_count3A_408 = tpu.all_reduce %or3A {dim = 0 : i64, kind = #tpu.reduction_kind<sum>} : vector<16xi1> -> vector<16xi32>
        %add3A_409 = arith.addi %while3A_373, %all_reduce_population_count3A_408 : vector<16xi32>
        scf.yield %add3A_400, %add3A_409 : vector<16xi32>, vector<16xi32>
      }
      %parallel_loop3A_228 = arith.constant 0 : i32
      %parallel_loop3A_229 = arith.constant 16 : i32
      %parallel_loop3A_230 = arith.constant 1 : i32
      scf.for %parallel_loop3A_371 = %parallel_loop3A_228 to %parallel_loop3A_229 step %parallel_loop3A_230  : i32 {
        %parallel_loop3A_372 = arith.constant 16 : i32
        %parallel_loop3A_373 = arith.muli %parallel_loop3A_371, %parallel_loop3A_372 : i32
        %parallel_loop3A_374 = arith.constant 0 : i32
        %parallel_loop3A_375 = arith.addi %parallel_loop3A_374, %parallel_loop3A_373 : i32
        %parallel_loop3A_376 = arith.index_cast %parallel_loop3A_375 : i32 to index
        %parallel_loop3A_377 = tpu.vector_load %arg7[%parallel_loop3A_376] {strides = array<i32>} : memref<16384xi32, #tpu.memory_space<vmem>>, vector<16xi32>,
        %parallel_loop3A_378 = arith.addi %broadcast_in_dim3A_3, %parallel_loop3A_377 : vector<16xi32>
        %parallel_loop3A_379 = arith.constant 16 : i32
        %parallel_loop3A_380 = arith.muli %parallel_loop3A_371, %parallel_loop3A_379 : i32
        %parallel_loop3A_381 = arith.constant 256 : i32
        %parallel_loop3A_382 = arith.addi %parallel_loop3A_381, %parallel_loop3A_380 : i32
        %parallel_loop3A_383 = arith.index_cast %parallel_loop3A_382 : i32 to index
        %parallel_loop3A_384 = tpu.vector_load %arg7[%parallel_loop3A_383] {strides = array<i32>} : memref<16384xi32, #tpu.memory_space<vmem>>, vector<16xi32>,
        %parallel_loop3A_385 = arith.addi %parallel_loop3A_378, %parallel_loop3A_384 : vector<16xi32>
        %parallel_loop3A_386 = arith.constant 16 : i32
        %parallel_loop3A_387 = arith.muli %parallel_loop3A_371, %parallel_loop3A_386 : i32
        %parallel_loop3A_388 = arith.constant 512 : i32
        %parallel_loop3A_389 = arith.addi %parallel_loop3A_388, %parallel_loop3A_387 : i32
        %parallel_loop3A_390 = arith.index_cast %parallel_loop3A_389 : i32 to index
        %parallel_loop3A_391 = tpu.vector_load %arg7[%parallel_loop3A_390] {strides = array<i32>} : memref<16384xi32, #tpu.memory_space<vmem>>, vector<16xi32>,
        %parallel_loop3A_392 = arith.addi %parallel_loop3A_385, %parallel_loop3A_391 : vector<16xi32>
        %parallel_loop3A_393 = arith.constant 16 : i32
        %parallel_loop3A_394 = arith.muli %parallel_loop3A_371, %parallel_loop3A_393 : i32
        %parallel_loop3A_395 = arith.constant 768 : i32
        %parallel_loop3A_396 = arith.addi %parallel_loop3A_395, %parallel_loop3A_394 : i32
        %parallel_loop3A_397 = arith.index_cast %parallel_loop3A_396 : i32 to index
        %parallel_loop3A_398 = tpu.vector_load %arg7[%parallel_loop3A_397] {strides = array<i32>} : memref<16384xi32, #tpu.memory_space<vmem>>, vector<16xi32>,
        %parallel_loop3A_399 = arith.addi %parallel_loop3A_392, %parallel_loop3A_398 : vector<16xi32>
        %parallel_loop3A_400 = arith.constant 16 : i32
        %parallel_loop3A_401 = arith.muli %parallel_loop3A_371, %parallel_loop3A_400 : i32
        %parallel_loop3A_402 = arith.constant 1024 : i32
        %parallel_loop3A_403 = arith.addi %parallel_loop3A_402, %parallel_loop3A_401 : i32
        %parallel_loop3A_404 = arith.index_cast %parallel_loop3A_403 : i32 to index
        %parallel_loop3A_405 = tpu.vector_load %arg7[%parallel_loop3A_404] {strides = array<i32>} : memref<16384xi32, #tpu.memory_space<vmem>>, vector<16xi32>,
        %parallel_loop3A_406 = arith.addi %parallel_loop3A_399, %parallel_loop3A_405 : vector<16xi32>
        %parallel_loop3A_407 = arith.constant 16 : i32
        %parallel_loop3A_408 = arith.muli %parallel_loop3A_371, %parallel_loop3A_407 : i32
        %parallel_loop3A_409 = arith.constant 1280 : i32
        %parallel_loop3A_410 = arith.addi %parallel_loop3A_409, %parallel_loop3A_408 : i32
        %parallel_loop3A_411 = arith.index_cast %parallel_loop3A_410 : i32 to index
        %parallel_loop3A_412 = tpu.vector_load %arg7[%parallel_loop3A_411] {strides = array<i32>} : memref<16384xi32, #tpu.memory_space<vmem>>, vector<16xi32>,
        %parallel_loop3A_413 = arith.addi %parallel_loop3A_406, %parallel_loop3A_412 : vector<16xi32>
        %parallel_loop3A_414 = arith.constant 16 : i32
        %parallel_loop3A_415 = arith.muli %parallel_loop3A_371, %parallel_loop3A_414 : i32
        %parallel_loop3A_416 = arith.constant 1536 : i32
        %parallel_loop3A_417 = arith.addi %parallel_loop3A_416, %parallel_loop3A_415 : i32
        %parallel_loop3A_418 = arith.index_cast %parallel_loop3A_417 : i32 to index
        %parallel_loop3A_419 = tpu.vector_load %arg7[%parallel_loop3A_418] {strides = array<i32>} : memref<16384xi32, #tpu.memory_space<vmem>>, vector<16xi32>,
        %parallel_loop3A_420 = arith.addi %parallel_loop3A_413, %parallel_loop3A_419 : vector<16xi32>
        %parallel_loop3A_421 = arith.constant 16 : i32
        %parallel_loop3A_422 = arith.muli %parallel_loop3A_371, %parallel_loop3A_421 : i32
        %parallel_loop3A_423 = arith.constant 1792 : i32
        %parallel_loop3A_424 = arith.addi %parallel_loop3A_423, %parallel_loop3A_422 : i32
        %parallel_loop3A_425 = arith.index_cast %parallel_loop3A_424 : i32 to index
        %parallel_loop3A_426 = tpu.vector_load %arg7[%parallel_loop3A_425] {strides = array<i32>} : memref<16384xi32, #tpu.memory_space<vmem>>, vector<16xi32>,
        %parallel_loop3A_427 = arith.addi %parallel_loop3A_420, %parallel_loop3A_426 : vector<16xi32>
        %parallel_loop3A_428 = arith.constant 16 : i32
        %parallel_loop3A_429 = arith.muli %parallel_loop3A_371, %parallel_loop3A_428 : i32
        %parallel_loop3A_430 = arith.constant 2048 : i32
        %parallel_loop3A_431 = arith.addi %parallel_loop3A_430, %parallel_loop3A_429 : i32
        %parallel_loop3A_432 = arith.index_cast %parallel_loop3A_431 : i32 to index
        %parallel_loop3A_433 = tpu.vector_load %arg7[%parallel_loop3A_432] {strides = array<i32>} : memref<16384xi32, #tpu.memory_space<vmem>>, vector<16xi32>,
        %parallel_loop3A_434 = arith.addi %parallel_loop3A_427, %parallel_loop3A_433 : vector<16xi32>
        %parallel_loop3A_435 = arith.constant 16 : i32
        %parallel_loop3A_436 = arith.muli %parallel_loop3A_371, %parallel_loop3A_435 : i32
        %parallel_loop3A_437 = arith.constant 2304 : i32
        %parallel_loop3A_438 = arith.addi %parallel_loop3A_437, %parallel_loop3A_436 : i32
        %parallel_loop3A_439 = arith.index_cast %parallel_loop3A_438 : i32 to index
        %parallel_loop3A_440 = tpu.vector_load %arg7[%parallel_loop3A_439] {strides = array<i32>} : memref<16384xi32, #tpu.memory_space<vmem>>, vector<16xi32>,
        %parallel_loop3A_441 = arith.addi %parallel_loop3A_434, %parallel_loop3A_440 : vector<16xi32>
        %parallel_loop3A_442 = arith.constant 16 : i32
        %parallel_loop3A_443 = arith.muli %parallel_loop3A_371, %parallel_loop3A_442 : i32
        %parallel_loop3A_444 = arith.constant 2560 : i32
        %parallel_loop3A_445 = arith.addi %parallel_loop3A_444, %parallel_loop3A_443 : i32
        %parallel_loop3A_446 = arith.index_cast %parallel_loop3A_445 : i32 to index
        %parallel_loop3A_447 = tpu.vector_load %arg7[%parallel_loop3A_446] {strides = array<i32>} : memref<16384xi32, #tpu.memory_space<vmem>>, vector<16xi32>,
        %parallel_loop3A_448 = arith.addi %parallel_loop3A_441, %parallel_loop3A_447 : vector<16xi32>
        %parallel_loop3A_449 = arith.constant 16 : i32
        %parallel_loop3A_450 = arith.muli %parallel_loop3A_371, %parallel_loop3A_449 : i32
        %parallel_loop3A_451 = arith.constant 2816 : i32
        %parallel_loop3A_452 = arith.addi %parallel_loop3A_451, %parallel_loop3A_450 : i32
        %parallel_loop3A_453 = arith.index_cast %parallel_loop3A_452 : i32 to index
        %parallel_loop3A_454 = tpu.vector_load %arg7[%parallel_loop3A_453] {strides = array<i32>} : memref<16384xi32, #tpu.memory_space<vmem>>, vector<16xi32>,
        %parallel_loop3A_455 = arith.addi %parallel_loop3A_448, %parallel_loop3A_454 : vector<16xi32>
        %parallel_loop3A_456 = arith.constant 16 : i32
        %parallel_loop3A_457 = arith.muli %parallel_loop3A_371, %parallel_loop3A_456 : i32
        %parallel_loop3A_458 = arith.constant 3072 : i32
        %parallel_loop3A_459 = arith.addi %parallel_loop3A_458, %parallel_loop3A_457 : i32
        %parallel_loop3A_460 = arith.index_cast %parallel_loop3A_459 : i32 to index
        %parallel_loop3A_461 = tpu.vector_load %arg7[%parallel_loop3A_460] {strides = array<i32>} : memref<16384xi32, #tpu.memory_space<vmem>>, vector<16xi32>,
        %parallel_loop3A_462 = arith.addi %parallel_loop3A_455, %parallel_loop3A_461 : vector<16xi32>
        %parallel_loop3A_463 = arith.constant 16 : i32
        %parallel_loop3A_464 = arith.muli %parallel_loop3A_371, %parallel_loop3A_463 : i32
        %parallel_loop3A_465 = arith.constant 3328 : i32
        %parallel_loop3A_466 = arith.addi %parallel_loop3A_465, %parallel_loop3A_464 : i32
        %parallel_loop3A_467 = arith.index_cast %parallel_loop3A_466 : i32 to index
        %parallel_loop3A_468 = tpu.vector_load %arg7[%parallel_loop3A_467] {strides = array<i32>} : memref<16384xi32, #tpu.memory_space<vmem>>, vector<16xi32>,
        %parallel_loop3A_469 = arith.addi %parallel_loop3A_462, %parallel_loop3A_468 : vector<16xi32>
        %parallel_loop3A_470 = arith.constant 16 : i32
        %parallel_loop3A_471 = arith.muli %parallel_loop3A_371, %parallel_loop3A_470 : i32
        %parallel_loop3A_472 = arith.constant 3584 : i32
        %parallel_loop3A_473 = arith.addi %parallel_loop3A_472, %parallel_loop3A_471 : i32
        %parallel_loop3A_474 = arith.index_cast %parallel_loop3A_473 : i32 to index
        %parallel_loop3A_475 = tpu.vector_load %arg7[%parallel_loop3A_474] {strides = array<i32>} : memref<16384xi32, #tpu.memory_space<vmem>>, vector<16xi32>,
        %parallel_loop3A_476 = arith.addi %parallel_loop3A_469, %parallel_loop3A_475 : vector<16xi32>
        %parallel_loop3A_477 = arith.constant 16 : i32
        %parallel_loop3A_478 = arith.muli %parallel_loop3A_371, %parallel_loop3A_477 : i32
        %parallel_loop3A_479 = arith.constant 3840 : i32
        %parallel_loop3A_480 = arith.addi %parallel_loop3A_479, %parallel_loop3A_478 : i32
        %parallel_loop3A_481 = arith.index_cast %parallel_loop3A_480 : i32 to index
        %parallel_loop3A_482 = tpu.vector_load %arg7[%parallel_loop3A_481] {strides = array<i32>} : memref<16384xi32, #tpu.memory_space<vmem>>, vector<16xi32>,
        %parallel_loop3A_483 = arith.addi %parallel_loop3A_476, %parallel_loop3A_482 : vector<16xi32>
        %parallel_loop3A_484 = arith.constant 16 : i32
        %parallel_loop3A_485 = arith.muli %parallel_loop3A_371, %parallel_loop3A_484 : i32
        %parallel_loop3A_486 = arith.index_cast %parallel_loop3A_485 : i32 to index
        %parallel_loop3A_487 = tpu.vector_load %arg8[%parallel_loop3A_486] {strides = array<i32>} : memref<256xi32, #tpu.memory_space<vmem>>, vector<16xi32>,
        tpu.vector_store %arg8[%parallel_loop3A_486], %parallel_loop3A_483 {strides = array<i32>} : memref<256xi32, #tpu.memory_space<vmem>>, vector<16xi32>,
      } {sc.loop_unroll_factor = 2 : i64, sc.parallel_access}
      %reduce_max3A_231 = arith.constant true
      %reduce_max3A_232 = vector.broadcast %reduce_max3A_231 : i1 to vector<16xi1>
      %reduce_max3A_233 = arith.constant -2147483648 : i32
      %reduce_max3A_234 = vector.broadcast %reduce_max3A_233 : i32 to vector<16xi32>
      %reduce_max3A_235 = arith.xori %while3A_227#0, %reduce_max3A_234 : vector<16xi32>
      %reduce_max3A_236 = tpu.scan <max>, %reduce_max3A_235 masked %reduce_max3A_232 : vector<16xi32>, vector<16xi1> -> vector<16xi32>
      %reduce_max3A_237 = arith.xori %reduce_max3A_236, %reduce_max3A_234 : vector<16xi32>
      %reduce_max3A_238 = vector.extract %reduce_max3A_237[15] : i32 from vector<16xi32>
      %sub3A_239 = arith.constant 64 : i32
      %sub3A_240 = arith.subi %sub3A_239, %reduce_max3A_238 : i32
      %scan3A_241 = arith.constant 0 : i32
      %scan3A_242 = arith.constant -1 : i32
      %scan3A_243 = arith.constant 0 : i32
      %scan3A_244 = arith.constant 16 : i32
      %scan3A_245 = arith.addi %scan3A_243, %scan3A_244 : i32
      %scan3A_246 = arith.constant 1 : i32
      %scan3A_247:2 = scf.for %scan3A_371 = %scan3A_243 to %scan3A_245 step %scan3A_246 iter_args(%scan3A_372 = %scan3A_241, %scan3A_373 = %scan3A_242) -> (i32, i32)  : i32 {
        %sub3A_374 = arith.constant 15 : i32
        %sub3A_375 = arith.subi %sub3A_374, %scan3A_371 : i32
        %mul3A_376 = arith.constant 16 : i32
        %mul3A_377 = arith.muli %sub3A_375, %mul3A_376 : i32
        %get3A_378 = arith.index_cast %mul3A_377 : i32 to index
        %get3A_379 = tpu.vector_load %arg8[%get3A_378] {strides = array<i32>} : memref<256xi32, #tpu.memory_space<vmem>>, vector<16xi32>,
        %rev3A = arith.constant 15 : i32
        %rev3A_380 = vector.broadcast %rev3A : i32 to vector<16xi32>
        %rev3A_381 = tpu.iota {dimensions = array<i32: 0>} : vector<16xi32>
        %rev3A_382 = arith.subi %rev3A_380, %rev3A_381 : vector<16xi32>
        %rev3A_383 = tpu.dynamic_gather %get3A_379[%rev3A_382] in [0] : vector<16xi32>, vector<16xi32> -> vector<16xi32>
        %broadcast_in_dim3A_384 = arith.constant true
        %broadcast_in_dim3A_385 = vector.broadcast %broadcast_in_dim3A_384 : i1 to vector<16xi1>
        %masked_cumsum3A = tpu.scan <sum>, %rev3A_383 masked %broadcast_in_dim3A_385 : vector<16xi32>, vector<16xi1> -> vector<16xi32>
        %rev3A_386 = arith.constant 15 : i32
        %rev3A_387 = vector.broadcast %rev3A_386 : i32 to vector<16xi32>
        %rev3A_388 = tpu.iota {dimensions = array<i32: 0>} : vector<16xi32>
        %rev3A_389 = arith.subi %rev3A_387, %rev3A_388 : vector<16xi32>
        %rev3A_390 = tpu.dynamic_gather %masked_cumsum3A[%rev3A_389] in [0] : vector<16xi32>, vector<16xi32> -> vector<16xi32>
        %add3A_391 = vector.broadcast %scan3A_372 : i32 to vector<16xi32>
        %add3A_392 = arith.addi %rev3A_390, %add3A_391 : vector<16xi32>
        %ge3A = vector.broadcast %sub3A_240 : i32 to vector<16xi32>
        %ge3A_393 = arith.cmpi sge, %add3A_392, %ge3A : vector<16xi32>
        %convert_element_type3A_394 = arith.extui %ge3A_393 : vector<16xi1> to vector<16xi32>
        %reduce_sum3A = arith.constant true
        %reduce_sum3A_395 = vector.broadcast %reduce_sum3A : i1 to vector<16xi1>
        %reduce_sum3A_396 = tpu.scan <sum>, %convert_element_type3A_394 masked %reduce_sum3A_395 : vector<16xi32>, vector<16xi1> -> vector<16xi32>
        %reduce_sum3A_397 = vector.extract %reduce_sum3A_396[15] : i32 from vector<16xi32>
        %lt3A_398 = arith.constant 0 : i32
        %lt3A_399 = arith.cmpi slt, %scan3A_373, %lt3A_398 : i32
        %gt3A_400 = arith.constant 0 : i32
        %gt3A_401 = arith.cmpi sgt, %reduce_sum3A_397, %gt3A_400 : i32
        %and3A_402 = arith.andi %lt3A_399, %gt3A_401 : i1
        %mul3A_403 = arith.constant 16 : i32
        %mul3A_404 = arith.muli %sub3A_375, %mul3A_403 : i32
        %add3A_405 = arith.addi %mul3A_404, %reduce_sum3A_397 : i32
        %sub3A_406 = arith.constant 1 : i32
        %sub3A_407 = arith.subi %add3A_405, %sub3A_406 : i32
        %select_n3A_408 = arith.select %and3A_402, %sub3A_407, %scan3A_373 : i32
        %reduce_sum3A_409 = arith.constant true
        %reduce_sum3A_410 = vector.broadcast %reduce_sum3A_409 : i1 to vector<16xi1>
        %reduce_sum3A_411 = tpu.scan <sum>, %get3A_379 masked %reduce_sum3A_410 : vector<16xi32>, vector<16xi1> -> vector<16xi32>
        %reduce_sum3A_412 = vector.extract %reduce_sum3A_411[15] : i32 from vector<16xi32>
        %add3A_413 = arith.addi %scan3A_372, %reduce_sum3A_412 : i32
        scf.yield %add3A_413, %select_n3A_408 : i32, i32
      }
      %scan3A_248 = arith.constant 16 : i32
      %mul3A_249 = arith.constant 256 : i32
      %mul3A_250 = arith.muli %add3A_177, %mul3A_249 : i32
      %add3A_251 = arith.addi %mul3A_250, %scan3A_247#1 : i32
      %reduce_max3A_252 = arith.constant true
      %reduce_max3A_253 = vector.broadcast %reduce_max3A_252 : i1 to vector<16xi1>
      %reduce_max3A_254 = arith.constant -2147483648 : i32
      %reduce_max3A_255 = vector.broadcast %reduce_max3A_254 : i32 to vector<16xi32>
      %reduce_max3A_256 = arith.xori %while3A_227#1, %reduce_max3A_255 : vector<16xi32>
      %reduce_max3A_257 = tpu.scan <max>, %reduce_max3A_256 masked %reduce_max3A_253 : vector<16xi32>, vector<16xi1> -> vector<16xi32>
      %reduce_max3A_258 = arith.xori %reduce_max3A_257, %reduce_max3A_255 : vector<16xi32>
      %reduce_max3A_259 = vector.extract %reduce_max3A_258[15] : i32 from vector<16xi32>
      %add3A_260 = arith.constant 16 : i32
      %add3A_261 = arith.addi %reduce_max3A_259, %add3A_260 : i32
      %sub3A_262 = arith.constant 1 : i32
      %sub3A_263 = arith.subi %add3A_261, %sub3A_262 : i32
      %jit3A_264 = arith.constant 16 : i32
      %div3A_265 = arith.divsi %sub3A_263, %jit3A_264 : i32
      %sign3A_266 = arith.constant 0 : i32
      %sign3A_267 = arith.cmpi sgt, %sub3A_263, %sign3A_266 : i32
      %sign3A_268 = arith.extui %sign3A_267 : i1 to i32
      %sign3A_269 = arith.constant 0 : i32
      %sign3A_270 = arith.cmpi slt, %sub3A_263, %sign3A_269 : i32
      %sign3A_271 = arith.extui %sign3A_270 : i1 to i32
      %sign3A_272 = arith.subi %sign3A_268, %sign3A_271 : i32
      %sign3A_273 = arith.constant 0 : i32
      %sign3A_274 = arith.cmpi sgt, %jit3A_264, %sign3A_273 : i32
      %sign3A_275 = arith.extui %sign3A_274 : i1 to i32
      %sign3A_276 = arith.constant 0 : i32
      %sign3A_277 = arith.cmpi slt, %jit3A_264, %sign3A_276 : i32
      %sign3A_278 = arith.extui %sign3A_277 : i1 to i32
      %sign3A_279 = arith.subi %sign3A_275, %sign3A_278 : i32
      %ne3A_280 = arith.cmpi ne, %sign3A_272, %sign3A_279 : i32
      %rem3A_281 = arith.remsi %sub3A_263, %jit3A_264 : i32
      %ne3A_282 = arith.constant 0 : i32
      %ne3A_283 = arith.cmpi ne, %rem3A_281, %ne3A_282 : i32
      %and3A_284 = arith.andi %ne3A_280, %ne3A_283 : i1
      %sub3A_285 = arith.constant 1 : i32
      %sub3A_286 = arith.subi %div3A_265, %sub3A_285 : i32
      %select_n3A_287 = arith.select %and3A_284, %sub3A_286, %div3A_265 : i32
      %while3A_288 = arith.constant 0 : i32
      %while3A_289 = arith.subi %select_n3A_287, %while3A_288 : i32
      %while3A_290 = arith.addi %while3A_288, %while3A_289 : i32
      %while3A_291 = arith.constant 1 : i32
      %while3A_292 = arith.divsi %while3A_289, %while3A_291 : i32
      %while3A_293 = arith.muli %while3A_292, %while3A_291 : i32
      %while3A_294 = arith.addi %while3A_288, %while3A_293 : i32
      %while3A_295 = arith.constant 1 : i32
      %while3A_296:2 = scf.for %while3A_371 = %while3A_288 to %while3A_294 step %while3A_295 iter_args(%while3A_372 = %broadcast_in_dim3A_3, %while3A_373 = %broadcast_in_dim3A_3) -> (vector<16xi32>, vector<16xi32>)  : i32 {
        %mul3A_374 = arith.constant 16 : i32
        %mul3A_375 = arith.muli %while3A_371, %mul3A_374 : i32
        %add3A_376 = vector.broadcast %mul3A_375 : i32 to vector<16xi32>
        %add3A_377 = arith.addi %iota3A, %add3A_376 : vector<16xi32>
        %lt3A_378 = vector.broadcast %reduce_max3A_259 : i32 to vector<16xi32>
        %lt3A_379 = arith.cmpi slt, %add3A_377, %lt3A_378 : vector<16xi32>
        %mul3A_380 = arith.constant 16 : i32
        %mul3A_381 = arith.muli %while3A_371, %mul3A_380 : i32
        %get3A_382 = arith.index_cast %mul3A_381 : i32 to index
        %get3A_383 = tpu.vector_load %arg5[%get3A_382] {strides = array<i32>} : memref<32768xi32, #tpu.memory_space<vmem>>, vector<16xi32>,
        %gather3A_384 = tpu.vector_load_idx %arg4[%get3A_383] masked %lt3A_379 : memref<32768xf32, #tpu.memory_space<vmem>>[vector<16xi32>], vector<16xf32>, vector<16xi1>
        %bitcast3A_385 = vector.bitcast %gather3A_384 : vector<16xf32> to vector<16xi32>
        %gt3A_386 = vector.broadcast %add3A_251 : i32 to vector<16xi32>
        %gt3A_387 = arith.cmpi sgt, %bitcast3A_385, %gt3A_386 : vector<16xi32>
        %and3A_388 = arith.andi %gt3A_387, %lt3A_379 : vector<16xi1>
        %eq3A = vector.broadcast %add3A_251 : i32 to vector<16xi32>
        %eq3A_389 = arith.cmpi eq, %bitcast3A_385, %eq3A : vector<16xi32>
        %and3A_390 = arith.andi %eq3A_389, %lt3A_379 : vector<16xi1>
        %convert_element_type3A_391 = arith.extui %and3A_388 : vector<16xi1> to vector<16xi32>
        %broadcast_in_dim3A_392 = arith.constant true
        %broadcast_in_dim3A_393 = vector.broadcast %broadcast_in_dim3A_392 : i1 to vector<16xi1>
        %masked_cumsum3A = tpu.scan <sum>, %convert_element_type3A_391 masked %broadcast_in_dim3A_393 : vector<16xi32>, vector<16xi1> -> vector<16xi32>
        %add3A_394 = arith.addi %while3A_372, %masked_cumsum3A : vector<16xi32>
        %sub3A_395 = arith.constant 1 : i32
        %sub3A_396 = vector.broadcast %sub3A_395 : i32 to vector<16xi32>
        %sub3A_397 = arith.subi %add3A_394, %sub3A_396 : vector<16xi32>
        tpu.vector_store_idx %arg9[%sub3A_397], %get3A_383 masked %and3A_388 : memref<80xi32, #tpu.memory_space<vmem>>[vector<16xi32>], vector<16xi32>, vector<16xi1>
        %convert_element_type3A_398 = arith.extui %and3A_390 : vector<16xi1> to vector<16xi32>
        %broadcast_in_dim3A_399 = arith.constant true
        %broadcast_in_dim3A_400 = vector.broadcast %broadcast_in_dim3A_399 : i1 to vector<16xi1>
        %masked_cumsum3A_401 = tpu.scan <sum>, %convert_element_type3A_398 masked %broadcast_in_dim3A_400 : vector<16xi32>, vector<16xi1> -> vector<16xi32>
        %add3A_402 = arith.addi %while3A_373, %masked_cumsum3A_401 : vector<16xi32>
        %sub3A_403 = arith.constant 1 : i32
        %sub3A_404 = vector.broadcast %sub3A_403 : i32 to vector<16xi32>
        %sub3A_405 = arith.subi %add3A_402, %sub3A_404 : vector<16xi32>
        tpu.vector_store_idx %arg6[%sub3A_405], %get3A_383 masked %and3A_390 : memref<32768xi32, #tpu.memory_space<vmem>>[vector<16xi32>], vector<16xi32>, vector<16xi1>
        %all_reduce_population_count3A = tpu.all_reduce %and3A_388 {dim = 0 : i64, kind = #tpu.reduction_kind<sum>} : vector<16xi1> -> vector<16xi32>
        %add3A_406 = arith.addi %while3A_372, %all_reduce_population_count3A : vector<16xi32>
        %all_reduce_population_count3A_407 = tpu.all_reduce %and3A_390 {dim = 0 : i64, kind = #tpu.reduction_kind<sum>} : vector<16xi1> -> vector<16xi32>
        %add3A_408 = arith.addi %while3A_373, %all_reduce_population_count3A_407 : vector<16xi32>
        scf.yield %add3A_406, %add3A_408 : vector<16xi32>, vector<16xi32>
      }
      %while3A_297 = arith.constant 1 : i32
      %while3A_298:2 = scf.for %while3A_371 = %while3A_294 to %while3A_290 step %while3A_297 iter_args(%while3A_372 = %while3A_296#0, %while3A_373 = %while3A_296#1) -> (vector<16xi32>, vector<16xi32>)  : i32 {
        %mul3A_374 = arith.constant 16 : i32
        %mul3A_375 = arith.muli %while3A_371, %mul3A_374 : i32
        %add3A_376 = vector.broadcast %mul3A_375 : i32 to vector<16xi32>
        %add3A_377 = arith.addi %iota3A, %add3A_376 : vector<16xi32>
        %lt3A_378 = vector.broadcast %reduce_max3A_259 : i32 to vector<16xi32>
        %lt3A_379 = arith.cmpi slt, %add3A_377, %lt3A_378 : vector<16xi32>
        %mul3A_380 = arith.constant 16 : i32
        %mul3A_381 = arith.muli %while3A_371, %mul3A_380 : i32
        %get3A_382 = arith.index_cast %mul3A_381 : i32 to index
        %get3A_383 = tpu.vector_load %arg5[%get3A_382] {strides = array<i32>} : memref<32768xi32, #tpu.memory_space<vmem>>, vector<16xi32>,
        %gather3A_384 = tpu.vector_load_idx %arg4[%get3A_383] masked %lt3A_379 : memref<32768xf32, #tpu.memory_space<vmem>>[vector<16xi32>], vector<16xf32>, vector<16xi1>
        %bitcast3A_385 = vector.bitcast %gather3A_384 : vector<16xf32> to vector<16xi32>
        %gt3A_386 = vector.broadcast %add3A_251 : i32 to vector<16xi32>
        %gt3A_387 = arith.cmpi sgt, %bitcast3A_385, %gt3A_386 : vector<16xi32>
        %and3A_388 = arith.andi %gt3A_387, %lt3A_379 : vector<16xi1>
        %eq3A = vector.broadcast %add3A_251 : i32 to vector<16xi32>
        %eq3A_389 = arith.cmpi eq, %bitcast3A_385, %eq3A : vector<16xi32>
        %and3A_390 = arith.andi %eq3A_389, %lt3A_379 : vector<16xi1>
        %convert_element_type3A_391 = arith.extui %and3A_388 : vector<16xi1> to vector<16xi32>
        %broadcast_in_dim3A_392 = arith.constant true
        %broadcast_in_dim3A_393 = vector.broadcast %broadcast_in_dim3A_392 : i1 to vector<16xi1>
        %masked_cumsum3A = tpu.scan <sum>, %convert_element_type3A_391 masked %broadcast_in_dim3A_393 : vector<16xi32>, vector<16xi1> -> vector<16xi32>
        %add3A_394 = arith.addi %while3A_372, %masked_cumsum3A : vector<16xi32>
        %sub3A_395 = arith.constant 1 : i32
        %sub3A_396 = vector.broadcast %sub3A_395 : i32 to vector<16xi32>
        %sub3A_397 = arith.subi %add3A_394, %sub3A_396 : vector<16xi32>
        tpu.vector_store_idx %arg9[%sub3A_397], %get3A_383 masked %and3A_388 : memref<80xi32, #tpu.memory_space<vmem>>[vector<16xi32>], vector<16xi32>, vector<16xi1>
        %convert_element_type3A_398 = arith.extui %and3A_390 : vector<16xi1> to vector<16xi32>
        %broadcast_in_dim3A_399 = arith.constant true
        %broadcast_in_dim3A_400 = vector.broadcast %broadcast_in_dim3A_399 : i1 to vector<16xi1>
        %masked_cumsum3A_401 = tpu.scan <sum>, %convert_element_type3A_398 masked %broadcast_in_dim3A_400 : vector<16xi32>, vector<16xi1> -> vector<16xi32>
        %add3A_402 = arith.addi %while3A_373, %masked_cumsum3A_401 : vector<16xi32>
        %sub3A_403 = arith.constant 1 : i32
        %sub3A_404 = vector.broadcast %sub3A_403 : i32 to vector<16xi32>
        %sub3A_405 = arith.subi %add3A_402, %sub3A_404 : vector<16xi32>
        tpu.vector_store_idx %arg6[%sub3A_405], %get3A_383 masked %and3A_390 : memref<32768xi32, #tpu.memory_space<vmem>>[vector<16xi32>], vector<16xi32>, vector<16xi1>
        %all_reduce_population_count3A = tpu.all_reduce %and3A_388 {dim = 0 : i64, kind = #tpu.reduction_kind<sum>} : vector<16xi1> -> vector<16xi32>
        %add3A_406 = arith.addi %while3A_372, %all_reduce_population_count3A : vector<16xi32>
        %all_reduce_population_count3A_407 = tpu.all_reduce %and3A_390 {dim = 0 : i64, kind = #tpu.reduction_kind<sum>} : vector<16xi1> -> vector<16xi32>
        %add3A_408 = arith.addi %while3A_373, %all_reduce_population_count3A_407 : vector<16xi32>
        scf.yield %add3A_406, %add3A_408 : vector<16xi32>, vector<16xi32>
      }
      %reduce_max3A_299 = arith.constant true
      %reduce_max3A_300 = vector.broadcast %reduce_max3A_299 : i1 to vector<16xi1>
      %reduce_max3A_301 = arith.constant -2147483648 : i32
      %reduce_max3A_302 = vector.broadcast %reduce_max3A_301 : i32 to vector<16xi32>
      %reduce_max3A_303 = arith.xori %while3A_298#0, %reduce_max3A_302 : vector<16xi32>
      %reduce_max3A_304 = tpu.scan <max>, %reduce_max3A_303 masked %reduce_max3A_300 : vector<16xi32>, vector<16xi1> -> vector<16xi32>
      %reduce_max3A_305 = arith.xori %reduce_max3A_304, %reduce_max3A_302 : vector<16xi32>
      %reduce_max3A_306 = vector.extract %reduce_max3A_305[15] : i32 from vector<16xi32>
      %sub3A_307 = arith.constant 64 : i32
      %sub3A_308 = arith.subi %sub3A_307, %reduce_max3A_306 : i32
      %add3A_309 = arith.constant 16 : i32
      %add3A_310 = arith.addi %sub3A_308, %add3A_309 : i32
      %sub3A_311 = arith.constant 1 : i32
      %sub3A_312 = arith.subi %add3A_310, %sub3A_311 : i32
      %jit3A_313 = arith.constant 16 : i32
      %div3A_314 = arith.divsi %sub3A_312, %jit3A_313 : i32
      %sign3A_315 = arith.constant 0 : i32
      %sign3A_316 = arith.cmpi sgt, %sub3A_312, %sign3A_315 : i32
      %sign3A_317 = arith.extui %sign3A_316 : i1 to i32
      %sign3A_318 = arith.constant 0 : i32
      %sign3A_319 = arith.cmpi slt, %sub3A_312, %sign3A_318 : i32
      %sign3A_320 = arith.extui %sign3A_319 : i1 to i32
      %sign3A_321 = arith.subi %sign3A_317, %sign3A_320 : i32
      %sign3A_322 = arith.constant 0 : i32
      %sign3A_323 = arith.cmpi sgt, %jit3A_313, %sign3A_322 : i32
      %sign3A_324 = arith.extui %sign3A_323 : i1 to i32
      %sign3A_325 = arith.constant 0 : i32
      %sign3A_326 = arith.cmpi slt, %jit3A_313, %sign3A_325 : i32
      %sign3A_327 = arith.extui %sign3A_326 : i1 to i32
      %sign3A_328 = arith.subi %sign3A_324, %sign3A_327 : i32
      %ne3A_329 = arith.cmpi ne, %sign3A_321, %sign3A_328 : i32
      %rem3A_330 = arith.remsi %sub3A_312, %jit3A_313 : i32
      %ne3A_331 = arith.constant 0 : i32
      %ne3A_332 = arith.cmpi ne, %rem3A_330, %ne3A_331 : i32
      %and3A_333 = arith.andi %ne3A_329, %ne3A_332 : i1
      %sub3A_334 = arith.constant 1 : i32
      %sub3A_335 = arith.subi %div3A_314, %sub3A_334 : i32
      %select_n3A_336 = arith.select %and3A_333, %sub3A_335, %div3A_314 : i32
      %while3A_337 = arith.constant 0 : i32
      %while3A_338 = arith.subi %select_n3A_336, %while3A_337 : i32
      %while3A_339 = arith.addi %while3A_337, %while3A_338 : i32
      %while3A_340 = arith.constant 1 : i32
      %while3A_341 = arith.divsi %while3A_338, %while3A_340 : i32
      %while3A_342 = arith.muli %while3A_341, %while3A_340 : i32
      %while3A_343 = arith.addi %while3A_337, %while3A_342 : i32
      %while3A_344 = arith.constant 1 : i32
      %while3A_345 = scf.for %while3A_371 = %while3A_337 to %while3A_343 step %while3A_344 iter_args(%while3A_372 = %while3A_298#0) -> (vector<16xi32>)  : i32 {
        %mul3A_373 = arith.constant 16 : i32
        %mul3A_374 = arith.muli %while3A_371, %mul3A_373 : i32
        %add3A_375 = vector.broadcast %mul3A_374 : i32 to vector<16xi32>
        %add3A_376 = arith.addi %iota3A, %add3A_375 : vector<16xi32>
        %lt3A_377 = vector.broadcast %sub3A_308 : i32 to vector<16xi32>
        %lt3A_378 = arith.cmpi slt, %add3A_376, %lt3A_377 : vector<16xi32>
        %mul3A_379 = arith.constant 16 : i32
        %mul3A_380 = arith.muli %while3A_371, %mul3A_379 : i32
        %get3A_381 = arith.index_cast %mul3A_380 : i32 to index
        %get3A_382 = tpu.vector_load %arg6[%get3A_381] {strides = array<i32>} : memref<32768xi32, #tpu.memory_space<vmem>>, vector<16xi32>,
        %add3A_383 = arith.addi %while3A_372, %iota3A : vector<16xi32>
        tpu.vector_store_idx %arg9[%add3A_383], %get3A_382 masked %lt3A_378 : memref<80xi32, #tpu.memory_space<vmem>>[vector<16xi32>], vector<16xi32>, vector<16xi1>
        %all_reduce_population_count3A = tpu.all_reduce %lt3A_378 {dim = 0 : i64, kind = #tpu.reduction_kind<sum>} : vector<16xi1> -> vector<16xi32>
        %add3A_384 = arith.addi %while3A_372, %all_reduce_population_count3A : vector<16xi32>
        scf.yield %add3A_384 : vector<16xi32>
      }
      %while3A_346 = arith.constant 1 : i32
      %while3A_347 = scf.for %while3A_371 = %while3A_343 to %while3A_339 step %while3A_346 iter_args(%while3A_372 = %while3A_345) -> (vector<16xi32>)  : i32 {
        %mul3A_373 = arith.constant 16 : i32
        %mul3A_374 = arith.muli %while3A_371, %mul3A_373 : i32
        %add3A_375 = vector.broadcast %mul3A_374 : i32 to vector<16xi32>
        %add3A_376 = arith.addi %iota3A, %add3A_375 : vector<16xi32>
        %lt3A_377 = vector.broadcast %sub3A_308 : i32 to vector<16xi32>
        %lt3A_378 = arith.cmpi slt, %add3A_376, %lt3A_377 : vector<16xi32>
        %mul3A_379 = arith.constant 16 : i32
        %mul3A_380 = arith.muli %while3A_371, %mul3A_379 : i32
        %get3A_381 = arith.index_cast %mul3A_380 : i32 to index
        %get3A_382 = tpu.vector_load %arg6[%get3A_381] {strides = array<i32>} : memref<32768xi32, #tpu.memory_space<vmem>>, vector<16xi32>,
        %add3A_383 = arith.addi %while3A_372, %iota3A : vector<16xi32>
        tpu.vector_store_idx %arg9[%add3A_383], %get3A_382 masked %lt3A_378 : memref<80xi32, #tpu.memory_space<vmem>>[vector<16xi32>], vector<16xi32>, vector<16xi1>
        %all_reduce_population_count3A = tpu.all_reduce %lt3A_378 {dim = 0 : i64, kind = #tpu.reduction_kind<sum>} : vector<16xi1> -> vector<16xi32>
        %add3A_384 = arith.addi %while3A_372, %all_reduce_population_count3A : vector<16xi32>
        scf.yield %add3A_384 : vector<16xi32>
      }
      %get3A = arith.constant 0 : index
      %get3A_348 = tpu.vector_load %arg9[%get3A] {strides = array<i32>} : memref<80xi32, #tpu.memory_space<vmem>>, vector<16xi32>,
      %gather3A = tpu.vector_load_idx %arg4[%get3A_348] : memref<32768xf32, #tpu.memory_space<vmem>>[vector<16xi32>], vector<16xf32>,
      %bitcast3A = vector.bitcast %gather3A : vector<16xf32> to vector<16xi32>
      %get3A_349 = arith.constant 16 : index
      %get3A_350 = tpu.vector_load %arg9[%get3A_349] {strides = array<i32>} : memref<80xi32, #tpu.memory_space<vmem>>, vector<16xi32>,
      %gather3A_351 = tpu.vector_load_idx %arg4[%get3A_350] : memref<32768xf32, #tpu.memory_space<vmem>>[vector<16xi32>], vector<16xf32>,
      %bitcast3A_352 = vector.bitcast %gather3A_351 : vector<16xf32> to vector<16xi32>
      %get3A_353 = arith.constant 32 : index
      %get3A_354 = tpu.vector_load %arg9[%get3A_353] {strides = array<i32>} : memref<80xi32, #tpu.memory_space<vmem>>, vector<16xi32>,
      %gather3A_355 = tpu.vector_load_idx %arg4[%get3A_354] : memref<32768xf32, #tpu.memory_space<vmem>>[vector<16xi32>], vector<16xf32>,
      %bitcast3A_356 = vector.bitcast %gather3A_355 : vector<16xf32> to vector<16xi32>
      %get3A_357 = arith.constant 48 : index
      %get3A_358 = tpu.vector_load %arg9[%get3A_357] {strides = array<i32>} : memref<80xi32, #tpu.memory_space<vmem>>, vector<16xi32>,
      %gather3A_359 = tpu.vector_load_idx %arg4[%get3A_358] : memref<32768xf32, #tpu.memory_space<vmem>>[vector<16xi32>], vector<16xf32>,
      %bitcast3A_360 = vector.bitcast %gather3A_359 : vector<16xf32> to vector<16xi32>
      %lt3A = arith.constant 3 : i32
      %lt3A_361 = arith.cmpi slt, %scan3A_14, %lt3A : i32
      %convert_element_type3A_362 = arith.extui %lt3A_361 : i1 to i32
      %cond3A_363 = arith.constant 0 : i32
      %cond3A_364 = arith.cmpi ne, %convert_element_type3A_362, %cond3A_363 : i32
      scf.if %cond3A_364 {
        %add3A_371 = arith.constant 1 : i32
        %add3A_372 = arith.addi %add3A_17, %add3A_371 : i32
        %dma_start3A = arith.constant 0 : i32
        %dma_start3A_373 = tpu.memref_slice %arg2[%add3A_372, %dma_start3A] : memref<128x32768xf32, #tpu.memory_space<hbm>> -> memref<1x32768xf32, #tpu.memory_space<hbm>>
        %dma_start3A_374 = tpu.memref_squeeze %dma_start3A_373 : memref<1x32768xf32, #tpu.memory_space<hbm>> -> memref<32768xf32, #tpu.memory_space<hbm>>
        %dma_start3A_375 = arith.constant 0 : i32
        %dma_start3A_376 = tpu.memref_slice %arg2[%add3A_372, %dma_start3A_375] : memref<128x32768xf32, #tpu.memory_space<hbm>> -> memref<1x32768xf32, #tpu.memory_space<hbm>>
        %dma_start3A_377 = tpu.memref_squeeze %dma_start3A_376 : memref<1x32768xf32, #tpu.memory_space<hbm>> -> memref<32768xf32, #tpu.memory_space<hbm>>
        tpu.enqueue_dma source(%dma_start3A_377 : memref<32768xf32, #tpu.memory_space<hbm>>) target(%arg4 : memref<32768xf32, #tpu.memory_space<vmem>>) target_semaphore(%arg11 : memref<!tpu.dma_semaphore, #tpu.memory_space<semaphore_mem>>)
      } else {
      }
      %scan3A_365 = arith.constant 0 : i32
      %scan3A_366 = arith.constant 64 : i32
      %scan3A_367 = arith.addi %scan3A_365, %scan3A_366 : i32
      %scan3A_368 = arith.constant 1 : i32
      %scan3A_369:4 = scf.for %scan3A_371 = %scan3A_365 to %scan3A_367 step %scan3A_368 iter_args(%scan3A_372 = %bitcast3A, %scan3A_373 = %bitcast3A_352, %scan3A_374 = %bitcast3A_356, %scan3A_375 = %bitcast3A_360) -> (vector<16xi32>, vector<16xi32>, vector<16xi32>, vector<16xi32>)  : i32 {
        %max3A = arith.maxsi %scan3A_372, %scan3A_373 : vector<16xi32>
        %max3A_376 = arith.maxsi %scan3A_374, %scan3A_375 : vector<16xi32>
        %max3A_377 = arith.maxsi %max3A, %max3A_376 : vector<16xi32>
        %reduce_max3A_378 = arith.constant true
        %reduce_max3A_379 = vector.broadcast %reduce_max3A_378 : i1 to vector<16xi1>
        %reduce_max3A_380 = arith.constant -2147483648 : i32
        %reduce_max3A_381 = vector.broadcast %reduce_max3A_380 : i32 to vector<16xi32>
        %reduce_max3A_382 = arith.xori %max3A_377, %reduce_max3A_381 : vector<16xi32>
        %reduce_max3A_383 = tpu.scan <max>, %reduce_max3A_382 masked %reduce_max3A_379 : vector<16xi32>, vector<16xi1> -> vector<16xi32>
        %reduce_max3A_384 = arith.xori %reduce_max3A_383, %reduce_max3A_381 : vector<16xi32>
        %reduce_max3A_385 = vector.extract %reduce_max3A_384[15] : i32 from vector<16xi32>
        %add3A_386 = arith.constant 9999 : i32
        %add3A_387 = vector.broadcast %add3A_386 : i32 to vector<16xi32>
        %add3A_388 = arith.addi %broadcast_in_dim3A_3, %add3A_387 : vector<16xi32>
        %eq3A = vector.broadcast %reduce_max3A_385 : i32 to vector<16xi32>
        %eq3A_389 = arith.cmpi eq, %scan3A_372, %eq3A : vector<16xi32>
        %all_reduce_ffs3A = tpu.all_reduce %eq3A_389 {dim = 0 : i64, kind = #tpu.reduction_kind<find_first_set>} : vector<16xi1> -> vector<16xi32>
        %lt3A_390 = arith.constant 16 : i32
        %lt3A_391 = vector.broadcast %lt3A_390 : i32 to vector<16xi32>
        %lt3A_392 = arith.cmpi slt, %all_reduce_ffs3A, %lt3A_391 : vector<16xi32>
        %add3A_393 = arith.constant 0 : i32
        %add3A_394 = vector.broadcast %add3A_393 : i32 to vector<16xi32>
        %add3A_395 = arith.addi %all_reduce_ffs3A, %add3A_394 : vector<16xi32>
        %jit3A_396 = arith.constant 9999 : i32
        %broadcast_in_dim3A_397 = vector.broadcast %jit3A_396 : i32 to vector<16xi32>
        %select_n3A_398 = arith.select %lt3A_392, %add3A_395, %broadcast_in_dim3A_397 : vector<16xi1>, vector<16xi32>
        %min3A = arith.minsi %add3A_388, %select_n3A_398 : vector<16xi32>
        %eq3A_399 = vector.broadcast %reduce_max3A_385 : i32 to vector<16xi32>
        %eq3A_400 = arith.cmpi eq, %scan3A_373, %eq3A_399 : vector<16xi32>
        %all_reduce_ffs3A_401 = tpu.all_reduce %eq3A_400 {dim = 0 : i64, kind = #tpu.reduction_kind<find_first_set>} : vector<16xi1> -> vector<16xi32>
        %lt3A_402 = arith.constant 16 : i32
        %lt3A_403 = vector.broadcast %lt3A_402 : i32 to vector<16xi32>
        %lt3A_404 = arith.cmpi slt, %all_reduce_ffs3A_401, %lt3A_403 : vector<16xi32>
        %add3A_405 = arith.constant 16 : i32
        %add3A_406 = vector.broadcast %add3A_405 : i32 to vector<16xi32>
        %add3A_407 = arith.addi %all_reduce_ffs3A_401, %add3A_406 : vector<16xi32>
        %jit3A_408 = arith.constant 9999 : i32
        %broadcast_in_dim3A_409 = vector.broadcast %jit3A_408 : i32 to vector<16xi32>
        %select_n3A_410 = arith.select %lt3A_404, %add3A_407, %broadcast_in_dim3A_409 : vector<16xi1>, vector<16xi32>
        %min3A_411 = arith.minsi %min3A, %select_n3A_410 : vector<16xi32>
        %eq3A_412 = vector.broadcast %reduce_max3A_385 : i32 to vector<16xi32>
        %eq3A_413 = arith.cmpi eq, %scan3A_374, %eq3A_412 : vector<16xi32>
        %all_reduce_ffs3A_414 = tpu.all_reduce %eq3A_413 {dim = 0 : i64, kind = #tpu.reduction_kind<find_first_set>} : vector<16xi1> -> vector<16xi32>
        %lt3A_415 = arith.constant 16 : i32
        %lt3A_416 = vector.broadcast %lt3A_415 : i32 to vector<16xi32>
        %lt3A_417 = arith.cmpi slt, %all_reduce_ffs3A_414, %lt3A_416 : vector<16xi32>
        %add3A_418 = arith.constant 32 : i32
        %add3A_419 = vector.broadcast %add3A_418 : i32 to vector<16xi32>
        %add3A_420 = arith.addi %all_reduce_ffs3A_414, %add3A_419 : vector<16xi32>
        %jit3A_421 = arith.constant 9999 : i32
        %broadcast_in_dim3A_422 = vector.broadcast %jit3A_421 : i32 to vector<16xi32>
        %select_n3A_423 = arith.select %lt3A_417, %add3A_420, %broadcast_in_dim3A_422 : vector<16xi1>, vector<16xi32>
        %min3A_424 = arith.minsi %min3A_411, %select_n3A_423 : vector<16xi32>
        %eq3A_425 = vector.broadcast %reduce_max3A_385 : i32 to vector<16xi32>
        %eq3A_426 = arith.cmpi eq, %scan3A_375, %eq3A_425 : vector<16xi32>
        %all_reduce_ffs3A_427 = tpu.all_reduce %eq3A_426 {dim = 0 : i64, kind = #tpu.reduction_kind<find_first_set>} : vector<16xi1> -> vector<16xi32>
        %lt3A_428 = arith.constant 16 : i32
        %lt3A_429 = vector.broadcast %lt3A_428 : i32 to vector<16xi32>
        %lt3A_430 = arith.cmpi slt, %all_reduce_ffs3A_427, %lt3A_429 : vector<16xi32>
        %add3A_431 = arith.constant 48 : i32
        %add3A_432 = vector.broadcast %add3A_431 : i32 to vector<16xi32>
        %add3A_433 = arith.addi %all_reduce_ffs3A_427, %add3A_432 : vector<16xi32>
        %jit3A_434 = arith.constant 9999 : i32
        %broadcast_in_dim3A_435 = vector.broadcast %jit3A_434 : i32 to vector<16xi32>
        %select_n3A_436 = arith.select %lt3A_430, %add3A_433, %broadcast_in_dim3A_435 : vector<16xi1>, vector<16xi32>
        %min3A_437 = arith.minsi %min3A_424, %select_n3A_436 : vector<16xi32>
        %gather3A_438 = tpu.vector_load_idx %arg9[%min3A_437] : memref<80xi32, #tpu.memory_space<vmem>>[vector<16xi32>], vector<16xi32>,
        %add3A_439 = vector.broadcast %scan3A_371 : i32 to vector<16xi32>
        %add3A_440 = arith.addi %broadcast_in_dim3A_3, %add3A_439 : vector<16xi32>
        %eq3A_441 = arith.constant 0 : i32
        %eq3A_442 = vector.broadcast %eq3A_441 : i32 to vector<16xi32>
        %eq3A_443 = arith.cmpi eq, %iota3A, %eq3A_442 : vector<16xi32>
        tpu.vector_store_idx %arg10[%add3A_440], %gather3A_438 masked %eq3A_443 : memref<64xi32, #tpu.memory_space<vmem>>[vector<16xi32>], vector<16xi32>, vector<16xi1>
        %sub3A_444 = arith.constant 0 : i32
        %sub3A_445 = vector.broadcast %sub3A_444 : i32 to vector<16xi32>
        %sub3A_446 = arith.subi %min3A_437, %sub3A_445 : vector<16xi32>
        %eq3A_447 = arith.cmpi eq, %sub3A_446, %iota3A : vector<16xi32>
        %jit3A_448 = arith.constant -2147483648 : i32
        %broadcast_in_dim3A_449 = vector.broadcast %jit3A_448 : i32 to vector<16xi32>
        %select_n3A_450 = arith.select %eq3A_447, %broadcast_in_dim3A_449, %scan3A_372 : vector<16xi1>, vector<16xi32>
        %sub3A_451 = arith.constant 16 : i32
        %sub3A_452 = vector.broadcast %sub3A_451 : i32 to vector<16xi32>
        %sub3A_453 = arith.subi %min3A_437, %sub3A_452 : vector<16xi32>
        %eq3A_454 = arith.cmpi eq, %sub3A_453, %iota3A : vector<16xi32>
        %jit3A_455 = arith.constant -2147483648 : i32
        %broadcast_in_dim3A_456 = vector.broadcast %jit3A_455 : i32 to vector<16xi32>
        %select_n3A_457 = arith.select %eq3A_454, %broadcast_in_dim3A_456, %scan3A_373 : vector<16xi1>, vector<16xi32>
        %sub3A_458 = arith.constant 32 : i32
        %sub3A_459 = vector.broadcast %sub3A_458 : i32 to vector<16xi32>
        %sub3A_460 = arith.subi %min3A_437, %sub3A_459 : vector<16xi32>
        %eq3A_461 = arith.cmpi eq, %sub3A_460, %iota3A : vector<16xi32>
        %jit3A_462 = arith.constant -2147483648 : i32
        %broadcast_in_dim3A_463 = vector.broadcast %jit3A_462 : i32 to vector<16xi32>
        %select_n3A_464 = arith.select %eq3A_461, %broadcast_in_dim3A_463, %scan3A_374 : vector<16xi1>, vector<16xi32>
        %sub3A_465 = arith.constant 48 : i32
        %sub3A_466 = vector.broadcast %sub3A_465 : i32 to vector<16xi32>
        %sub3A_467 = arith.subi %min3A_437, %sub3A_466 : vector<16xi32>
        %eq3A_468 = arith.cmpi eq, %sub3A_467, %iota3A : vector<16xi32>
        %jit3A_469 = arith.constant -2147483648 : i32
        %broadcast_in_dim3A_470 = vector.broadcast %jit3A_469 : i32 to vector<16xi32>
        %select_n3A_471 = arith.select %eq3A_468, %broadcast_in_dim3A_470, %scan3A_375 : vector<16xi1>, vector<16xi32>
        scf.yield %select_n3A_450, %select_n3A_457, %select_n3A_464, %select_n3A_471 : vector<16xi32>, vector<16xi32>, vector<16xi32>, vector<16xi32>
      }
      %scan3A_370 = arith.constant 64 : i32
      "tpu.region"() ({
        %run_scoped3A = tpu.sem_alloc : memref<!tpu.dma_semaphore, #tpu.memory_space<semaphore_mem>>
        %dma_start3A = arith.constant 0 : i32
        %dma_start3A_371 = tpu.memref_slice %arg3[%add3A_17, %dma_start3A] : memref<128x64xi32, #tpu.memory_space<hbm>> -> memref<1x64xi32, #tpu.memory_space<hbm>>
        %dma_start3A_372 = tpu.memref_squeeze %dma_start3A_371 : memref<1x64xi32, #tpu.memory_space<hbm>> -> memref<64xi32, #tpu.memory_space<hbm>>
        %dma_start3A_373 = arith.constant 0 : i32
        %dma_start3A_374 = tpu.memref_slice %arg3[%add3A_17, %dma_start3A_373] : memref<128x64xi32, #tpu.memory_space<hbm>> -> memref<1x64xi32, #tpu.memory_space<hbm>>
        %dma_start3A_375 = tpu.memref_squeeze %dma_start3A_374 : memref<1x64xi32, #tpu.memory_space<hbm>> -> memref<64xi32, #tpu.memory_space<hbm>>
        tpu.enqueue_dma source(%arg10 : memref<64xi32, #tpu.memory_space<vmem>>) target(%dma_start3A_375 : memref<64xi32, #tpu.memory_space<hbm>>) target_semaphore(%run_scoped3A : memref<!tpu.dma_semaphore, #tpu.memory_space<semaphore_mem>>)
        %dma_wait3A = arith.constant 0 : i32
        %dma_wait3A_376 = tpu.memref_slice %arg3[%add3A_17, %dma_wait3A] : memref<128x64xi32, #tpu.memory_space<hbm>> -> memref<1x64xi32, #tpu.memory_space<hbm>>
        %dma_wait3A_377 = tpu.memref_squeeze %dma_wait3A_376 : memref<1x64xi32, #tpu.memory_space<hbm>> -> memref<64xi32, #tpu.memory_space<hbm>>
        %dma_wait3A_378 = arith.constant 0 : i32
        %dma_wait3A_379 = tpu.memref_slice %arg3[%add3A_17, %dma_wait3A_378] : memref<128x64xi32, #tpu.memory_space<hbm>> -> memref<1x64xi32, #tpu.memory_space<hbm>>
        %dma_wait3A_380 = tpu.memref_squeeze %dma_wait3A_379 : memref<1x64xi32, #tpu.memory_space<hbm>> -> memref<64xi32, #tpu.memory_space<hbm>>
        tpu.wait_dma2 semaphore(%run_scoped3A : memref<!tpu.dma_semaphore, #tpu.memory_space<semaphore_mem>>) src(%arg10 : memref<64xi32, #tpu.memory_space<vmem>>) dst(%dma_wait3A_380 : memref<64xi32, #tpu.memory_space<hbm>>)
        tpu.yield
      }) : () -> ()
    }
    %scan3A_13 = arith.constant 4 : i32
    return
  }
}

</mosaic_0001>

<sc_bundles>
// kernel: kernel.3.cloned.1.call-start
scs
__scs_entry_jumppad:
0x0: {  	(pc) =	sbr.rel $0x88, $3  }
0x1: {  	(tag) =	ssettag $0x0;
	lr =	simm.s32 $0x1  }
0x2: {  	[smem:$0x3FA0] =	sst lr;
	_ =	strace $0xD0000000  }
0x3: {  	_ = 	snop  }
0x4: {  	_ = 	snop  }
0x5: {  	_ = 	snop  }
0x6: {  	_ = 	snop  }
0x7: {  	_ = 	snop  }
__scs_overlays_trampoline_lowered:
0x8: {  	[smem:$0x3FAF] =	sst s0  }
0x9: {  	[smem:$0x3FB0] =	sst s1  }
0xa: {  	[smem:$0x3FB1] =	sst s2  }
0xb: {  	[smem:$0x3FB2] =	sst s3  }
0xc: {  	[smem:$0x3FB3] =	sst s4  }
0xd: {  	[smem:$0x3FB4] =	sst s5  }
0xe: {  	[smem:$0x3FB5] =	sst s6  }
0xf: {  	[smem:$0x3FB6] =	sst s7  }
0x10: {  	[smem:$0x3FB7] =	sst s8  }
0x11: {  	[smem:$0x3FB8] =	sst s9;
	s0 =	simm.s32 @!p0 $0x0  }
0x12: {  	s1 =	sld [smem:$0x3F9E];
	s0 =	simm.s32 @p0 $0x1  }
0x13: {  	[smem:$0x3FB9] =	sst s0;
	s0 =	simm.s32 @!p1 $0x0  }
0x14: {  	s2 =	sld [smem:$0x3F9D];
	s0 =	simm.s32 @p1 $0x1  }
0x15: {  	[smem:$0x3FBA] =	sst s0;
	s0 =	simm.s32 @!p2 $0x0  }
0x16: {  	s3 =	sld [smem:$0x3FDB];
	s0 =	simm.s32 @p2 $0x1  }
0x17: {  	s4 =	simm.s32 $0x1BF5;
	[smem:$0x3FBC] =	sst s0  }
0x18: {  	s0 =	sld [smem:$0x3F9F];
	_ =	swait.ge [sflag:s4], $0x0  }
0x19: {  	s7 =	sld [smem:$0x3FA0]  }
0x1a: {  	s8 =	sadd.s32 $0xFFFFE003, lr  }
0x1b: {  	s9 =	sadd.s32 $0xFFFFFEF7, lr;
	s5 =	simm.s32 $0xFFFFFFFF;
	p2 =	slt.u32 s8, $0xFFFFF086  }
0x1c: {  	p1 =	slt.u32 s9, $0xF7A;
	s5 =	simm.s32 @!p2 $0x0  }
0x1d: {  	s5 =	simm.s32 @p1 $0x1;
	p0 =	seq.s32 s7, s2  }
0x1e: {  	s7 =	smul.u32 @!p0 $0xF7A, s2;
	p2 =	seq.s32 @!p0 s5, $0x0  }
0x1f: {  	s9 =	smul.u32 $0xF7A, s1;
	s8 =	simm.s32 @!p0 $0x1BF5;
	p2 =	por !p2, p0  }
0x20: {  	[sflag:s8] =	ssyncset.s32 @!p0 $0xFFFFF086;
	s6 =	sadd.s32 @!p0 s3, s7;
	s7 =	simm.s32 @!p0 $0x108  }
0x21: {  	s3 =	sadd.s32 s3, s9;
	s6 =	sadd.s32 @!p0 $0x88, s6;
	s7 =	simm.s32 @p2 $0x1082  }
0x22: {  	[simem:s7], [sflag:s8] =	dma.local @!p0 [hbm:s6], $0xF7A  }
0x23: {  	s9 =	sor.u32 $0xD0000000, s2;
	s6 =	simm.s32 $0x108;
	_ =	swait.ge @!p0 [sflag:s8], $0x0  }
0x24: {  	s3 =	sadd.s32 $0x88, s3;
	s6 =	simm.s32 @!p1 $0x1082;
	[sflag:s4] =	ssyncset.s32 $0xFFFFF086  }
0x25: {  	[simem:s6], [sflag:s4] =	dma.local [hbm:s3], $0xF7A  }
0x26: {  	[smem:$0x3FA0] =	sst s1;
	(tag) =	ssettag s2;
	_ =	strace s9  }
0x27: {  	s1 =	sld [smem:$0x3FB0]  }
0x28: {  	s2 =	sld [smem:$0x3FB1]  }
0x29: {  	s4 =	sld [smem:$0x3FB3]  }
0x2a: {  	p0 =	seq.s32 s5, $0x0;
	s5 =	sld [smem:$0x3FB4]  }
0x2b: {  	s6 =	sld [smem:$0x3FB5]  }
0x2c: {  	s7 =	sld [smem:$0x3FB6]  }
0x2d: {  	s3 =	simm.s32 $0x108;
	s8 =	sld [smem:$0x3FB7]  }
0x2e: {  	s3 =	simm.s32 @!p0 $0x1082;
	s9 =	sld [smem:$0x3FB8]  }
0x2f: {  	lr =	sadd.s32 s0, s3;
	s0 =	sld [smem:$0x3FAF]  }
0x30: {  	s3 =	sld [smem:$0x3FB2]  }
0x31: {  	[smem:$0x3FBB] =	sst s10  }
0x32: {  	s10 =	sld [smem:$0x3FB9];
	_ =	sdelay $0x3  }
0x33: {  	p0 =	seq.s32 s10, $0x1;
	s10 =	sld [smem:$0x3FBB];
	_ =	sdelay $0x3  }
0x34: {  	[smem:$0x3FBB] =	sst s10  }
0x35: {  	s10 =	sld [smem:$0x3FBA];
	_ =	sdelay $0x3  }
0x36: {  	p1 =	seq.s32 s10, $0x1;
	s10 =	sld [smem:$0x3FBB];
	_ =	sdelay $0x3  }
0x37: {  	[smem:$0x3FBB] =	sst s10  }
0x38: {  	s10 =	sld [smem:$0x3FBC]  }
0x39: {  	_ = 	snop;
	(pc) =	sbr.ind lr, $3  }
0x3a: {  	_ = 	snop  }
0x3b: {  	_ = 	snop  }
0x3c: {  	p2 =	seq.s32 s10, $0x1;
	s10 =	sld [smem:$0x3FBB]  }
0x3d: {  	_ =	shalt  }
0x3e: {  	_ =	shalt  }
0x3f: {  	_ =	shalt  }
0x40: {  	_ =	shalt  }
0x41: {  	_ =	shalt  }
0x42: {  	_ =	shalt  }
0x43: {  	_ =	shalt  }
0x44: {  	_ =	shalt  }
0x45: {  	_ =	shalt  }
0x46: {  	_ =	shalt  }
0x47: {  	_ =	shalt  }
0x48: {  	_ =	shalt  }
0x49: {  	_ =	shalt  }
0x4a: {  	_ =	shalt  }
0x4b: {  	_ =	shalt  }
0x4c: {  	_ =	shalt  }
0x4d: {  	_ =	shalt  }
0x4e: {  	_ =	shalt  }
0x4f: {  	_ =	shalt  }
0x50: {  	_ =	shalt  }
0x51: {  	_ =	shalt  }
0x52: {  	_ =	shalt  }
0x53: {  	_ =	shalt  }
0x54: {  	_ =	shalt  }
0x55: {  	_ =	shalt  }
0x56: {  	_ =	shalt  }
0x57: {  	_ =	shalt  }
0x58: {  	_ =	shalt  }
0x59: {  	_ =	shalt  }
0x5a: {  	_ =	shalt  }
0x5b: {  	_ =	shalt  }
0x5c: {  	_ =	shalt  }
0x5d: {  	_ =	shalt  }
0x5e: {  	_ =	shalt  }
0x5f: {  	_ =	shalt  }
0x60: {  	_ =	shalt  }
0x61: {  	_ =	shalt  }
0x62: {  	_ =	shalt  }
0x63: {  	_ =	shalt  }
0x64: {  	_ =	shalt  }
0x65: {  	_ =	shalt  }
0x66: {  	_ =	shalt  }
0x67: {  	_ =	shalt  }
0x68: {  	_ =	shalt  }
0x69: {  	_ =	shalt  }
0x6a: {  	_ =	shalt  }
0x6b: {  	_ =	shalt  }
0x6c: {  	_ =	shalt  }
0x6d: {  	_ =	shalt  }
0x6e: {  	_ =	shalt  }
0x6f: {  	_ =	shalt  }
0x70: {  	_ =	shalt  }
0x71: {  	_ =	shalt  }
0x72: {  	_ =	shalt  }
0x73: {  	_ =	shalt  }
0x74: {  	_ =	shalt  }
0x75: {  	_ =	shalt  }
0x76: {  	_ =	shalt  }
0x77: {  	_ =	shalt  }
0x78: {  	_ =	shalt  }
0x79: {  	_ =	shalt  }
0x7a: {  	_ =	shalt  }
0x7b: {  	_ =	shalt  }
0x7c: {  	_ =	shalt  }
0x7d: {  	_ =	shalt  }
0x7e: {  	_ =	shalt  }
0x7f: {  	_ =	shalt  }
0x80: {  	_ =	shalt  }
0x81: {  	_ =	shalt  }
0x82: {  	_ =	shalt  }
0x83: {  	_ =	shalt  }
0x84: {  	_ =	shalt  }
0x85: {  	_ =	shalt  }
0x86: {  	_ =	shalt  }
0x87: {  	_ =	shalt  }
.Lfunc_end0:
.L_simem_size_0:
called_computation_lowered:
.L_overlay_start_0:
0x88: {  	s2 =	sld [smem:$0x3FD9]  }
0x89: {  	s3 =	sld [smem:$0x3FFE];
	_ =	sdelay $0x1  }
0x8a: {  	s1 =	srdreg.scid  }
0x8b: {  	s0 =	sand.u32 $0x1, s1  }
0x8c: {  	s17 =	sshll.u32 s0, $0xA;
	s2 =	sadd.s32 s3, s2  }
0x8d: {  	s2 =	sadd.s32 s2, s17  }
0x8e: {  	[smem:$0x3FC7] =	sst s2  }
0x8f: {  	_ = 	snop  }
0x90: {  	s2 =	sld [smem:$0x3FC9];
	(tm) =	ssettm $0x1  }
0x91: {  	s18 =	sld [smem:$0x3FFB];
	_ =	sdelay $0x3  }
0x92: {  	_ =	strace s18  }
0x93: {  	s3 =	sld [smem:$0x3FFC];
	_ =	sdelay $0x3  }
0x94: {  	_ =	strace s3  }
0x95: {  	s3 =	sld [smem:$0x3FFD];
	_ =	sdelay $0x3  }
0x96: {  	_ =	strace s3  }
0x97: {  	_ =	strace $0x8FFFFFFF  }
0x98: {  	s19 =	sld [smem:$0x3FDB];
	_ =	sdelay $0x1  }
0x99: {  	s4 =	simm.s32 $_scs_section_size  }
0x9a: {  	s5 =	simm.s32 $_size__tile_overlayer_lowered;
	s6 =	simm.s32 $_tile_overlayer_lowered  }
0x9b: {  	s22 =	simm.s32 $0x1BFF;
	s21 =	sshll.u32 s6, $0x1;
	s3 =	sadd.s32 s4, s19  }
0x9c: {  	s7 =	simm.s32 $0x0;
	s20 =	sshll.u32 s5, $0x1;
	s5 =	sadd.s32 s21, s3  }
0x9d: {  	[timem:s7], [sflag:s22] =	dma.local [hbm:s5], s20  }
0x9e: {  	_ =	swait.ge [sflag:s22], s20  }
0x9f: {  	s4 =	ssub.s32 $0x0, s20;
	[sflag:s22] =	ssyncset.done $0x0  }
0xa0: {  	[sflag:s22] =	ssyncadd.s32 s4;
	_ =	sdelay $0x1  }
0xa1: {  	s23 =	simm.s32 $0x1B8B  }
0xa2: {  	_ =	swait.ge [sflag:s23], $0x1  }
0xa3: {  	[sflag:s23] =	ssyncset.done $0x0  }
0xa4: {  	s25 =	simm.s32 $0x1B8E;
	s24 =	sld [smem:$0x3FFE];
	[sflag:s23] =	ssyncadd.s32 $0xFFFFFFFF  }
0xa5: {  	s26 =	simm.s32 $execute0_lowered;
	[smem:$0x3FD2] =	sst s25  }
0xa6: {  	s5 =	sshll.u32 s26, $0x1;
	_ =	strace $0x80000046;
	[dreg:$0x1] =	wrdreg $0xFFFFFFFF  }
0xa7: {  	s28 =	simm.s32 $_size_execute0_lowered;
	s3 =	sadd.s32 s3, s5;
	[dreg:$0x0] =	wrdreg $0x0  }
0xa8: {  	s5 =	sshll.u32 s28, $0x1;
	[dreg:$0x2] =	wrdreg s3  }
0xa9: {  	[dreg:$0x3] =	wrdreg s5  }
0xaa: {  	[dreg:$0x4] =	wrdreg $0xC0  }
0xab: {  	_ =	task [dreg:s7], $0x5FFFF  }
0xac: {  	[dreg:$0x1] =	wrdreg $0xFFFFFFFF  }
0xad: {  	[dreg:$0x0] =	wrdreg $0x60  }
0xae: {  	[dreg:$0x2] =	wrdreg s2  }
0xaf: {  	[dreg:$0x3] =	wrdreg s24  }
0xb0: {  	[dreg:$0x4] =	wrdreg $0x9  }
0xb1: {  	_ =	task.clear_ibuf [dreg:s7], $0x5FFFF;
	_ =	strace $0x90000046  }
0xb2: {  	s29 =	simm.s32 $0x9;
	_ =	strace $0x80000048  }
0xb3: {  	_ =	swait.ge [sflag:s29], $0x1  }
0xb4: {  	[sflag:s29] =	ssyncadd.s32 $0xFFFFFFFF  }
0xb5: {  	_ =	strace $0x90000048  }
0xb6: {  	_ =	sfence  }
0xb7: {  	s30 =	sld [smem:$0x0];
	_ =	sdelay $0x2  }
0xb8: {  	s31 =	sshll.u32 s1, $0xD;
	s1 =	sshrl.u32 s1, $0x2  }
0xb9: {  	s3 =	sand.u32 $0x4000, s31;
	s1 =	sadd.s32 s1, s30  }
0xba: {  	s0 =	sor.u32 s3, s0;
	s1 =	sshll.u32 s1, $0x11  }
0xbb: {  	s0 =	sor.u32 s1, s0  }
0xbc: {  	s0 =	sadd.s32 $0x8F2B, s0  }
0xbd: {  	[sflag:s0] =	ssyncadd.remote.s32 $0x1  }
0xbe: {  	_ =	sfence.sel $0xFFFF  }
0xbf: {  	[dreg:$0x0] =	wrdreg $0xFFFFFFFF;
	(pc) =	sbr.abs _section_cstart, $3  }
0xc0: {  	[dreg:$0x1] =	wrdreg $0xFFFFFFFF  }
0xc1: {  	_ =	task.clear_ibuf [dreg:s7], $0x2FFFF;
	_ =	strace $0x9FFFFFFF  }
0xc2: {  	(tm) =	ssettm $0x7FFFFFFF  }
0xc3: {  	_ =	shalt  }
tec
execute0_lowered:
.L_overlay_start_1:
0x0: {  	(tag) =	ssettag $0x1  }
0x1: {  	s2 =	rddreg [dreg:$0x0]  }
0x2: {  	s0 =	rddreg [dreg:$0x1];
	s3 =	simm.s32 $0x0  }
0x3: {  	s8 =	stileid.u32;
	s1 =	srdreg.scid;
	s10 =	simm.s32 $0x2  }
0x4: {  	s11 =	simm.s32 $0x1C000;
	s12 =	simm.s32 $0x8000;
	s13 =	simm.s32 $0x18000  }
0x5: {  	s14 =	simm.s32 $0x10000;
	s15 =	simm.s32 $0x1C100;
	s16 =	simm.s32 $0x1C180  }
0x6: {  	[smem:$0x7FF] =	sst s3;
	s4 =	sshll.u32 s8, $0x7;
	s1 =	sand.u32 $0x1, s1  }
0x7: {  	s6 =	sshll.u32 s8, $0x3;
	s8 =	sshll.u32 s8, $0xF;
	_ =	strace $0x80000047  }
.Ltmp0:
0x8: {  	s29 =	ssub.s32 $0x2, s1;
	s7 =	sshll.u32 s1, $0x6;
	(pc) =	sbr.rel .LBB2_1-.Ltmp0, $4  }
0x9: {  	v0 =	vlaneseq.u32;
	s0 =	sadd.s32 s4, s0;
	s5 =	sshrl.u32 s29, $0x1;
	s7 =	sadd.s32 s2, s7  }
0xa: {  	v1 =	vimm.s32 $0x0;
	v3 =	vimm.s32 $0x1;
	v7 =	vmul.u32 $0xFFFFFFFF, v0;
	s1 =	sshll.u32 s1, $0x2;
	s5 =	ssub.s32 s29, s5;
	s30 =	sadd.s32 s8, s7  }
0xb: {  	v2 =	vor.u32 $0x800, v0;
	v4 =	vor.u32 $0x1800, v0;
	v5 =	vor.u32 $0x2800, v0;
	s4 =	sor.u32 s1, s6;
	[dreg:$0x3] =	wrdreg s30;
	s31 =	smax.u32 s5, $0x1  }
0xc: {  	v6 =	vor.u32 $0x3800, v0;
	v8 =	vmul.u32 $0x100, v0;
	s6 =	sadd.s32 $0x400, s0;
	v7 =	vadd.s32 $0xF, v7;
	s1 =	simm.s32 $0x0;
	[dreg:$0x4] =	wrdreg s31  }
.LBB2_74:
0xd: {  	s1 =	rddreg [dreg:$0x5]  }
0xe: {  	s0 =	rddreg [dreg:$0x4];
	s1 =	sadd.s32 $0x1, s1  }
0xf: {  	p0 =	sne.s32 s1, s0  }
.Ltmp1:
0x10: {  	_ = 	snop;
	(pc) =	sbr.rel @!p0 .LBB2_75-.Ltmp1, $1  }
0x11: {  	_ =	sdelay $0x3  }
.LBB2_1:
0x12: {  	[dreg:$0x5] =	wrdreg s1  }
0x13: {  	s0 =	rddreg [dreg:$0x3];
	s31 =	simm.s32 $0x80;
	s5 =	simm.s32 $0x400  }
0x14: {  	[tilespmem:s3], [sflag:$0x2] =	stream.strided.gather [hbm4b:s0+s31], $0x8000, s5, s31, $0x38;
	[tilespmem:$0x1C200] =	vst v63  }
0x15: {  	_ =	swait.ge [sflag:s10], $0x8000  }
0x16: {  	[sflag:s10] =	ssyncset.done $0x0  }
0x17: {  	s18 =	simm.s32 $0x0;
	[sflag:s10] =	ssyncadd.s32 $0xFFFF8000  }
.LBB2_2:
0x18: {  	p0 =	seq.s32 s18, $0x0  }
0x19: {  	s0 =	simm.s32 @!p0 $0x1  }
0x1a: {  	_ =	swait.ge @!p0 [sflag:s0], $0x8000  }
0x1b: {  	[sflag:s0] =	ssyncset.done @!p0 $0x0  }
0x1c: {  	[sflag:s0] =	ssyncadd.s32 @!p0 $0xFFFF8000;
	s0 =	simm.s32 $0x18040  }
0x1d: {  	[tilespmem:s0+$0xFFFFFFC0] =	vst v1  }
0x1e: {  	[tilespmem:s0+$0x30] =	vst v1  }
0x1f: {  	[tilespmem:s0+$0x20] =	vst v1  }
0x20: {  	[tilespmem:s0+$0x10] =	vst v1  }
0x21: {  	[tilespmem:s0+$0x0] =	vst v1  }
0x22: {  	[tilespmem:s0+$0xFFFFFFF0] =	vst v1  }
0x23: {  	s19 =	sadd.s32 s4, s18;
	s1 =	simm.s32 $0x0;
	s23 =	simm.s32 $0x40;
	[tilespmem:s0+$0xFFFFFFE0] =	vst v1  }
.LBB2_3:
0x24: {  	s1 =	sadd.s32 $0x8, s1;
	[tilespmem:s0+$0xFFFFFFD0] =	vst v1;
	s0 =	sadd.s32 $0x80, s0  }
0x25: {  	[tilespmem:s0+$0xFFFFFFC0] =	vst v1;
	p0 =	slt.u32 s1, $0x3F8  }
0x26: {  	[tilespmem:s0+$0x30] =	vst v1  }
.Ltmp2:
0x27: {  	[tilespmem:s0+$0x20] =	vst v1;
	(pc) =	sbr.rel @p0 .LBB2_3-.Ltmp2, $4  }
0x28: {  	[tilespmem:s0+$0x10] =	vst v1  }
0x29: {  	[tilespmem:s0+$0x0] =	vst v1  }
0x2a: {  	[tilespmem:s0+$0xFFFFFFF0] =	vst v1  }
0x2b: {  	[tilespmem:s0+$0xFFFFFFE0] =	vst v1  }
0x2c: {  	[tilespmem:s0+$0xFFFFFFD0] =	vst v1  }
0x2d: {  	v9 =	vld [tilespmem:s23+$0xFFFFFFC0];
	_ =	sdelay $0x4  }
0x2e: {  	v10 =	vld [tilespmem:s23+$0x0];
	vm0 =	vlt.s32 v9, $0x0;
	v11 =	vxor.u32 $0x7FFFFFFF, v9  }
0x2f: {  	v9 =	vsel vm0, v11, v9  }
0x30: {  	v11 =	vshra.s32 v9, $0x14  }
0x31: {  	v11 =	vand.u32 $0xFFFFFFF0, v11  }
0x32: {  	v11 =	vadd.s32 v2, v11  }
0x33: {  	v12 =	vxor.u32 $0x7FFFFFFF, v10;
	vm0 =	vlt.s32 v10, $0x0  }
0x34: {  	s20 =	simm.s32 $0xC0;
	v10 =	vsel vm0, v12, v10  }
0x35: {  	v13 =	vld [tilespmem:s20+$0xFFFFFFC0];
	v12 =	vshra.s32 v10, $0x14  }
0x36: {  	s28 =	simm.s32 $0x18000;
	v14 =	vld [tilespmem:s20+$0x0];
	[tilespmem:s23+$0xFFFFFFC0] =	vst v9;
	v12 =	vand.u32 $0xFFFFFFF0, v12  }
0x37: {  	v9 =	vadd.s32 v2, v12;
	[tilespmem:v11+s28+$0x0] =	vst.idx.add.s32.msk $0xffff, v3  }
0x38: {  	v11 =	vld [tilespmem:s23+$0xFFFFFFD0];
	_ =	sdelay $0x1  }
0x39: {  	vm0 =	vlt.s32 v13, $0x0;
	v12 =	vxor.u32 $0x7FFFFFFF, v13  }
0x3a: {  	vm1 =	vlt.s32 v14, $0x0;
	[tilespmem:s23+$0x0] =	vst v10;
	v10 =	vxor.u32 $0x7FFFFFFF, v14;
	v12 =	vsel vm0, v12, v13  }
0x3b: {  	[tilespmem:v9+s28+$0x0] =	vst.idx.add.s32.msk $0xffff, v3;
	v9 =	vsel vm1, v10, v14;
	v10 =	vshra.s32 v12, $0x14  }
0x3c: {  	v10 =	vand.u32 $0xFFFFFFF0, v10;
	v14 =	vld [tilespmem:s23+$0x10];
	v13 =	vxor.u32 $0x7FFFFFFF, v11;
	vm0 =	vlt.s32 v11, $0x0  }
0x3d: {  	v15 =	vshra.s32 v9, $0x14;
	v10 =	vadd.s32 v2, v10;
	v11 =	vsel vm0, v13, v11  }
0x3e: {  	v13 =	vand.u32 $0xFFFFFFF0, v15;
	v15 =	vshra.s32 v11, $0x14  }
0x3f: {  	s21 =	simm.s32 $0x140;
	v13 =	vadd.s32 v2, v13;
	v15 =	vand.u32 $0xFFFFFFF0, v15  }
0x40: {  	v16 =	vld [tilespmem:s21+$0xFFFFFFC0];
	[tilespmem:s20+$0x0] =	vst v9;
	v9 =	vadd.s32 v4, v15  }
0x41: {  	[tilespmem:s20+$0xFFFFFFC0] =	vst v12;
	vm0 =	vlt.s32 v14, $0x0;
	v17 =	vxor.u32 $0x7FFFFFFF, v14;
	v15 =	vld [tilespmem:s21+$0x0]  }
0x42: {  	v12 =	vsel vm0, v17, v14;
	[tilespmem:v10+s28+$0x0] =	vst.idx.add.s32.msk $0xffff, v3  }
0x43: {  	[tilespmem:s23+$0xFFFFFFD0] =	vst v11;
	v10 =	vshra.s32 v12, $0x14;
	v11 =	vld [tilespmem:s20+$0xFFFFFFD0]  }
0x44: {  	v10 =	vand.u32 $0xFFFFFFF0, v10;
	[tilespmem:v13+s28+$0x0] =	vst.idx.add.s32.msk $0xffff, v3  }
0x45: {  	vm0 =	vlt.s32 v16, $0x0;
	[tilespmem:v9+s28+$0x0] =	vst.idx.add.s32.msk $0xffff, v3;
	v9 =	vadd.s32 v4, v10;
	v10 =	vxor.u32 $0x7FFFFFFF, v16  }
0x46: {  	vm1 =	vlt.s32 v15, $0x0;
	v13 =	vxor.u32 $0x7FFFFFFF, v15;
	v14 =	vld [tilespmem:s23+$0xFFFFFFE0];
	v10 =	vsel vm0, v10, v16  }
0x47: {  	v13 =	vsel vm1, v13, v15;
	v15 =	vld [tilespmem:s20+$0x10];
	v16 =	vshra.s32 v10, $0x14  }
0x48: {  	[tilespmem:s23+$0x10] =	vst v12;
	v17 =	vxor.u32 $0x7FFFFFFF, v11;
	v18 =	vshra.s32 v13, $0x14;
	v12 =	vand.u32 $0xFFFFFFF0, v16  }
0x49: {  	s22 =	simm.s32 $0x1C0;
	vm0 =	vlt.s32 v11, $0x0;
	v16 =	vand.u32 $0xFFFFFFF0, v18;
	v12 =	vadd.s32 v2, v12  }
0x4a: {  	v11 =	vsel vm0, v17, v11;
	v17 =	vld [tilespmem:s22+$0xFFFFFFC0];
	v16 =	vadd.s32 v2, v16  }
0x4b: {  	[tilespmem:v9+s28+$0x0] =	vst.idx.add.s32.msk $0xffff, v3;
	v9 =	vshra.s32 v11, $0x14  }
0x4c: {  	[tilespmem:s21+$0x0] =	vst v13;
	v18 =	vld [tilespmem:s22+$0x0];
	v9 =	vand.u32 $0xFFFFFFF0, v9;
	vm0 =	vlt.s32 v14, $0x0;
	vm1 =	vlt.s32 v15, $0x0  }
0x4d: {  	[tilespmem:s21+$0xFFFFFFC0] =	vst v10;
	v19 =	vxor.u32 $0x7FFFFFFF, v15;
	v13 =	vxor.u32 $0x7FFFFFFF, v14;
	v20 =	vld [tilespmem:s23+$0x20];
	v9 =	vadd.s32 v4, v9  }
0x4e: {  	v15 =	vsel vm1, v19, v15;
	v13 =	vsel vm0, v13, v14;
	[tilespmem:v12+s28+$0x0] =	vst.idx.add.s32.msk $0xffff, v3  }
0x4f: {  	v10 =	vshra.s32 v15, $0x14;
	v12 =	vshra.s32 v13, $0x14;
	[tilespmem:v16+s28+$0x0] =	vst.idx.add.s32.msk $0xffff, v3  }
0x50: {  	[tilespmem:s20+$0xFFFFFFD0] =	vst v11;
	vm0 =	vlt.s32 v17, $0x0;
	v10 =	vand.u32 $0xFFFFFFF0, v10;
	v11 =	vand.u32 $0xFFFFFFF0, v12;
	v12 =	vld [tilespmem:s21+$0xFFFFFFD0]  }
0x51: {  	vm1 =	vlt.s32 v18, $0x0;
	v14 =	vxor.u32 $0x7FFFFFFF, v18;
	[tilespmem:s20+$0x10] =	vst v15;
	v10 =	vadd.s32 v4, v10;
	v15 =	vld [tilespmem:s21+$0x10]  }
0x52: {  	v16 =	vxor.u32 $0x7FFFFFFF, v17;
	vm2 =	vlt.s32 v20, $0x0;
	[tilespmem:v9+s28+$0x0] =	vst.idx.add.s32.msk $0xffff, v3;
	v9 =	vsel vm1, v14, v18  }
0x53: {  	v11 =	vadd.s32 v5, v11;
	v14 =	vsel vm0, v16, v17;
	v16 =	vshra.s32 v9, $0x14  }
0x54: {  	s30 =	simm.s32 $0x240;
	v17 =	vxor.u32 $0x7FFFFFFF, v20;
	v18 =	vld [tilespmem:s20+$0xFFFFFFE0];
	v19 =	vshra.s32 v14, $0x14;
	v16 =	vand.u32 $0xFFFFFFF0, v16  }
0x55: {  	[tilespmem:s23+$0xFFFFFFE0] =	vst v13;
	v13 =	vld [tilespmem:s30+$0x0];
	v17 =	vsel vm2, v17, v20;
	v16 =	vadd.s32 v2, v16;
	v21 =	vxor.u32 $0x7FFFFFFF, v12  }
0x56: {  	vm0 =	vlt.s32 v12, $0x0;
	[tilespmem:v10+s28+$0x0] =	vst.idx.add.s32.msk $0xffff, v3;
	v10 =	vand.u32 $0xFFFFFFF0, v19;
	vm1 =	vlt.s32 v15, $0x0  }
0x57: {  	[tilespmem:s22+$0x0] =	vst v9;
	v19 =	vld [tilespmem:s30+$0xFFFFFFC0];
	v22 =	vxor.u32 $0x7FFFFFFF, v15;
	v12 =	vsel vm0, v21, v12;
	v21 =	vshra.s32 v17, $0x14  }
0x58: {  	[tilespmem:s22+$0xFFFFFFC0] =	vst v14;
	v10 =	vadd.s32 v2, v10;
	v9 =	vld [tilespmem:s20+$0x20];
	v20 =	vshra.s32 v12, $0x14;
	v21 =	vand.u32 $0xFFFFFFF0, v21  }
0x59: {  	[tilespmem:v11+s28+$0x0] =	vst.idx.add.s32.msk $0xffff, v3;
	v20 =	vand.u32 $0xFFFFFFF0, v20;
	vm0 =	vlt.s32 v18, $0x0;
	v11 =	vxor.u32 $0x7FFFFFFF, v18  }
0x5a: {  	[tilespmem:s23+$0x20] =	vst v17;
	v23 =	vld [tilespmem:s23+$0xFFFFFFF0];
	v17 =	vadd.s32 v4, v20;
	v20 =	vsel vm0, v11, v18;
	v18 =	vadd.s32 v5, v21  }
0x5b: {  	vm2 =	vlt.s32 v13, $0x0;
	v22 =	vsel vm1, v22, v15;
	[tilespmem:s21+$0xFFFFFFD0] =	vst v12;
	v12 =	vxor.u32 $0x7FFFFFFF, v13  }
0x5c: {  	v15 =	vsel vm2, v12, v13;
	v11 =	vshra.s32 v22, $0x14;
	[tilespmem:v16+s28+$0x0] =	vst.idx.add.s32.msk $0xffff, v3  }
0x5d: {  	v14 =	vshra.s32 v20, $0x14;
	vm1 =	vlt.s32 v19, $0x0;
	[tilespmem:v10+s28+$0x0] =	vst.idx.add.s32.msk $0xffff, v3;
	v10 =	vand.u32 $0xFFFFFFF0, v11  }
0x5e: {  	v21 =	vand.u32 $0xFFFFFFF0, v14;
	v11 =	vxor.u32 $0x7FFFFFFF, v19;
	vm0 =	vlt.s32 v9, $0x0;
	v14 =	vld [tilespmem:s22+$0xFFFFFFD0]  }
0x5f: {  	v16 =	vadd.s32 v4, v10;
	v11 =	vsel vm1, v11, v19;
	vm1 =	vlt.s32 v23, $0x0;
	[tilespmem:v18+s28+$0x0] =	vst.idx.add.s32.msk $0xffff, v3  }
0x60: {  	[tilespmem:s21+$0x10] =	vst v22;
	v10 =	vshra.s32 v15, $0x14;
	v13 =	vxor.u32 $0x7FFFFFFF, v23;
	v19 =	vadd.s32 v5, v21;
	v12 =	vld [tilespmem:s23+$0x30]  }
0x61: {  	v10 =	vand.u32 $0xFFFFFFF0, v10;
	v23 =	vsel vm1, v13, v23;
	[tilespmem:v17+s28+$0x0] =	vst.idx.add.s32.msk $0xffff, v3;
	v18 =	vxor.u32 $0x7FFFFFFF, v9  }
0x62: {  	s1 =	simm.s32 $0x8;
	s26 =	simm.s32 $0x18000;
	s24 =	simm.s32 $0x240;
	[tilespmem:s20+$0xFFFFFFE0] =	vst v20;
	v17 =	vshra.s32 v11, $0x14;
	v13 =	vadd.s32 v2, v10;
	v22 =	vshra.s32 v23, $0x14;
	v10 =	vld [tilespmem:s21+$0xFFFFFFE0]  }
0x63: {  	s29 =	simm.s32 $0x18000;
	s0 =	simm.s32 $0x18000;
	s25 =	simm.s32 $0x18000;
	[tilespmem:s23+$0xFFFFFFF0] =	vst v23;
	v21 =	vand.u32 $0xFFFFFFF0, v17;
	v17 =	vld [tilespmem:s22+$0x10];
	v22 =	vand.u32 $0xFFFFFFF0, v22;
	v20 =	vxor.u32 $0x7FFFFFFF, v14  }
.LBB2_5:
0x64: {  	s1 =	sadd.s32 $0x2, s1;
	v21 =	vadd.s32 v2, v21;
	s30 =	sadd.s32 $0x80, s30;
	vm1 =	vlt.s32 v14, $0x0;
	[tilespmem:v16+s26+$0x0] =	vst.idx.add.s32.msk $0xffff, v3;
	v16 =	vadd.s32 v6, v22  }
0x65: {  	v9 =	vsel vm0, v18, v9;
	v22 =	vld [tilespmem:s30+$0xFFFFFFC0];
	p0 =	slt.u32 s1, $0x1FE;
	[tilespmem:s24+$0x0] =	vst v15;
	v14 =	vsel vm1, v20, v14;
	vm0 =	vlt.s32 v12, $0x0  }
0x66: {  	v20 =	vxor.u32 $0x7FFFFFFF, v12;
	v15 =	vld [tilespmem:s30+$0x0];
	v18 =	vshra.s32 v14, $0x14;
	[tilespmem:s20+$0x20] =	vst v9;
	v9 =	vshra.s32 v9, $0x14  }
0x67: {  	v18 =	vand.u32 $0xFFFFFFF0, v18;
	vm1 =	vlt.s32 v10, $0x0;
	[tilespmem:v19+s29+$0x0] =	vst.idx.add.s32.msk $0xffff, v3;
	v19 =	vand.u32 $0xFFFFFFF0, v9  }
0x68: {  	v20 =	vsel vm0, v20, v12;
	[tilespmem:s22+$0xFFFFFFD0] =	vst v14;
	v14 =	vadd.s32 v4, v18;
	v18 =	vxor.u32 $0x7FFFFFFF, v10;
	v9 =	vld [tilespmem:s21+$0x20]  }
0x69: {  	vm0 =	vlt.s32 v17, $0x0;
	v12 =	vxor.u32 $0x7FFFFFFF, v17;
	v10 =	vsel vm1, v18, v10;
	[tilespmem:v16+s0+$0x0] =	vst.idx.add.s32.msk $0xffff, v3  }
0x6a: {  	v17 =	vsel vm0, v12, v17;
	v12 =	vadd.s32 v5, v19;
	[tilespmem:s24+$0xFFFFFFC0] =	vst v11;
	v23 =	vld [tilespmem:s20+$0xFFFFFFF0];
	v11 =	vshra.s32 v20, $0x14  }
0x6b: {  	v16 =	vshra.s32 v17, $0x14;
	v18 =	vshra.s32 v10, $0x14;
	[tilespmem:v21+s28+$0x0] =	vst.idx.add.s32.msk $0xffff, v3;
	v11 =	vand.u32 $0xFFFFFFF0, v11  }
0x6c: {  	v19 =	vand.u32 $0xFFFFFFF0, v18;
	[tilespmem:v13+s28+$0x0] =	vst.idx.add.s32.msk $0xffff, v3;
	v13 =	vand.u32 $0xFFFFFFF0, v16;
	v21 =	vadd.s32 v6, v11  }
0x6d: {  	vm1 =	vlt.s32 v22, $0x0;
	v11 =	vxor.u32 $0x7FFFFFFF, v22;
	[tilespmem:v14+s25+$0x0] =	vst.idx.add.s32.msk $0xffff, v3;
	vm0 =	vlt.s32 v9, $0x0  }
0x6e: {  	vm2 =	vlt.s32 v15, $0x0;
	v18 =	vxor.u32 $0x7FFFFFFF, v15;
	v16 =	vadd.s32 v4, v13;
	v14 =	vld [tilespmem:s24+$0xFFFFFFD0];
	[tilespmem:s21+$0xFFFFFFE0] =	vst v10  }
.Ltmp3:
0x6f: {  	v15 =	vsel vm2, v18, v15;
	v11 =	vsel vm1, v11, v22;
	vm1 =	vlt.s32 v23, $0x0;
	[tilespmem:v12+s29+$0x0] =	vst.idx.add.s32.msk $0xffff, v3;
	(pc) =	sbr.rel @p0 .LBB2_5-.Ltmp3, $4  }
0x70: {  	v18 =	vxor.u32 $0x7FFFFFFF, v9;
	v10 =	vshra.s32 v15, $0x14;
	v13 =	vxor.u32 $0x7FFFFFFF, v23;
	v12 =	vld [tilespmem:s20+$0x30];
	[tilespmem:s23+$0x30] =	vst v20;
	s23 =	smov.u32 s20;
	s20 =	smov.u32 s21;
	s21 =	smov.u32 s22  }
0x71: {  	v19 =	vadd.s32 v5, v19;
	v10 =	vand.u32 $0xFFFFFFF0, v10;
	v22 =	vsel vm1, v13, v23;
	s22 =	smov.u32 s24;
	s24 =	smov.u32 s30;
	[tilespmem:v21+s0+$0x0] =	vst.idx.add.s32.msk $0xffff, v3;
	s0 =	smov.u32 s29  }
0x72: {  	v20 =	vshra.s32 v11, $0x14;
	v13 =	vadd.s32 v2, v10;
	v23 =	vshra.s32 v22, $0x14;
	s29 =	smov.u32 s26;
	s26 =	smov.u32 s25;
	s25 =	smov.u32 s28;
	v10 =	vld [tilespmem:s21+$0xFFFFFFE0];
	[tilespmem:s21+$0x10] =	vst v17  }
0x73: {  	v21 =	vand.u32 $0xFFFFFFF0, v20;
	v20 =	vxor.u32 $0x7FFFFFFF, v14;
	v17 =	vld [tilespmem:s22+$0x10];
	[tilespmem:s23+$0xFFFFFFF0] =	vst v22;
	v22 =	vand.u32 $0xFFFFFFF0, v23  }
0x74: {  	_ =	sdelay $0x2  }
0x75: {  	v21 =	vadd.s32 v2, v21  }
0x76: {  	[tilespmem:v16+s26+$0x0] =	vst.idx.add.s32.msk $0xffff, v3  }
0x77: {  	vm1 =	vlt.s32 v14, $0x0;
	[tilespmem:v19+s29+$0x0] =	vst.idx.add.s32.msk $0xffff, v3  }
0x78: {  	v16 =	vadd.s32 v6, v22;
	v9 =	vsel vm0, v18, v9;
	[tilespmem:s24+$0xFFFFFFC0] =	vst v11;
	v14 =	vsel vm1, v20, v14  }
0x79: {  	s28 =	simm.s32 $0x18000;
	[tilespmem:s24+$0x0] =	vst v15;
	vm10 =	vlt.s32 v12, $0x0;
	v18 =	vshra.s32 v9, $0x14;
	v11 =	vshra.s32 v14, $0x14  }
0x7a: {  	v15 =	vxor.u32 $0x7FFFFFFF, v12;
	v18 =	vand.u32 $0xFFFFFFF0, v18;
	v11 =	vand.u32 $0xFFFFFFF0, v11;
	[tilespmem:v21+s28+$0x0] =	vst.idx.add.s32.msk $0xffff, v3  }
0x7b: {  	v12 =	vsel vm10, v15, v12;
	v15 =	vadd.s32 v5, v18;
	v11 =	vadd.s32 v4, v11;
	v19 =	vld [tilespmem:s24+$0xFFFFFFD0]  }
0x7c: {  	[tilespmem:v13+s28+$0x0] =	vst.idx.add.s32.msk $0xffff, v3;
	v18 =	vshra.s32 v12, $0x14;
	vm11 =	vlt.s32 v17, $0x0;
	v13 =	vxor.u32 $0x7FFFFFFF, v17  }
0x7d: {  	[tilespmem:s20+$0x20] =	vst v9;
	v57 =	vld [tilespmem:s24+$0x10];
	v13 =	vsel vm11, v13, v17;
	v17 =	vand.u32 $0xFFFFFFF0, v18  }
0x7e: {  	[tilespmem:v16+s0+$0x0] =	vst.idx.add.s32.msk $0xffff, v3;
	v16 =	vshra.s32 v13, $0x14;
	v17 =	vadd.s32 v6, v17  }
0x7f: {  	[tilespmem:s22+$0xFFFFFFD0] =	vst v14;
	v14 =	vld [tilespmem:s20+$0xFFFFFFF0];
	v16 =	vand.u32 $0xFFFFFFF0, v16  }
0x80: {  	[tilespmem:v11+s25+$0x0] =	vst.idx.add.s32.msk $0xffff, v3;
	v11 =	vadd.s32 v4, v16;
	v18 =	vxor.u32 $0x7FFFFFFF, v19;
	vm12 =	vlt.s32 v19, $0x0  }
0x81: {  	v9 =	vld [tilespmem:s21+$0x20];
	vm13 =	vlt.s32 v10, $0x0;
	[tilespmem:s23+$0x30] =	vst v12;
	v16 =	vsel vm12, v18, v19  }
0x82: {  	vm14 =	vlt.s32 v57, $0x0;
	[tilespmem:v15+s29+$0x0] =	vst.idx.add.s32.msk $0xffff, v3;
	v18 =	vxor.u32 $0x7FFFFFFF, v57;
	v15 =	vshra.s32 v16, $0x14  }
0x83: {  	[tilespmem:v17+s0+$0x0] =	vst.idx.add.s32.msk $0xffff, v3;
	v19 =	vxor.u32 $0x7FFFFFFF, v10;
	v12 =	vand.u32 $0xFFFFFFF0, v15;
	v15 =	vsel vm14, v18, v57  }
0x84: {  	[tilespmem:s22+$0x10] =	vst v13;
	v10 =	vsel vm13, v19, v10;
	v19 =	vld [tilespmem:s22+$0xFFFFFFE0];
	v12 =	vadd.s32 v4, v12;
	v17 =	vshra.s32 v15, $0x14  }
0x85: {  	vm15 =	vlt.s32 v14, $0x0;
	v18 =	vxor.u32 $0x7FFFFFFF, v14;
	[tilespmem:v11+s25+$0x0] =	vst.idx.add.s32.msk $0xffff, v3;
	v13 =	vand.u32 $0xFFFFFFF0, v17  }
0x86: {  	vm4 =	vlt.s32 v9, $0x0;
	v14 =	vsel vm15, v18, v14;
	v58 =	vld [tilespmem:s22+$0x20];
	v11 =	vadd.s32 v4, v13  }
0x87: {  	v17 =	vshra.s32 v10, $0x14;
	v18 =	vshra.s32 v14, $0x14;
	v13 =	vxor.u32 $0x7FFFFFFF, v9  }
0x88: {  	[tilespmem:s24+$0xFFFFFFD0] =	vst v16;
	v17 =	vand.u32 $0xFFFFFFF0, v17;
	v18 =	vand.u32 $0xFFFFFFF0, v18;
	v9 =	vsel vm4, v13, v9  }
0x89: {  	v13 =	vadd.s32 v5, v17;
	v16 =	vadd.s32 v6, v18;
	v17 =	vshra.s32 v9, $0x14;
	[tilespmem:v12+s28+$0x0] =	vst.idx.add.s32.msk $0xffff, v3  }
0x8a: {  	[tilespmem:s24+$0x10] =	vst v15;
	vm5 =	vlt.s32 v19, $0x0;
	v12 =	vand.u32 $0xFFFFFFF0, v17;
	v17 =	vxor.u32 $0x7FFFFFFF, v19;
	v18 =	vld [tilespmem:s24+$0xFFFFFFE0]  }
0x8b: {  	vm6 =	vlt.s32 v58, $0x0;
	v15 =	vsel vm5, v17, v19;
	[tilespmem:v11+s28+$0x0] =	vst.idx.add.s32.msk $0xffff, v3  }
0x8c: {  	[tilespmem:s21+$0xFFFFFFE0] =	vst v10;
	v12 =	vadd.s32 v5, v12;
	v10 =	vshra.s32 v15, $0x14;
	v11 =	vxor.u32 $0x7FFFFFFF, v58;
	v17 =	vld [tilespmem:s24+$0x20]  }
0x8d: {  	v59 =	vld [tilespmem:s20+$0x30];
	[tilespmem:s20+$0xFFFFFFF0] =	vst v14;
	v10 =	vand.u32 $0xFFFFFFF0, v10;
	v11 =	vsel vm6, v11, v58  }
0x8e: {  	[tilespmem:v13+s26+$0x0] =	vst.idx.add.s32.msk $0xffff, v3;
	v10 =	vadd.s32 v5, v10;
	v13 =	vshra.s32 v11, $0x14  }
0x8f: {  	[tilespmem:s21+$0x20] =	vst v9;
	v9 =	vld [tilespmem:s21+$0xFFFFFFF0];
	v13 =	vand.u32 $0xFFFFFFF0, v13;
	vm7 =	vlt.s32 v18, $0x0;
	v14 =	vxor.u32 $0x7FFFFFFF, v18  }
0x90: {  	[tilespmem:v16+s29+$0x0] =	vst.idx.add.s32.msk $0xffff, v3;
	v13 =	vadd.s32 v5, v13;
	v14 =	vsel vm7, v14, v18  }
0x91: {  	[tilespmem:v12+s26+$0x0] =	vst.idx.add.s32.msk $0xffff, v3;
	v12 =	vshra.s32 v14, $0x14;
	vm9 =	vlt.s32 v17, $0x0;
	v16 =	vxor.u32 $0x7FFFFFFF, v17  }
0x92: {  	vm8 =	vlt.s32 v59, $0x0;
	[tilespmem:s22+$0xFFFFFFE0] =	vst v15;
	v15 =	vld [tilespmem:s21+$0x30];
	v12 =	vand.u32 $0xFFFFFFF0, v12;
	v16 =	vsel vm9, v16, v17  }
0x93: {  	v18 =	vxor.u32 $0x7FFFFFFF, v59;
	[tilespmem:v10+s25+$0x0] =	vst.idx.add.s32.msk $0xffff, v3;
	v10 =	vadd.s32 v5, v12;
	v12 =	vshra.s32 v16, $0x14  }
0x94: {  	[tilespmem:s22+$0x20] =	vst v11;
	v17 =	vsel vm8, v18, v59;
	vm10 =	vlt.s32 v9, $0x0;
	v11 =	vld [tilespmem:s22+$0xFFFFFFF0];
	v12 =	vand.u32 $0xFFFFFFF0, v12  }
0x95: {  	v19 =	vxor.u32 $0x7FFFFFFF, v9;
	v18 =	vshra.s32 v17, $0x14;
	[tilespmem:v13+s25+$0x0] =	vst.idx.add.s32.msk $0xffff, v3;
	v12 =	vadd.s32 v5, v12  }
0x96: {  	v9 =	vsel vm10, v19, v9;
	v13 =	vand.u32 $0xFFFFFFF0, v18;
	v18 =	vld [tilespmem:s22+$0x30]  }
0x97: {  	[tilespmem:s24+$0xFFFFFFE0] =	vst v14;
	v19 =	vshra.s32 v9, $0x14;
	vm11 =	vlt.s32 v15, $0x0;
	v60 =	vxor.u32 $0x7FFFFFFF, v15  }
0x98: {  	v13 =	vadd.s32 v6, v13;
	v14 =	vand.u32 $0xFFFFFFF0, v19;
	v15 =	vsel vm11, v60, v15;
	[tilespmem:v10+s28+$0x0] =	vst.idx.add.s32.msk $0xffff, v3  }
0x99: {  	[tilespmem:s24+$0x20] =	vst v16;
	v14 =	vadd.s32 v6, v14;
	v10 =	vshra.s32 v15, $0x14;
	v16 =	vld [tilespmem:s24+$0xFFFFFFF0]  }
0x9a: {  	vm12 =	vlt.s32 v11, $0x0;
	v19 =	vxor.u32 $0x7FFFFFFF, v11;
	v10 =	vand.u32 $0xFFFFFFF0, v10;
	[tilespmem:v12+s28+$0x0] =	vst.idx.add.s32.msk $0xffff, v3  }
0x9b: {  	v11 =	vsel vm12, v19, v11;
	vm13 =	vlt.s32 v18, $0x0;
	v19 =	vxor.u32 $0x7FFFFFFF, v18;
	v61 =	vld [tilespmem:s24+$0x30]  }
0x9c: {  	[tilespmem:s20+$0x30] =	vst v17;
	v12 =	vshra.s32 v11, $0x14;
	v10 =	vadd.s32 v6, v10;
	v17 =	vsel vm13, v19, v18  }
0x9d: {  	[tilespmem:v13+s29+$0x0] =	vst.idx.add.s32.msk $0xffff, v3;
	v12 =	vand.u32 $0xFFFFFFF0, v12;
	v13 =	vshra.s32 v17, $0x14  }
0x9e: {  	[tilespmem:s21+$0xFFFFFFF0] =	vst v9;
	v9 =	vand.u32 $0xFFFFFFF0, v13;
	vm14 =	vlt.s32 v16, $0x0;
	v13 =	vxor.u32 $0x7FFFFFFF, v16  }
0x9f: {  	[tilespmem:s21+$0x30] =	vst v15;
	v12 =	vadd.s32 v6, v12;
	v13 =	vsel vm14, v13, v16  }
0xa0: {  	[tilespmem:v14+s26+$0x0] =	vst.idx.add.s32.msk $0xffff, v3;
	v14 =	vshra.s32 v13, $0x14;
	vm15 =	vlt.s32 v61, $0x0;
	v15 =	vxor.u32 $0x7FFFFFFF, v61  }
0xa1: {  	[tilespmem:v10+s26+$0x0] =	vst.idx.add.s32.msk $0xffff, v3;
	v10 =	vand.u32 $0xFFFFFFF0, v14;
	v14 =	vsel vm15, v15, v61  }
0xa2: {  	[tilespmem:s22+$0xFFFFFFF0] =	vst v11;
	v9 =	vadd.s32 v6, v9;
	v11 =	vshra.s32 v14, $0x14  }
0xa3: {  	[tilespmem:s22+$0x30] =	vst v17;
	v10 =	vadd.s32 v6, v10;
	v11 =	vand.u32 $0xFFFFFFF0, v11  }
0xa4: {  	[tilespmem:s24+$0xFFFFFFF0] =	vst v13;
	v11 =	vadd.s32 v6, v11  }
0xa5: {  	[tilespmem:v12+s25+$0x0] =	vst.idx.add.s32.msk $0xffff, v3  }
0xa6: {  	[tilespmem:s24+$0x30] =	vst v14  }
0xa7: {  	[tilespmem:v9+s25+$0x0] =	vst.idx.add.s32.msk $0xffff, v3  }
0xa8: {  	[tilespmem:v10+s28+$0x0] =	vst.idx.add.s32.msk $0xffff, v3  }
0xa9: {  	s0 =	simm.s32 $0x0;
	[tilespmem:v11+s28+$0x0] =	vst.idx.add.s32.msk $0xffff, v3  }
0xaa: {  	s1 =	sand.u32 $0xFC0, s0;
	v9 =	vld [tilespmem:s28+$0x0]  }
0xab: {  	v11 =	vld [tilespmem:s1+$0x19000]  }
0xac: {  	v12 =	vld [tilespmem:s1+$0x1A000]  }
0xad: {  	v13 =	vld [tilespmem:s1+$0x1B000]  }
0xae: {  	v14 =	vld [tilespmem:s28+$0x10]  }
0xaf: {  	v15 =	vld [tilespmem:s28+$0x1010]  }
0xb0: {  	v16 =	vld [tilespmem:s28+$0x20]  }
0xb1: {  	v17 =	vld [tilespmem:s28+$0x1020]  }
0xb2: {  	v18 =	vld [tilespmem:s28+$0x30]  }
0xb3: {  	v19 =	vld [tilespmem:s28+$0x1030]  }
0xb4: {  	p0 =	por $0x1, $0x1;
	v62 =	vld [tilespmem:s28+$0x2010]  }
.Ltmp4:
0xb5: {  	v10 =	vld [tilespmem:s28+$0x2020];
	(pc) =	sbr.rel @!p0 .LBB2_8-.Ltmp4, $4  }
0xb6: {  	v11 =	vadd.s32 v9, v11;
	v9 =	vld [tilespmem:s28+$0x2030]  }
0xb7: {  	v12 =	vadd.s32 v12, v11;
	v11 =	vld [tilespmem:s28+$0x3010]  }
0xb8: {  	s5 =	simm.s32 $0x0;
	v63 =	vadd.s32 v14, v15;
	v13 =	vadd.s32 v13, v12;
	v12 =	vld [tilespmem:s28+$0x3020]  }
0xb9: {  	s8 =	simm.s32 $0x40;
	s9 =	simm.s32 $0x18040;
	s1 =	simm.s32 $0x18020;
	v14 =	vadd.s32 v16, v17;
	v15 =	vadd.s32 v18, v19;
	v16 =	vadd.s32 v62, v63;
	[tilespmem:s28+$0x0] =	vst v13;
	v13 =	vld [tilespmem:s28+$0x3030]  }
.LBB2_7:
0xba: {  	v17 =	vld [tilespmem:s9+$0x0];
	s7 =	sand.u32 $0xFC0, s8;
	s5 =	sadd.s32 $0x4, s5;
	v10 =	vadd.s32 v10, v14  }
0xbb: {  	v14 =	vld [tilespmem:s7+$0x19000];
	p0 =	slt.u32 s5, $0xFC;
	v9 =	vadd.s32 v9, v15  }
0xbc: {  	v15 =	vld [tilespmem:s7+$0x1A000];
	v11 =	vadd.s32 v11, v16  }
0xbd: {  	v16 =	vld [tilespmem:s7+$0x1B000];
	[tilespmem:s28+$0x10] =	vst v11;
	v10 =	vadd.s32 v12, v10  }
0xbe: {  	v11 =	vld [tilespmem:s9+$0x10];
	[tilespmem:s28+$0x20] =	vst v10;
	v9 =	vadd.s32 v13, v9  }
0xbf: {  	v10 =	vld [tilespmem:s9+$0x1010];
	[tilespmem:s28+$0x30] =	vst v9;
	s28 =	smov.u32 s9  }
0xc0: {  	v9 =	vadd.s32 v17, v14;
	v12 =	vld [tilespmem:s9+$0x20]  }
0xc1: {  	v9 =	vadd.s32 v15, v9;
	v13 =	vld [tilespmem:s9+$0x1020]  }
0xc2: {  	v9 =	vadd.s32 v16, v9;
	v15 =	vld [tilespmem:s9+$0x30]  }
0xc3: {  	[tilespmem:s9+$0x0] =	vst v9;
	v16 =	vld [tilespmem:s9+$0x1030]  }
0xc4: {  	v17 =	vadd.s32 v11, v10;
	v18 =	vld [tilespmem:s9+$0x2010]  }
.Ltmp5:
0xc5: {  	v10 =	vld [tilespmem:s9+$0x2020];
	(pc) =	sbr.rel @p0 .LBB2_7-.Ltmp5, $4  }
0xc6: {  	v14 =	vadd.s32 v12, v13;
	v9 =	vld [tilespmem:s9+$0x2030]  }
0xc7: {  	v11 =	vld [tilespmem:s9+$0x3010]  }
0xc8: {  	v12 =	vld [tilespmem:s9+$0x3020];
	v15 =	vadd.s32 v15, v16  }
0xc9: {  	s8 =	sadd.s32 $0x40, s8;
	s9 =	sadd.s32 $0x40, s9;
	v16 =	vadd.s32 v18, v17;
	v13 =	vld [tilespmem:s28+$0x3030]  }
.LBB2_8:
0xca: {  	_ =	sdelay $0x1  }
0xcb: {  	v10 =	vadd.s32 v10, v14;
	v11 =	vadd.s32 v11, v16  }
0xcc: {  	v9 =	vadd.s32 v9, v15;
	[tilespmem:s28+$0x10] =	vst v11;
	v10 =	vadd.s32 v12, v10  }
0xcd: {  	[tilespmem:s28+$0x20] =	vst v10;
	v9 =	vadd.s32 v13, v9  }
0xce: {  	[tilespmem:s28+$0x30] =	vst v9  }
0xcf: {  	p1 =	por $0x1, $0x1;
	v63 =	vld [tilespmem:s1+$0x10]  }
.Ltmp6:
0xd0: {  	_ = 	snop;
	(pc) =	sbr.rel @!p1 .LBB2_9-.Ltmp6, $4  }
0xd1: {  	_ = 	snop  }
0xd2: {  	v11 =	vld [tilespmem:s1+$0xFFFFFFF0]  }
0xd3: {  	s8 =	simm.s32 $0x4;
	v10 =	vld [tilespmem:s1+$0x0]  }
0xd4: {  	s5 =	simm.s32 $0x1;
	p0 =	por $0x0, $0x0;
	v9 =	vld [tilespmem:s1+$0xFFFFFFE0];
	s1 =	sadd.s32 $0x40, s1;
	(xrf0) =	vadd.scan.msk.s32 $0xffff, v63  }
0xd5: {  	_ = 	snop  }
0xd6: {  	v14 =	vld [tilespmem:s1+$0x10];
	s30 =	simm.s32 $0x2;
	p1 =	por $0x1, $0x1  }
.Ltmp7:
0xd7: {  	v15 =	vmov s30;
	(xrf0) =	vadd.scan.msk.s32 $0xffff, v11;
	(pc) =	sbr.rel @!p1 .LBB2_11-.Ltmp7, $4  }
0xd8: {  	v12 =	vmov s5;
	v11 =	vld [tilespmem:s1+$0xFFFFFFF0];
	v16 =	vand.u32 $0xFFFFFFFE, v15;
	(xrf0) =	vadd.scan.msk.s32 $0xffff, v10  }
0xd9: {  	v13 =	vmov s0;
	s31 =	simm.s32 $0x3;
	v12 =	vand.u32 $0xFFFFFFFD, v12;
	v10 =	vld [tilespmem:s1+$0x0];
	(xrf0) =	vadd.scan.msk.s32 $0xffff, v9  }
0xda: {  	s0 =	simm.s32 $0x8;
	v17 =	vand.u32 $0xFFFFFFFC, v13;
	v12 =	vbroadcast v12, $0x0;
	v15 =	vmov s31;
	v9 =	vld [tilespmem:s1+$0xFFFFFFE0]  }
0xdb: {  	s5 =	simm.s32 $0x5;
	p0 =	por $0x1, $0x1;
	v13 =	vbroadcast v16, $0x0;
	s1 =	sadd.s32 $0x40, s1;
	(xrf0) =	vadd.scan.msk.s32 $0xffff, v14;
	v14 =	vbroadcast v17, $0x0;
	v16, _, _ =	vpop (xrf0)  }
.LBB2_12:
0xdc: {  	p1 =	slt.u32 s0, $0xFC  }
0xdd: {  	v17 =	vld [tilespmem:s1+$0x10];
	v18 =	vmov s8;
	v19 =	vmov s5;
	s5 =	sadd.s32 $0x2, s8;
	(xrf0) =	vadd.scan.msk.s32 $0xffff, v11;
	v23 =	vbroadcast v16, $0xF;
	v20, _, _ =	vpop (xrf0);
	s7 =	smov.u32 s0;
	s0 =	sadd.s32 $0x4, s0  }
.Ltmp8:
0xde: {  	v11 =	vld [tilespmem:s1+$0xFFFFFFF0];
	v19 =	vand.u32 $0xFFFFFFFD, v19;
	v21 =	vmov s5;
	(xrf0) =	vadd.scan.msk.s32 $0xffff, v10;
	v20 =	vbroadcast v20, $0xF;
	v22, _, _ =	vpop (xrf0);
	(pc) =	sbr.rel @p1 .LBB2_12-.Ltmp8, $4  }
0xdf: {  	s5 =	sadd.s32 $0x3, s8;
	v10 =	vld [tilespmem:s1+$0x0];
	v21 =	vand.u32 $0xFFFFFFFE, v21;
	(xrf0) =	vadd.scan.msk.s32 $0xffff, v9;
	v22 =	vbroadcast v22, $0xF;
	[tilespmem:v15+s11+$0x0] =	vst.idx.msk $0x1, v23;
	v16, _, _ =	vpop (xrf0)  }
0xe0: {  	s8 =	smov.u32 s7;
	v15 =	vmov s5;
	v9 =	vld [tilespmem:s1+$0xFFFFFFE0];
	v23 =	vbroadcast v16, $0xF;
	[tilespmem:v12+s11+$0x0] =	vst.idx.msk $0x1, v20;
	v12 =	vbroadcast v19, $0x0  }
0xe1: {  	v18 =	vand.u32 $0xFFFFFFFC, v18;
	[tilespmem:v13+s11+$0x0] =	vst.idx.msk $0x1, v22;
	v13 =	vbroadcast v21, $0x0  }
0xe2: {  	s5 =	sadd.s32 $0x1, s8;
	s1 =	sadd.s32 $0x40, s1;
	(xrf0) =	vadd.scan.msk.s32 $0xffff, v17;
	v16, _, _ =	vpop (xrf0);
	[tilespmem:v14+s11+$0x0] =	vst.idx.msk $0x1, v23;
	v14 =	vbroadcast v18, $0x0  }
0xe3: {  	s0 =	smov.u32 s8  }
.LBB2_14:
0xe4: {  	_ = 	snop  }
0xe5: {  	(xrf0) =	vadd.scan.msk.s32 $0xffff, v11  }
0xe6: {  	v17 =	vmov s5;
	v16 =	vbroadcast @p0 v16, $0xF;
	v18, _, _ =	vpop @p0 (xrf0);
	(xrf0) =	vadd.scan.msk.s32 $0xffff, v10  }
0xe7: {  	v11 =	vmov s0;
	s1 =	sadd.s32 $0x2, s0;
	v10 =	vand.u32 $0xFFFFFFFD, v17;
	(xrf0) =	vadd.scan.msk.s32 $0xffff, v9;
	v9, _, _ =	vpop @p0 (xrf0)  }
0xe8: {  	s21 =	sadd.s32 $0x3, s0;
	v51 =	vmov s1;
	v18 =	vbroadcast @p0 v18, $0xF;
	[tilespmem:v15+s11+$0x0] =	vst.idx.msk @p0 $0x1, v16;
	v9 =	vbroadcast @p0 v9, $0xF;
	v15, _, _ =	vpop @p0 (xrf0)  }
0xe9: {  	v19 =	vmov s21;
	v17 =	vand.u32 $0xFFFFFFFE, v51;
	v10 =	vbroadcast v10, $0x0;
	v53, _, _ =	vpop (xrf0)  }
0xea: {  	v11 =	vand.u32 $0xFFFFFFFC, v11;
	v52 =	vbroadcast v17, $0x0;
	[tilespmem:v13+s11+$0x0] =	vst.idx.msk @p0 $0x1, v9;
	v9 =	vbroadcast v53, $0xF  }
0xeb: {  	v11 =	vbroadcast v11, $0x0;
	v15 =	vbroadcast @p0 v15, $0xF  }
0xec: {  	[tilespmem:v12+s11+$0x0] =	vst.idx.msk @p0 $0x1, v18;
	v54, _, _ =	vpop (xrf0)  }
0xed: {  	[tilespmem:v14+s11+$0x0] =	vst.idx.msk @p0 $0x1, v15;
	v12 =	vbroadcast v54, $0xF;
	v55, _, _ =	vpop (xrf0)  }
0xee: {  	[tilespmem:v19+s11+$0x0] =	vst.idx.msk $0x1, v9;
	v13 =	vbroadcast v55, $0xF;
	v9, _, _ =	vpop (xrf0)  }
0xef: {  	[tilespmem:v10+s11+$0x0] =	vst.idx.msk $0x1, v12;
	v9 =	vbroadcast v9, $0xF  }
0xf0: {  	[tilespmem:v52+s11+$0x0] =	vst.idx.msk $0x1, v13  }
0xf1: {  	s22 =	simm.s32 $0x1C0F0;
	[tilespmem:v11+s11+$0x0] =	vst.idx.msk $0x1, v9  }
0xf2: {  	v9 =	vld [tilespmem:s22+$0x0];
	_ =	sdelay $0x4  }
0xf3: {  	(xrf0) =	vadd.scan.msk.s32 $0xffff, v9;
	_ =	sdelay $0x2  }
0xf4: {  	s23 =	simm.s32 $0x1C0E0  }
0xf5: {  	v10 =	vld [tilespmem:s23+$0x0]  }
0xf6: {  	v9 =	vperm.xlane v9, v7  }
0xf7: {  	v11, _, _ =	vpop (xrf0)  }
0xf8: {  	s24 =	simm.s32 $0x1C0D0;
	(xrf0) =	vadd.scan.msk.s32 $0xffff, v9;
	(v2sf) =	vpush v11, $0xF  }
0xf9: {  	v9 =	vld [tilespmem:s24+$0x0]  }
0xfa: {  	(xrf0) =	vadd.scan.msk.s32 $0xffff, v10;
	v10 =	vperm.xlane v10, v7;
	_ =	sdelay $0x2  }
0xfb: {  	(xrf0) =	vadd.scan.msk.s32 $0xffff, v10  }
0xfc: {  	v10, _, _ =	vpop (xrf0);
	(xrf0) =	vadd.scan.msk.s32 $0xffff, v9;
	_ =	sdelay $0x3  }
0xfd: {  	v11, _, _ =	vpop (xrf0);
	v10 =	vperm.xlane v10, v7  }
0xfe: {  	s25 =	simm.s32 $0x0;
	(v2sf) =	vpush v11, $0xF;
	v11, _, _ =	vpop (xrf0)  }
0xff: {  	v10 =	vadd.s32 s25, v10;
	v56, _, _ =	vpop (xrf0)  }
0x100: {  	s26 =	simm.s32 $0x1C0C0;
	vm0 =	vgt.s32 v10, $0x3F;
	(v2sf) =	vpush v56, $0xF  }
0x101: {  	v57 =	vld [tilespmem:s26+$0x0];
	v9 =	vperm.xlane v9, v7;
	v10 =	vsel vm0, $0x1, v1  }
0x102: {  	(xrf0) =	vadd.scan.msk.s32 $0xffff, v10;
	v10 =	vperm.xlane v11, v7;
	s28 =	spop (v2sf)  }
0x103: {  	s29 =	simm.s32 $0x1C0B0;
	(xrf0) =	vadd.scan.msk.s32 $0xffff, v9;
	s0 =	sadd.s32 $0x0, s28  }
0x104: {  	v9 =	vadd.s32 s0, v10;
	v10 =	vld [tilespmem:s29+$0x0]  }
0x105: {  	vm14 =	vgt.s32 v9, $0x3F  }
0x106: {  	v11 =	vperm.xlane v57, v7;
	(xrf0) =	vadd.scan.msk.s32 $0xffff, v57;
	v9 =	vsel vm14, $0x1, v1  }
0x107: {  	(xrf0) =	vadd.scan.msk.s32 $0xffff, v9  }
0x108: {  	v58, _, _ =	vpop (xrf0);
	(xrf0) =	vadd.scan.msk.s32 $0xffff, v11  }
0x109: {  	(v2sf) =	vpush v58, $0xF;
	v9, _, _ =	vpop (xrf0);
	(xrf0) =	vadd.scan.msk.s32 $0xffff, v10;
	_ =	sdelay $0x2  }
0x10a: {  	v11, _, _ =	vpop (xrf0)  }
0x10b: {  	s30 =	spop (v2sf);
	v9 =	vperm.xlane v9, v7;
	v60, _, _ =	vpop (xrf0)  }
0x10c: {  	s1 =	sadd.s32 s0, s30;
	(v2sf) =	vpush v11, $0xF;
	v62, _, _ =	vpop (xrf0)  }
0x10d: {  	s31 =	spop (v2sf);
	v59 =	vadd.s32 s1, v9;
	(v2sf) =	vpush v60, $0xF;
	v63, _, _ =	vpop (xrf0)  }
0x10e: {  	vm15 =	vgt.s32 v59, $0x3F;
	(v2sf) =	vpush v63, $0xF  }
0x10f: {  	s23 =	simm.s32 $0x1C0A0;
	v61 =	vsel vm15, $0x1, v1  }
0x110: {  	v9 =	vld [tilespmem:s23+$0x0];
	(xrf0) =	vadd.scan.msk.s32 $0xffff, v61;
	_ =	sdelay $0x1  }
0x111: {  	v10 =	vperm.xlane v10, v7  }
0x112: {  	s9 =	simm.s32 $0xEF;
	s20 =	simm.s32 $0xBF;
	s8 =	simm.s32 $0xAF;
	v11 =	vperm.xlane v62, v7  }
0x113: {  	s7 =	simm.s32 $0x8F;
	s21 =	simm.s32 $0xCF;
	s5 =	sadd.s32 s1, s31;
	(xrf0) =	vadd.scan.msk.s32 $0xffff, v10  }
0x114: {  	s22 =	simm.s32 $0xDF;
	s0 =	simm.s32 $0xFFFFFFFF;
	s1 =	simm.s32 $0x9F;
	(xrf0) =	vadd.scan.msk.s32 $0xffff, v9;
	v10 =	vadd.s32 s5, v11  }
.LBB2_15:
0x115: {  	p0 =	sne.s32 s7, $0xFFFFFFFF;
	vm0 =	vgt.s32 v10, $0x3F;
	v10, _, _ =	vpop (xrf0);
	s24 =	spop (v2sf);
	s23 =	sadd.s32 $0xFFFFFFF0, s23  }
0x116: {  	v11 =	vsel vm0, $0x1, v1;
	(v2sf) =	vpush v10, $0xF;
	p1 =	sgt.s32 s24, $0x0;
	s9 =	sadd.s32 s9, s24;
	s24 =	smov.u32 s0  }
0x117: {  	p2 =	slt.s32 s0, $0x0;
	v12 =	vld [tilespmem:s23+$0x0];
	(xrf0) =	vadd.scan.msk.s32 $0xffff, v11;
	s24 =	smov.u32 @p1 s9;
	s9 =	smov.u32 s22  }
.Ltmp9:
0x118: {  	s22 =	smov.u32 s21;
	s0 =	smov.u32 @p2 s24;
	(pc) =	sbr.rel @p0 .LBB2_15-.Ltmp9, $4  }
0x119: {  	v13 =	vperm.xlane v9, v7;
	s21 =	smov.u32 s20;
	s20 =	smov.u32 s8;
	s8 =	smov.u32 s1;
	v10, _, _ =	vpop (xrf0)  }
0x11a: {  	s1 =	smov.u32 s7;
	v11, _, _ =	vpop (xrf0);
	v10 =	vperm.xlane v10, v7;
	s24 =	spop (v2sf)  }
0x11b: {  	(xrf0) =	vadd.scan.msk.s32 $0xffff, v13;
	(v2sf) =	vpush v11, $0xF;
	s5 =	sadd.s32 s5, s24  }
0x11c: {  	s7 =	sadd.s32 $0xFFFFFFF0, s7;
	(xrf0) =	vadd.scan.msk.s32 $0xffff, v12;
	v10 =	vadd.s32 s5, v10;
	v9 =	vmov v12  }
0x11d: {  	_ =	sdelay $0x2  }
0x11e: {  	vm0 =	vgt.s32 v10, $0x3F  }
0x11f: {  	v9 =	vperm.xlane v9, v7;
	v10 =	vsel vm0, $0x1, v1  }
0x120: {  	(xrf0) =	vadd.scan.msk.s32 $0xffff, v10  }
0x121: {  	(xrf0) =	vadd.scan.msk.s32 $0xffff, v9;
	_ =	sdelay $0x1  }
0x122: {  	v9, _, _ =	vpop (xrf0)  }
0x123: {  	s7 =	spop (v2sf);
	v10, _, _ =	vpop (xrf0)  }
0x124: {  	s23 =	spop (v2sf);
	v11, _, _ =	vpop (xrf0);
	v10 =	vperm.xlane v10, v7  }
0x125: {  	s5 =	sadd.s32 s5, s23;
	v12, _, _ =	vpop (xrf0)  }
0x126: {  	v10 =	vadd.s32 s5, v10;
	s31 =	spop (v2sf);
	v13, _, _ =	vpop (xrf0)  }
0x127: {  	vm0 =	vgt.s32 v10, $0x3F;
	v10 =	vperm.xlane v13, v7;
	s24 =	spop (v2sf)  }
0x128: {  	v13 =	vsel vm0, $0x1, v1;
	s5 =	sadd.s32 s5, s24  }
0x129: {  	(xrf0) =	vadd.scan.msk.s32 $0xffff, v13;
	v10 =	vadd.s32 s5, v10  }
0x12a: {  	(v2sf) =	vpush v9, $0xF;
	vm0 =	vgt.s32 v10, $0x3F  }
0x12b: {  	v9 =	vsel vm0, $0x1, v1  }
0x12c: {  	(v2sf) =	vpush v11, $0xF;
	(xrf0) =	vadd.scan.msk.s32 $0xffff, v9  }
0x12d: {  	(v2sf) =	vpush v12, $0xF;
	_ =	sdelay $0x1  }
0x12e: {  	v9, _, _ =	vpop (xrf0)  }
0x12f: {  	(v2sf) =	vpush v9, $0xF;
	_ =	sdelay $0x1  }
0x130: {  	v9, _, _ =	vpop (xrf0)  }
0x131: {  	(v2sf) =	vpush v9, $0xF  }
0x132: {  	p0 =	sgt.s32 s7, $0x0;
	s5 =	sadd.s32 s9, s7;
	s7 =	smov.u32 s0  }
0x133: {  	p1 =	slt.s32 s0, $0x0;
	s7 =	smov.u32 @p0 s5  }
0x134: {  	s0 =	smov.u32 @p1 s7  }
0x135: {  	p0 =	sgt.s32 s31, $0x0;
	s5 =	sadd.s32 s22, s31;
	s7 =	smov.u32 s0  }
0x136: {  	p1 =	slt.s32 s0, $0x0;
	s7 =	smov.u32 @p0 s5  }
0x137: {  	s17 =	spop (v2sf);
	s0 =	smov.u32 @p1 s7  }
0x138: {  	p0 =	sgt.s32 s17, $0x0;
	s5 =	sadd.s32 s21, s17;
	s7 =	smov.u32 s0  }
0x139: {  	p1 =	slt.s32 s0, $0x0;
	s7 =	smov.u32 @p0 s5;
	s22 =	spop (v2sf)  }
0x13a: {  	s0 =	smov.u32 @p1 s7;
	s5 =	spop (v2sf)  }
0x13b: {  	s7 =	smov.u32 s0;
	p0 =	sgt.s32 s5, $0x0;
	s5 =	sadd.s32 s20, s5  }
0x13c: {  	p1 =	slt.s32 s0, $0x0;
	s7 =	smov.u32 @p0 s5  }
0x13d: {  	s0 =	smov.u32 @p1 s7;
	s23 =	spop (v2sf)  }
0x13e: {  	s7 =	smov.u32 s0;
	p0 =	sgt.s32 s23, $0x0;
	s5 =	sadd.s32 s8, s23  }
0x13f: {  	p1 =	slt.s32 s0, $0x0;
	s7 =	smov.u32 @p0 s5  }
0x140: {  	s25 =	simm.s32 $0x20;
	s0 =	smov.u32 @p1 s7;
	s24 =	spop (v2sf)  }
0x141: {  	s5 =	smov.u32 s0;
	p0 =	sgt.s32 s24, $0x0;
	s1 =	sadd.s32 s1, s24  }
0x142: {  	v10 =	vld [tilespmem:s25+$0xFFFFFFE0];
	p1 =	slt.s32 s0, $0x0;
	s5 =	smov.u32 @p0 s1  }
0x143: {  	s0 =	smov.u32 @p1 s5  }
0x144: {  	s20 =	sadd.s32 $0xFFFFFF80, s0  }
0x145: {  	s0 =	sshll.u32 s20, $0x18  }
0x146: {  	v9 =	vmov s0  }
0x147: {  	vm0 =	vge.s32 v10, v9  }
0x148: {  	v10 =	vsel vm0, $0x1, v1  }
0x149: {  	(xrf0) =	vadd.scan.msk.s32 $0xffff, v10;
	_ =	sdelay $0x5  }
0x14a: {  	v10 =	vimm.s32 $0x0;
	v11, _, _ =	vpop (xrf0)  }
0x14b: {  	v11 =	vadd.s32 v11, v10  }
0x14c: {  	v11 =	vadd.s32 $0xFFFFFFFF, v11  }
0x14d: {  	v12 =	vld [tilespmem:s25+$0x0];
	_ =	sdelay $0x1  }
0x14e: {  	s26 =	simm.s32 $0x0  }
0x14f: {  	v13 =	vor.u32 s26, v0  }
0x150: {  	[tilespmem:v11+s12+$0x0] =	vst.idx.msk vm0, v13  }
0x151: {  	vm3 =	vge.s32 v12, v9;
	v11 =	vld [tilespmem:s25+$0xFFFFFFF0]  }
0x152: {  	v12 =	vsel vm3, $0x1, v1  }
0x153: {  	(xrf0) =	vadd.scan.msk.s32 $0xffff, v12;
	_ =	sdelay $0x1  }
0x154: {  	v12 =	vmpcnt.ones.xlane vm0  }
0x155: {  	vm2 =	vge.s32 v11, v9  }
0x156: {  	v11 =	vmpcnt.ones.xlane vm2  }
0x157: {  	v10 =	vadd.s32 v10, v12  }
0x158: {  	v12, _, _ =	vpop (xrf0);
	v11 =	vadd.s32 v10, v11  }
0x159: {  	v12 =	vadd.s32 v12, v11  }
0x15a: {  	v12 =	vadd.s32 $0xFFFFFFFF, v12;
	_ =	sdelay $0x1  }
0x15b: {  	s0 =	simm.s32 $0x60  }
0x15c: {  	v13 =	vld [tilespmem:s0+$0xFFFFFFE0]  }
0x15d: {  	v14 =	vor.u32 s25, v0  }
0x15e: {  	[tilespmem:v12+s12+$0x0] =	vst.idx.msk vm3, v14;
	v12 =	vsel vm2, $0x1, v1  }
0x15f: {  	v14 =	vld [tilespmem:s25+$0x10];
	(xrf0) =	vadd.scan.msk.s32 $0xffff, v12;
	_ =	sdelay $0x1  }
0x160: {  	vm1 =	vge.s32 v13, v9  }
0x161: {  	v12 =	vsel vm1, $0x1, v1  }
0x162: {  	(xrf0) =	vadd.scan.msk.s32 $0xffff, v12  }
0x163: {  	vm0 =	vge.s32 v14, v9  }
0x164: {  	v12 =	vsel vm0, $0x1, v1;
	v13, _, _ =	vpop (xrf0)  }
0x165: {  	(xrf0) =	vadd.scan.msk.s32 $0xffff, v12;
	v12 =	vmpcnt.ones.xlane vm3;
	v10 =	vadd.s32 v13, v10  }
0x166: {  	v13 =	vadd.s32 $0xFFFFFFFF, v10;
	v10 =	vmpcnt.ones.xlane vm0  }
0x167: {  	v17 =	vadd.s32 v11, v12  }
0x168: {  	v11, _, _ =	vpop (xrf0);
	v12 =	vadd.s32 v17, v10  }
0x169: {  	s28 =	simm.s32 $0x10;
	v11 =	vadd.s32 v11, v12  }
0x16a: {  	v14 =	vor.u32 s28, v0;
	v15 =	vadd.s32 $0xFFFFFFFF, v11  }
0x16b: {  	[tilespmem:v13+s12+$0x0] =	vst.idx.msk vm2, v14;
	v14 =	vld [tilespmem:s0+$0x0]  }
0x16c: {  	s30 =	simm.s32 $0x40  }
0x16d: {  	s29 =	simm.s32 $0x30;
	v16 =	vor.u32 s30, v0;
	s31 =	simm.s32 $0x50;
	s21 =	simm.s32 $0x2;
	v18, _, _ =	vpop (xrf0)  }
0x16e: {  	s8 =	simm.s32 $0x60;
	s1 =	simm.s32 $0x60;
	s5 =	simm.s32 $0x70;
	v10 =	vor.u32 s29, v0;
	v11 =	vor.u32 s31, v0;
	v13 =	vadd.s32 v18, v17  }
.LBB2_17:
0x16f: {  	s21 =	sadd.s32 $0x2, s21;
	[tilespmem:v15+s12+$0x0] =	vst.idx.msk vm1, v16;
	v15 =	vor.u32 s5, v0;
	v13 =	vadd.s32 $0xFFFFFFFF, v13  }
0x170: {  	p0 =	slt.u32 s21, $0x3FE;
	v16 =	vld [tilespmem:s0+$0xFFFFFFF0];
	vm2 =	vge.s32 v14, v9  }
0x171: {  	v14 =	vsel vm2, $0x1, v1  }
0x172: {  	(xrf0) =	vadd.scan.msk.s32 $0xffff, v14;
	_ =	sdelay $0x1  }
0x173: {  	[tilespmem:v13+s12+$0x0] =	vst.idx.msk vm0, v10;
	v10 =	vmov v15  }
0x174: {  	v13 =	vmpcnt.ones.xlane vm1;
	vm0 =	vge.s32 v16, v9  }
0x175: {  	v16 =	vsel vm0, $0x1, v1;
	v15 =	vmpcnt.ones.xlane vm0  }
0x176: {  	v12 =	vadd.s32 v12, v13;
	(xrf0) =	vadd.scan.msk.s32 $0xffff, v16  }
0x177: {  	v13 =	vadd.s32 v12, v15;
	v14, _, _ =	vpop (xrf0)  }
0x178: {  	v14 =	vadd.s32 v14, v13  }
0x179: {  	s0 =	sadd.s32 $0x40, s0;
	v14 =	vadd.s32 $0xFFFFFFFF, v14  }
0x17a: {  	v15 =	vld [tilespmem:s0+$0xFFFFFFE0];
	_ =	sdelay $0x1  }
0x17b: {  	v16, _, _ =	vpop (xrf0)  }
0x17c: {  	v12 =	vadd.s32 v16, v12;
	v16 =	vor.u32 s8, v0  }
0x17d: {  	v12 =	vadd.s32 $0xFFFFFFFF, v12;
	[tilespmem:v14+s12+$0x0] =	vst.idx.msk vm2, v16  }
0x17e: {  	vm1 =	vge.s32 v15, v9;
	v14 =	vld [tilespmem:s1+$0x10];
	s1 =	smov.u32 s0  }
0x17f: {  	v15 =	vsel vm1, $0x1, v1  }
0x180: {  	(xrf0) =	vadd.scan.msk.s32 $0xffff, v15;
	_ =	sdelay $0x1  }
0x181: {  	[tilespmem:v12+s12+$0x0] =	vst.idx.msk vm0, v11  }
0x182: {  	v15 =	vmpcnt.ones.xlane vm2;
	vm0 =	vge.s32 v14, v9  }
0x183: {  	v12 =	vsel vm0, $0x1, v1;
	v14 =	vmpcnt.ones.xlane vm0  }
0x184: {  	v13 =	vadd.s32 v13, v15;
	(xrf0) =	vadd.scan.msk.s32 $0xffff, v12  }
0x185: {  	v11, _, _ =	vpop (xrf0);
	v12 =	vadd.s32 v13, v14  }
0x186: {  	v11 =	vadd.s32 v11, v12  }
.Ltmp10:
0x187: {  	v15 =	vadd.s32 $0xFFFFFFFF, v11;
	(pc) =	sbr.rel @p0 .LBB2_17-.Ltmp10, $4  }
0x188: {  	v14 =	vld [tilespmem:s0+$0x0]  }
0x189: {  	s8 =	sadd.s32 $0x40, s8  }
0x18a: {  	s7 =	sadd.s32 $0xFFFFFFE0, s8;
	s9 =	sadd.s32 $0xFFFFFFF0, s8;
	s5 =	sadd.s32 $0x10, s8;
	v17, _, _ =	vpop (xrf0)  }
0x18b: {  	v16 =	vor.u32 s7, v0;
	v11 =	vor.u32 s9, v0;
	v13 =	vadd.s32 v17, v13  }
0x18c: {  	_ =	sdelay $0x4  }
0x18d: {  	[tilespmem:v15+s12+$0x0] =	vst.idx.msk vm1, v16  }
0x18e: {  	v15 =	vld [tilespmem:s0+$0xFFFFFFF0];
	vm2 =	vge.s32 v14, v9  }
0x18f: {  	v14 =	vsel vm2, $0x1, v1  }
0x190: {  	(xrf0) =	vadd.scan.msk.s32 $0xffff, v14;
	_ =	sdelay $0x2  }
0x191: {  	v58 =	vmpcnt.ones.xlane vm1;
	vm15 =	vge.s32 v15, v9  }
0x192: {  	v15 =	vmpcnt.ones.xlane vm15  }
0x193: {  	v12 =	vadd.s32 v12, v58  }
0x194: {  	v14 =	vadd.s32 v12, v15;
	v59, _, _ =	vpop (xrf0)  }
0x195: {  	v15 =	vadd.s32 v59, v14  }
0x196: {  	v15 =	vadd.s32 $0xFFFFFFFF, v15;
	_ =	sdelay $0x3  }
0x197: {  	v60 =	vor.u32 s8, v0  }
0x198: {  	[tilespmem:v15+s12+$0x0] =	vst.idx.msk vm2, v60  }
0x199: {  	v15 =	vld [tilespmem:s1+$0x10];
	_ =	sdelay $0x4  }
0x19a: {  	v61 =	vsel vm15, $0x1, v1;
	vm3 =	vge.s32 v15, v9  }
0x19b: {  	(xrf0) =	vadd.scan.msk.s32 $0xffff, v61;
	v9 =	vsel vm3, $0x1, v1  }
0x19c: {  	(xrf0) =	vadd.scan.msk.s32 $0xffff, v9;
	_ =	sdelay $0x3  }
0x19d: {  	v9 =	vmpcnt.ones.xlane vm2  }
0x19e: {  	v62, _, _ =	vpop (xrf0)  }
0x19f: {  	v13 =	vadd.s32 $0xFFFFFFFF, v13;
	v12 =	vadd.s32 v62, v12;
	v9 =	vadd.s32 v14, v9;
	v63, _, _ =	vpop (xrf0)  }
0x1a0: {  	v12 =	vadd.s32 $0xFFFFFFFF, v12;
	v14 =	vadd.s32 v63, v9  }
0x1a1: {  	v14 =	vadd.s32 $0xFFFFFFFF, v14;
	_ =	sdelay $0x2  }
0x1a2: {  	[tilespmem:v13+s12+$0x0] =	vst.idx.msk vm0, v10  }
0x1a3: {  	v10 =	vor.u32 s5, v0;
	[tilespmem:v12+s12+$0x0] =	vst.idx.msk vm15, v11  }
0x1a4: {  	s0 =	simm.s32 $0x18040;
	[tilespmem:v14+s12+$0x0] =	vst.idx.msk vm3, v10  }
0x1a5: {  	[tilespmem:s0+$0xFFFFFFC0] =	vst v1  }
0x1a6: {  	p0 =	por $0x1, $0x1;
	[tilespmem:s0+$0x30] =	vst v1  }
.Ltmp11:
0x1a7: {  	[tilespmem:s0+$0x20] =	vst v1;
	(pc) =	sbr.rel @!p0 .LBB2_20-.Ltmp11, $4  }
0x1a8: {  	[tilespmem:s0+$0x10] =	vst v1  }
0x1a9: {  	v10 =	vmpcnt.ones.xlane vm3;
	[tilespmem:s0+$0x0] =	vst v1  }
0x1aa: {  	[tilespmem:s0+$0xFFFFFFF0] =	vst v1  }
0x1ab: {  	s1 =	simm.s32 $0x0;
	[tilespmem:s0+$0xFFFFFFE0] =	vst v1;
	v9 =	vadd.s32 v9, v10  }
.LBB2_19:
0x1ac: {  	s1 =	sadd.s32 $0x8, s1;
	[tilespmem:s0+$0xFFFFFFD0] =	vst v1;
	s0 =	sadd.s32 $0x80, s0  }
0x1ad: {  	[tilespmem:s0+$0xFFFFFFC0] =	vst v1;
	p0 =	slt.u32 s1, $0xF8  }
0x1ae: {  	[tilespmem:s0+$0x30] =	vst v1  }
.Ltmp12:
0x1af: {  	[tilespmem:s0+$0x20] =	vst v1;
	(pc) =	sbr.rel @p0 .LBB2_19-.Ltmp12, $4  }
0x1b0: {  	[tilespmem:s0+$0x10] =	vst v1  }
0x1b1: {  	[tilespmem:s0+$0x0] =	vst v1  }
0x1b2: {  	[tilespmem:s0+$0xFFFFFFF0] =	vst v1  }
0x1b3: {  	[tilespmem:s0+$0xFFFFFFE0] =	vst v1  }
.LBB2_20:
0x1b4: {  	v9 =	vxor.u32 $0x80000000, v9  }
0x1b5: {  	(xrf0) =	vmax.scan.msk.u32 $0xffff, v9;
	_ =	sdelay $0x5  }
0x1b6: {  	v9, _, _ =	vpop (xrf0)  }
0x1b7: {  	(v2sf) =	vpush v9, $0xF;
	_ =	sdelay $0xe  }
0x1b8: {  	s1 =	spop (v2sf)  }
0x1b9: {  	s5 =	sadd.s32 $0x8000000F, s1  }
0x1ba: {  	s7 =	sand.u32 $0xF, s5  }
0x1bb: {  	s31 =	sshra.s32 s5, $0x1F;
	p1 =	slt.s32 s5, $0x1;
	p0 =	sne.s32 s7, $0x0  }
0x1bc: {  	s7 =	sshrl.u32 s31, $0x1C;
	p0 =	por !p1, !p0  }
0x1bd: {  	s5 =	sadd.s32 s7, s5;
	s7 =	simm.s32 $0x1;
	p0 =	por !p0, !p0  }
0x1be: {  	s5 =	sshra.s32 s5, $0x4;
	s7 =	simm.s32 @!p0 $0x0  }
0x1bf: {  	s21 =	ssub.s32 s5, s7  }
0x1c0: {  	p0 =	slt.s32 s21, $0x1  }
.Ltmp13:
0x1c1: {  	_ = 	snop;
	(pc) =	sbr.rel @p0 .LBB2_21-.Ltmp13, $3  }
0x1c2: {  	_ =	sdelay $0x1  }
0x1c3: {  	s1 =	sxor.u32 $0x80000000, s1  }
0x1c4: {  	[tilespmem:s0+$0xFFFFFFD0] =	vst v1;
	v9 =	vmov s1  }
0x1c5: {  	v11 =	vmov s20;
	v10 =	vimm.s32 $0x0;
	s0 =	simm.s32 $0x8000;
	s1 =	simm.s32 $0x0;
	s5 =	smov.u32 s21  }
.LBB2_28:
0x1c6: {  	v12 =	vld [tilespmem:s0+$0x0]  }
0x1c7: {  	v13 =	vor.u32 s1, v0  }
0x1c8: {  	vm0 =	vlt.s32 v13, v9;
	_ =	sdelay $0x5  }
0x1c9: {  	v12 =	vld.idx.msk [tilespmem:v12+s3+$0x0], vm0;
	_ =	sdelay $0x4  }
0x1ca: {  	v62 =	vshra.s32 v12, $0x18  }
0x1cb: {  	v12 =	vshrl.u32 v12, $0x10;
	vm1 =	veq.s32 v62, v11  }
0x1cc: {  	v12 =	vand.u32 $0xFF, v12;
	vm1 =	vmand vm0, vm1  }
0x1cd: {  	p1 =	seq.s32 s5, $0x1;
	v12 =	vor.u32 v8, v12  }
.Ltmp14:
0x1ce: {  	vm2 =	vgt.s32 v62, v11;
	(pc) =	sbr.rel @!p1 .LBB2_28-.Ltmp14, $3  }
0x1cf: {  	vm0 =	vmand vm0, vm2  }
0x1d0: {  	v63 =	vmpcnt.ones.xlane vm0;
	_ =	sdelay $0x1  }
0x1d1: {  	s0 =	sadd.s32 $0x10, s0;
	s1 =	sadd.s32 $0x10, s1;
	s5 =	sadd.s32 $0xFFFFFFFF, s5;
	v10 =	vadd.s32 v10, v63;
	[tilespmem:v12+s13+$0x0] =	vst.idx.add.s32.msk vm1, v3  }
.Ltmp15:
0x1d2: {  	(pc) =	sbr.rel .LBB2_23-.Ltmp15, $2  }
0x1d3: {  	_ =	sdelay $0x2  }
0x1d4: {  	v10 =	vxor.u32 $0x80000000, v10  }
.LBB2_21:
0x1d5: {  	v10 =	vimm.s32 $0x80000000  }
.LBB2_23:
0x1d6: {  	s1 =	simm.s32 $0x18810;
	s0 =	simm.s32 $0x0  }
0x1d7: {  	v11 =	vld [tilespmem:s1+$0xFFFFF7F0];
	s0 =	sand.u32 $0xE0, s0  }
0x1d8: {  	v12 =	vld [tilespmem:s0+$0x18100]  }
0x1d9: {  	v13 =	vld [tilespmem:s0+$0x18200]  }
0x1da: {  	v14 =	vld [tilespmem:s0+$0x18300]  }
0x1db: {  	v15 =	vld [tilespmem:s0+$0x18400]  }
0x1dc: {  	v16 =	vld [tilespmem:s0+$0x18500]  }
0x1dd: {  	v17 =	vld [tilespmem:s0+$0x18600]  }
0x1de: {  	v18 =	vld [tilespmem:s0+$0x18700]  }
0x1df: {  	v19 =	vld [tilespmem:s0+$0x18800]  }
0x1e0: {  	v20 =	vld [tilespmem:s0+$0x18900]  }
0x1e1: {  	v21 =	vld [tilespmem:s0+$0x18A00]  }
0x1e2: {  	v22 =	vld [tilespmem:s0+$0x18B00]  }
0x1e3: {  	v23 =	vld [tilespmem:s0+$0x18C00]  }
0x1e4: {  	v24 =	vld [tilespmem:s0+$0x18D00]  }
0x1e5: {  	v25 =	vld [tilespmem:s0+$0x18E00]  }
0x1e6: {  	v26 =	vld [tilespmem:s0+$0x18F00]  }
0x1e7: {  	v11 =	vadd.s32 v11, v12;
	v12 =	vld [tilespmem:s1+$0xFFFFF800]  }
0x1e8: {  	v11 =	vadd.s32 v13, v11;
	v13 =	vld [tilespmem:s1+$0xFFFFF900]  }
0x1e9: {  	v11 =	vadd.s32 v14, v11;
	v14 =	vld [tilespmem:s1+$0xFFFFFA00]  }
0x1ea: {  	v11 =	vadd.s32 v15, v11;
	v15 =	vld [tilespmem:s1+$0xFFFFFB00]  }
0x1eb: {  	v11 =	vadd.s32 v16, v11;
	v16 =	vld [tilespmem:s1+$0xFFFFFC00]  }
0x1ec: {  	v11 =	vadd.s32 v17, v11;
	v17 =	vld [tilespmem:s1+$0xFFFFFD00]  }
0x1ed: {  	v11 =	vadd.s32 v18, v11;
	v12 =	vadd.s32 v12, v13;
	v13 =	vld [tilespmem:s1+$0xFFFFFE00]  }
0x1ee: {  	v11 =	vadd.s32 v19, v11;
	v12 =	vadd.s32 v14, v12;
	v14 =	vld [tilespmem:s1+$0xFFFFFF00]  }
0x1ef: {  	v11 =	vadd.s32 v20, v11;
	v12 =	vadd.s32 v15, v12;
	v15 =	vld [tilespmem:s1+$0x0]  }
0x1f0: {  	v11 =	vadd.s32 v21, v11;
	v12 =	vadd.s32 v16, v12;
	v16 =	vld [tilespmem:s1+$0x100]  }
0x1f1: {  	v11 =	vadd.s32 v22, v11;
	v12 =	vadd.s32 v17, v12;
	v17 =	vld [tilespmem:s1+$0x200]  }
0x1f2: {  	v18 =	vadd.s32 v23, v11;
	v12 =	vadd.s32 v13, v12;
	v11 =	vld [tilespmem:s1+$0x300]  }
0x1f3: {  	v13 =	vadd.s32 v24, v18;
	v14 =	vadd.s32 v14, v12;
	v12 =	vld [tilespmem:s1+$0x400]  }
0x1f4: {  	v18 =	vadd.s32 v25, v13;
	v14 =	vadd.s32 v15, v14;
	v13 =	vld [tilespmem:s1+$0x500]  }
0x1f5: {  	s22 =	simm.s32 $0x1C010;
	v15 =	vadd.s32 v26, v18;
	v16 =	vadd.s32 v16, v14;
	v14 =	vld [tilespmem:s1+$0x600]  }
0x1f6: {  	s8 =	simm.s32 $0x20;
	s0 =	simm.s32 $0x0;
	[tilespmem:s22+$0xFFFFFFF0] =	vst v15;
	v16 =	vadd.s32 v17, v16;
	v15 =	vld [tilespmem:s1+$0x700];
	s1 =	simm.s32 $0x18830  }
.LBB2_24:
0x1f7: {  	v17 =	vld [tilespmem:s1+$0xFFFFF7F0];
	s5 =	sand.u32 $0xE0, s8;
	s0 =	sadd.s32 $0x2, s0;
	v11 =	vadd.s32 v11, v16  }
0x1f8: {  	v16 =	vld [tilespmem:s5+$0x18100];
	p1 =	slt.u32 s0, $0xE;
	v11 =	vadd.s32 v12, v11  }
0x1f9: {  	v12 =	vld [tilespmem:s5+$0x18200];
	v11 =	vadd.s32 v13, v11  }
0x1fa: {  	v13 =	vld [tilespmem:s5+$0x18300];
	v11 =	vadd.s32 v14, v11  }
0x1fb: {  	v14 =	vld [tilespmem:s5+$0x18400];
	v11 =	vadd.s32 v15, v11  }
0x1fc: {  	v15 =	vld [tilespmem:s5+$0x18500];
	[tilespmem:s22+$0x0] =	vst v11  }
0x1fd: {  	v11 =	vadd.s32 v17, v16;
	v16 =	vld [tilespmem:s5+$0x18600]  }
0x1fe: {  	v11 =	vadd.s32 v12, v11;
	v12 =	vld [tilespmem:s5+$0x18700]  }
0x1ff: {  	v11 =	vadd.s32 v13, v11;
	v13 =	vld [tilespmem:s5+$0x18800]  }
0x200: {  	v11 =	vadd.s32 v14, v11;
	v14 =	vld [tilespmem:s5+$0x18900]  }
0x201: {  	v11 =	vadd.s32 v15, v11;
	v15 =	vld [tilespmem:s5+$0x18A00]  }
0x202: {  	v11 =	vadd.s32 v16, v11;
	v16 =	vld [tilespmem:s5+$0x18B00]  }
0x203: {  	v11 =	vadd.s32 v12, v11;
	v12 =	vld [tilespmem:s5+$0x18C00]  }
0x204: {  	v11 =	vadd.s32 v13, v11;
	v13 =	vld [tilespmem:s5+$0x18D00]  }
0x205: {  	v11 =	vadd.s32 v14, v11;
	v14 =	vld [tilespmem:s5+$0x18E00]  }
0x206: {  	v11 =	vadd.s32 v15, v11;
	v15 =	vld [tilespmem:s5+$0x18F00]  }
0x207: {  	v11 =	vadd.s32 v16, v11;
	v16 =	vld [tilespmem:s1+$0xFFFFF800]  }
0x208: {  	v11 =	vadd.s32 v12, v11;
	v12 =	vld [tilespmem:s1+$0xFFFFF900]  }
0x209: {  	v11 =	vadd.s32 v13, v11;
	v13 =	vld [tilespmem:s1+$0xFFFFFA00]  }
0x20a: {  	v11 =	vadd.s32 v14, v11;
	v14 =	vld [tilespmem:s1+$0xFFFFFB00]  }
0x20b: {  	s22 =	sadd.s32 $0x20, s22;
	v11 =	vadd.s32 v15, v11;
	v15 =	vld [tilespmem:s1+$0xFFFFFC00]  }
0x20c: {  	[tilespmem:s22+$0xFFFFFFF0] =	vst v11;
	v11 =	vld [tilespmem:s1+$0xFFFFFD00]  }
0x20d: {  	v12 =	vadd.s32 v16, v12;
	v16 =	vld [tilespmem:s1+$0xFFFFFE00]  }
0x20e: {  	v12 =	vadd.s32 v13, v12;
	v13 =	vld [tilespmem:s1+$0xFFFFFF00]  }
0x20f: {  	v12 =	vadd.s32 v14, v12;
	v14 =	vld [tilespmem:s1+$0x0]  }
0x210: {  	v12 =	vadd.s32 v15, v12;
	v15 =	vld [tilespmem:s1+$0x100]  }
0x211: {  	v11 =	vadd.s32 v11, v12;
	v17 =	vld [tilespmem:s1+$0x200]  }
.Ltmp16:
0x212: {  	v12 =	vadd.s32 v16, v11;
	v11 =	vld [tilespmem:s1+$0x300];
	(pc) =	sbr.rel @p1 .LBB2_24-.Ltmp16, $4  }
0x213: {  	v13 =	vadd.s32 v13, v12;
	v12 =	vld [tilespmem:s1+$0x400]  }
0x214: {  	v14 =	vadd.s32 v14, v13;
	v13 =	vld [tilespmem:s1+$0x500]  }
0x215: {  	v15 =	vadd.s32 v15, v14;
	v14 =	vld [tilespmem:s1+$0x600]  }
0x216: {  	s8 =	sadd.s32 $0x20, s8;
	v16 =	vadd.s32 v17, v15;
	v15 =	vld [tilespmem:s1+$0x700];
	s1 =	sadd.s32 $0x20, s1  }
0x217: {  	(xrf0) =	vmax.scan.msk.u32 $0xffff, v10;
	_ =	sdelay $0x5  }
0x218: {  	v10, _, _ =	vpop (xrf0)  }
0x219: {  	(v2sf) =	vpush v10, $0xF;
	_ =	sdelay $0x8  }
0x21a: {  	v10 =	vadd.s32 v11, v16  }
0x21b: {  	v10 =	vadd.s32 v12, v10  }
0x21c: {  	v10 =	vadd.s32 v13, v10  }
0x21d: {  	v10 =	vadd.s32 v14, v10  }
0x21e: {  	v10 =	vadd.s32 v15, v10  }
0x21f: {  	s0 =	simm.s32 $0x1C0F0;
	[tilespmem:s22+$0x0] =	vst v10  }
0x220: {  	p6 =	por $0x0, $0x0;
	v11 =	vld [tilespmem:s0+$0x0];
	s1 =	spop (v2sf)  }
.Ltmp17:
0x221: {  	s24 =	simm.s32 $0x0;
	s31 =	sxor.u32 $0x80000000, s1;
	(pc) =	sbr.rel @p6 .LBB2_26-.Ltmp17, $4  }
0x222: {  	s23 =	simm.s32 $0xEF;
	s26 =	simm.s32 $0xDF;
	s0 =	ssub.s32 $0x40, s31  }
0x223: {  	p1 =	por $0x0, $0x0;
	p2 =	por $0x0, $0x0;
	v10 =	vmov s0;
	s0 =	simm.s32 @!p0 $0x0  }
0x224: {  	p3 =	por $0x0, $0x0;
	p4 =	por $0x0, $0x0;
	s0 =	simm.s32 @p0 $0x1  }
0x225: {  	p5 =	por $0x0, $0x0;
	s22 =	simm.s32 $0xFFFFFFFF;
	(xrf0) =	vadd.scan.msk.s32 $0xffff, v11;
	[smem:$0x7FD] =	sst s0  }
0x226: {  	s0 =	simm.s32 $0x1C0E0  }
0x227: {  	p6 =	por $0x0, $0x0;
	v12 =	vld [tilespmem:s0+$0x0]  }
.Ltmp18:
0x228: {  	_ = 	snop;
	(pc) =	sbr.rel @p6 .LBB2_30-.Ltmp18, $3  }
0x229: {  	v11 =	vperm.xlane v11, v7;
	_ =	sdelay $0x1  }
0x22a: {  	(xrf0) =	vadd.scan.msk.s32 $0xffff, v11;
	v13, _, _ =	vpop (xrf0)  }
0x22b: {  	s28 =	simm.s32 $0xCF;
	p1 =	por $0x1, $0x1;
	(v2sf) =	vpush v13, $0xF;
	(xrf0) =	vadd.scan.msk.s32 $0xffff, v12  }
0x22c: {  	_ = 	snop  }
0x22d: {  	s0 =	simm.s32 $0x1C0D0  }
0x22e: {  	p6 =	por $0x0, $0x0;
	v11 =	vld [tilespmem:s0+$0x0]  }
.Ltmp19:
0x22f: {  	_ = 	snop;
	(pc) =	sbr.rel @p6 .LBB2_32-.Ltmp19, $4  }
0x230: {  	v12 =	vperm.xlane v12, v7;
	v13, _, _ =	vpop (xrf0)  }
0x231: {  	v13 =	vperm.xlane v13, v7  }
0x232: {  	(xrf0) =	vadd.scan.msk.s32 $0xffff, v12;
	v14, _, _ =	vpop (xrf0)  }
0x233: {  	s9 =	simm.s32 $0xBF;
	p2 =	por $0x1, $0x1;
	(v2sf) =	vpush v14, $0xF;
	(xrf0) =	vadd.scan.msk.s32 $0xffff, v11;
	v13 =	vadd.s32 s24, v13  }
0x234: {  	_ =	sdelay $0x1  }
0x235: {  	s0 =	simm.s32 $0x1C0C0  }
0x236: {  	p6 =	por $0x0, $0x0;
	v12 =	vld [tilespmem:s0+$0x0]  }
.Ltmp20:
0x237: {  	vm0 =	vge.s32 v13, v10;
	(pc) =	sbr.rel @p6 .LBB2_34-.Ltmp20, $4  }
0x238: {  	v11 =	vperm.xlane v11, v7;
	v13 =	vsel vm0, $0x1, v1;
	v14, _, _ =	vpop (xrf0)  }
0x239: {  	(xrf0) =	vadd.scan.msk.s32 $0xffff, v13;
	v13 =	vperm.xlane v14, v7;
	s30 =	spop (v2sf)  }
0x23a: {  	(xrf0) =	vadd.scan.msk.s32 $0xffff, v11;
	v14, _, _ =	vpop (xrf0);
	s31 =	sadd.s32 $0x0, s30  }
0x23b: {  	s29 =	simm.s32 $0xAF;
	p3 =	por $0x1, $0x1;
	(v2sf) =	vpush v14, $0xF;
	(xrf0) =	vadd.scan.msk.s32 $0xffff, v12;
	v13 =	vadd.s32 s31, v13  }
0x23c: {  	_ =	sdelay $0x2  }
0x23d: {  	vm0 =	vge.s32 v13, v10;
	v13, _, _ =	vpop (xrf0)  }
0x23e: {  	(v2sf) =	vpush v13, $0xF;
	_ =	sdelay $0x2  }
0x23f: {  	v15, _, _ =	vpop (xrf0)  }
0x240: {  	v13, _, _ =	vpop (xrf0)  }
0x241: {  	s30 =	spop (v2sf);
	(v2sf) =	vpush v13, $0xF;
	_ =	sdelay $0x2  }
0x242: {  	s0 =	simm.s32 $0x1C0B0  }
0x243: {  	p6 =	por $0x0, $0x0;
	v11 =	vld [tilespmem:s0+$0x0]  }
.Ltmp21:
0x244: {  	_ = 	snop;
	(pc) =	sbr.rel @p6 .LBB2_36-.Ltmp21, $4  }
0x245: {  	v12 =	vperm.xlane v12, v7;
	v14 =	vsel vm0, $0x1, v1  }
0x246: {  	(xrf0) =	vadd.scan.msk.s32 $0xffff, v14;
	v14 =	vperm.xlane v15, v7  }
0x247: {  	(xrf0) =	vadd.scan.msk.s32 $0xffff, v12;
	s31 =	sadd.s32 s31, s30  }
0x248: {  	s25 =	simm.s32 $0x9F;
	p4 =	por $0x1, $0x1;
	(xrf0) =	vadd.scan.msk.s32 $0xffff, v11;
	v12 =	vadd.s32 s31, v14  }
0x249: {  	_ =	sdelay $0x2  }
0x24a: {  	v13, _, _ =	vpop (xrf0)  }
0x24b: {  	v16, _, _ =	vpop (xrf0)  }
0x24c: {  	(v2sf) =	vpush v13, $0xF;
	v13, _, _ =	vpop (xrf0)  }
0x24d: {  	vm0 =	vge.s32 v12, v10;
	(v2sf) =	vpush v13, $0xF  }
0x24e: {  	s5 =	simm.s32 $0x1C0A0;
	v15 =	vsel vm0, $0x1, v1  }
0x24f: {  	p6 =	por $0x0, $0x0;
	v14 =	vld [tilespmem:s5+$0x0];
	(xrf0) =	vadd.scan.msk.s32 $0xffff, v15  }
.Ltmp22:
0x250: {  	_ = 	snop;
	(pc) =	sbr.rel @p6 .LBB2_38-.Ltmp22, $4  }
0x251: {  	v11 =	vperm.xlane v11, v7  }
0x252: {  	s0 =	spop (v2sf);
	v15 =	vperm.xlane v16, v7  }
0x253: {  	s7 =	simm.s32 $0x8F;
	s1 =	simm.s32 $0xEF;
	s31 =	sadd.s32 s31, s0;
	(xrf0) =	vadd.scan.msk.s32 $0xffff, v11  }
0x254: {  	s30 =	simm.s32 $0xFFFFFFFF;
	s8 =	simm.s32 $0xCF;
	s0 =	simm.s32 $0xDF;
	(xrf0) =	vadd.scan.msk.s32 $0xffff, v14;
	v13 =	vadd.s32 s31, v15  }
.LBB2_39:
0x255: {  	p6 =	seq.s32 s7, $0xFFFFFFFF;
	vm0 =	vge.s32 v13, v10;
	v11, _, _ =	vpop (xrf0);
	s17 =	spop (v2sf);
	s5 =	sadd.s32 $0xFFFFFFF0, s5  }
0x256: {  	v13 =	vsel vm0, $0x1, v1;
	(v2sf) =	vpush v11, $0xF;
	p0 =	sgt.s32 s17, $0x0;
	s1 =	sadd.s32 s1, s17;
	s17 =	smov.u32 s30  }
0x257: {  	p5 =	slt.s32 s30, $0x0;
	v11 =	vld [tilespmem:s5+$0x0];
	(xrf0) =	vadd.scan.msk.s32 $0xffff, v13;
	s17 =	smov.u32 @p0 s1;
	s1 =	smov.u32 s0  }
.Ltmp23:
0x258: {  	s0 =	smov.u32 s8;
	s30 =	smov.u32 @p5 s17;
	(pc) =	sbr.rel @!p6 .LBB2_39-.Ltmp23, $4  }
0x259: {  	v13 =	vperm.xlane v14, v7;
	s8 =	smov.u32 s9;
	s9 =	smov.u32 s29;
	s29 =	smov.u32 s25;
	v14, _, _ =	vpop (xrf0)  }
0x25a: {  	s25 =	smov.u32 s7;
	v15, _, _ =	vpop (xrf0);
	v16 =	vperm.xlane v14, v7;
	s17 =	spop (v2sf)  }
0x25b: {  	(xrf0) =	vadd.scan.msk.s32 $0xffff, v13;
	(v2sf) =	vpush v15, $0xF;
	s31 =	sadd.s32 s31, s17  }
0x25c: {  	s7 =	sadd.s32 $0xFFFFFFF0, s7;
	(xrf0) =	vadd.scan.msk.s32 $0xffff, v11;
	v13 =	vadd.s32 s31, v16;
	v14 =	vmov v11  }
0x25d: {  	s5 =	smov.u32 s9;
	v11 =	vmov v14;
	s9 =	smov.u32 s25;
	p5 =	por $0x1, $0x1  }
.LBB2_41:
0x25e: {  	vm0 =	vge.s32 @p2 v13, v10  }
0x25f: {  	v13 =	vsel @p2 vm0, $0x1, v1;
	_ =	sdelay $0x1  }
0x260: {  	v11 =	vperm.xlane v11, v7;
	v14, _, _ =	vpop @p3 (xrf0);
	s7 =	spop @p5 (v2sf)  }
0x261: {  	s17 =	spop @p2 (v2sf);
	(xrf0) =	vadd.scan.msk.s32 @p2 $0xffff, v13;
	v13, _, _ =	vpop @p1 (xrf0)  }
0x262: {  	s25 =	simm.s32 $0x0;
	s17 =	sadd.s32 @p2 s31, s17;
	(xrf0) =	vadd.scan.msk.s32 $0xffff, v11;
	v11 =	vperm.xlane @p1 v13, v7  }
0x263: {  	s25 =	smov.u32 @p2 s17  }
0x264: {  	v11 =	vadd.s32 @p1 s25, v11  }
0x265: {  	v11 =	vpsel p1, v11, v12;
	_ =	sdelay $0x1  }
0x266: {  	v61, _, _ =	vpop (xrf0)  }
0x267: {  	(v2sf) =	vpush @p3 v14, $0xF;
	s17 =	spop @p4 (v2sf);
	vm0 =	vge.s32 @p1 v11, v10;
	v11, _, _ =	vpop @p2 (xrf0)  }
0x268: {  	v62, _, _ =	vpop (xrf0);
	s31 =	spop @p1 (v2sf)  }
0x269: {  	v12 =	vsel @p1 vm0, $0x1, v1;
	s25 =	sadd.s32 @p1 s25, s31;
	v63 =	vperm.xlane v62, v7  }
0x26a: {  	(xrf0) =	vadd.scan.msk.s32 @p1 $0xffff, v12;
	s24 =	smov.u32 @p1 s25  }
0x26b: {  	v12 =	vadd.s32 s24, v63  }
0x26c: {  	(v2sf) =	vpush v61, $0xF;
	vm15 =	vge.s32 v12, v10  }
0x26d: {  	(v2sf) =	vpush @p2 v11, $0xF;
	v10 =	vsel vm15, $0x1, v1  }
0x26e: {  	p6 =	por p5, p5;
	s0 =	smov.u32 @p4 s0  }
0x26f: {  	s26 =	smov.u32 @p2 s5;
	p0 =	sgt.s32 @p5 s7, $0x0;
	s1 =	sadd.s32 @p5 s1, s7;
	(xrf0) =	vadd.scan.msk.s32 $0xffff, v10  }
0x270: {  	p5 =	slt.s32 @p5 s30, $0x0;
	s7 =	smov.u32 @p3 s8;
	p0 =	por !p0, !p6;
	v10, _, _ =	vpop @p1 (xrf0)  }
0x271: {  	s8 =	smov.u32 @p1 s29;
	s1 =	smov.u32 @p0 s30;
	p0 =	por !p5, !p6;
	(v2sf) =	vpush @p1 v10, $0xF  }
0x272: {  	s5 =	smov.u32 @p2 s26;
	s28 =	smov.u32 @p1 s8;
	s1 =	smov.u32 @p0 s30  }
0x273: {  	p0 =	sgt.s32 @p4 s17, $0x0;
	s0 =	sadd.s32 @p4 s0, s17;
	s17 =	smov.u32 @p1 s28  }
0x274: {  	p0 =	por !p0, !p4;
	s25 =	smov.u32 s23;
	s24 =	simm.s32 $0xFFFFFFFF  }
0x275: {  	s23 =	smov.u32 @p1 s17;
	s25 =	smov.u32 @p3 s7;
	s24 =	smov.u32 @p6 s1;
	v10, _, _ =	vpop (xrf0)  }
0x276: {  	s1 =	smov.u32 @p3 s25;
	s8 =	spop @p3 (v2sf);
	p5 =	slt.s32 @p4 s24, $0x0;
	(v2sf) =	vpush v10, $0xF  }
0x277: {  	s0 =	smov.u32 @p0 s24;
	s1 =	smov.u32 @p3 s1;
	p0 =	por !p5, !p4  }
0x278: {  	s7 =	simm.s32 $0xFFFFFFFF;
	s1 =	sadd.s32 @p3 s1, s8;
	s0 =	smov.u32 @p0 s24  }
0x279: {  	p0 =	sgt.s32 @p3 s8, $0x0;
	s7 =	smov.u32 @p4 s0;
	s0 =	smov.u32 @p2 s5  }
0x27a: {  	p0 =	por !p0, !p3;
	s5 =	smov.u32 @p1 s23;
	p4 =	slt.s32 @p3 s7, $0x0  }
0x27b: {  	s1 =	smov.u32 @p0 s7;
	p0 =	por !p4, !p3;
	s30 =	spop (v2sf)  }
0x27c: {  	s1 =	smov.u32 @p0 s7;
	s7 =	simm.s32 $0xFFFFFFFF;
	s8 =	spop @p2 (v2sf)  }
0x27d: {  	s0 =	smov.u32 @p2 s0;
	s7 =	smov.u32 @p3 s1;
	p0 =	sgt.s32 @p2 s8, $0x0  }
0x27e: {  	p3 =	slt.s32 @p2 s7, $0x0;
	s0 =	sadd.s32 @p2 s0, s8;
	p0 =	por !p0, !p2  }
0x27f: {  	s1 =	smov.u32 @p1 s5;
	s0 =	smov.u32 @p0 s7;
	p0 =	por !p3, !p2  }
0x280: {  	s5 =	simm.s32 $0xFFFFFFFF;
	s0 =	smov.u32 @p0 s7;
	s7 =	spop @p1 (v2sf)  }
0x281: {  	s1 =	smov.u32 @p1 s1;
	s5 =	smov.u32 @p2 s0;
	p0 =	sgt.s32 @p1 s7, $0x0  }
0x282: {  	p2 =	slt.s32 @p1 s5, $0x0;
	s0 =	sadd.s32 @p1 s1, s7;
	p0 =	por !p0, !p1  }
0x283: {  	s0 =	smov.u32 @p0 s5;
	p0 =	por !p2, !p1  }
0x284: {  	s0 =	smov.u32 @p0 s5  }
0x285: {  	s31 =	spop (v2sf);
	s22 =	smov.u32 @p1 s0  }
0x286: {  	p0 =	sgt.s32 s31, $0x0;
	s0 =	sadd.s32 s9, s31;
	s1 =	smov.u32 s22  }
0x287: {  	s1 =	smov.u32 @p0 s0;
	s0 =	simm.s32 $0x18040  }
0x288: {  	[tilespmem:s0+$0xFFFFFFC0] =	vst v1  }
0x289: {  	[tilespmem:s0+$0x30] =	vst v1  }
0x28a: {  	[tilespmem:s0+$0x20] =	vst v1  }
0x28b: {  	[tilespmem:s0+$0x10] =	vst v1  }
0x28c: {  	[tilespmem:s0+$0x0] =	vst v1  }
0x28d: {  	p1 =	slt.s32 s22, $0x0;
	[tilespmem:s0+$0xFFFFFFF0] =	vst v1  }
0x28e: {  	s22 =	smov.u32 @p1 s1;
	s1 =	simm.s32 $0x0;
	[tilespmem:s0+$0xFFFFFFE0] =	vst v1  }
.LBB2_42:
0x28f: {  	s1 =	sadd.s32 $0x8, s1;
	[tilespmem:s0+$0xFFFFFFD0] =	vst v1;
	s0 =	sadd.s32 $0x80, s0  }
0x290: {  	[tilespmem:s0+$0xFFFFFFC0] =	vst v1;
	p0 =	slt.u32 s1, $0xF8  }
0x291: {  	[tilespmem:s0+$0x30] =	vst v1  }
.Ltmp24:
0x292: {  	[tilespmem:s0+$0x20] =	vst v1;
	(pc) =	sbr.rel @p0 .LBB2_42-.Ltmp24, $4  }
0x293: {  	[tilespmem:s0+$0x10] =	vst v1  }
0x294: {  	[tilespmem:s0+$0x0] =	vst v1  }
0x295: {  	[tilespmem:s0+$0xFFFFFFF0] =	vst v1  }
0x296: {  	[tilespmem:s0+$0xFFFFFFE0] =	vst v1  }
0x297: {  	[tilespmem:s0+$0xFFFFFFD0] =	vst v1  }
0x298: {  	s31 =	sld [smem:$0x7FD];
	_ =	sdelay $0x2  }
0x299: {  	p0 =	seq.s32 s31, $0x1  }
.Ltmp25:
0x29a: {  	_ = 	snop;
	(pc) =	sbr.rel @p0 .LBB2_44-.Ltmp25, $3  }
0x29b: {  	_ =	sdelay $0x1  }
0x29c: {  	s30 =	sshll.u32 s20, $0x8  }
0x29d: {  	s20 =	sadd.s32 s30, s22  }
0x29e: {  	v10 =	vmov s20;
	v11 =	vimm.s32 $0x0;
	s0 =	simm.s32 $0x8000;
	s1 =	simm.s32 $0x0;
	v12 =	vimm.s32 $0x0  }
.LBB2_55:
0x29f: {  	v13 =	vld [tilespmem:s0+$0x0]  }
0x2a0: {  	v14 =	vor.u32 s1, v0  }
0x2a1: {  	vm0 =	vlt.s32 v14, v9;
	_ =	sdelay $0x5  }
0x2a2: {  	v14 =	vld.idx.msk [tilespmem:v13+s3+$0x0], vm0;
	_ =	sdelay $0x4  }
0x2a3: {  	v15 =	vshra.s32 v14, $0x10  }
0x2a4: {  	vm1 =	veq.s32 v15, v10;
	vm2 =	vgt.s32 v15, v10  }
0x2a5: {  	vm1 =	vmand vm0, vm1;
	vm0 =	vmand vm0, vm2  }
0x2a6: {  	vm2 =	vmor vm1, vm0  }
0x2a7: {  	v15 =	vsel vm2, $0x1, v1  }
0x2a8: {  	(xrf0) =	vadd.scan.msk.s32 $0xffff, v15;
	_ =	sdelay $0x4  }
0x2a9: {  	v14 =	vshrl.u32 v14, $0x8  }
0x2aa: {  	v14 =	vand.u32 $0xFF, v14;
	v15, _, _ =	vpop (xrf0)  }
0x2ab: {  	v14 =	vor.u32 v8, v14;
	v15 =	vadd.s32 v15, v11  }
0x2ac: {  	p0 =	seq.s32 s21, $0x1;
	v15 =	vadd.s32 $0xFFFFFFFF, v15  }
.Ltmp26:
0x2ad: {  	_ = 	snop;
	(pc) =	sbr.rel @!p0 .LBB2_55-.Ltmp26, $4  }
0x2ae: {  	_ = 	snop  }
0x2af: {  	v16 =	vmpcnt.ones.xlane vm0;
	v17 =	vmpcnt.ones.xlane vm2  }
0x2b0: {  	[tilespmem:v14+s13+$0x0] =	vst.idx.add.s32.msk vm1, v3  }
0x2b1: {  	s0 =	sadd.s32 $0x10, s0;
	s1 =	sadd.s32 $0x10, s1;
	s21 =	sadd.s32 $0xFFFFFFFF, s21;
	v12 =	vadd.s32 v12, v16;
	v11 =	vadd.s32 v11, v17;
	[tilespmem:v15+s14+$0x0] =	vst.idx.msk vm2, v13  }
.Ltmp27:
0x2b2: {  	(pc) =	sbr.rel .LBB2_46-.Ltmp27, $2  }
0x2b3: {  	_ =	sdelay $0x2  }
0x2b4: {  	v10 =	vxor.u32 $0x80000000, v12;
	v9 =	vxor.u32 $0x80000000, v11  }
.LBB2_44:
0x2b5: {  	v10 =	vimm.s32 $0x80000000;
	v9 =	vimm.s32 $0x80000000  }
.LBB2_46:
0x2b6: {  	s1 =	simm.s32 $0x18810;
	s0 =	simm.s32 $0x0  }
0x2b7: {  	v11 =	vld [tilespmem:s1+$0xFFFFF7F0];
	s0 =	sand.u32 $0xE0, s0  }
0x2b8: {  	v12 =	vld [tilespmem:s0+$0x18100]  }
0x2b9: {  	v13 =	vld [tilespmem:s0+$0x18200]  }
0x2ba: {  	v14 =	vld [tilespmem:s0+$0x18300]  }
0x2bb: {  	v15 =	vld [tilespmem:s0+$0x18400]  }
0x2bc: {  	v16 =	vld [tilespmem:s0+$0x18500]  }
0x2bd: {  	v17 =	vld [tilespmem:s0+$0x18600]  }
0x2be: {  	v18 =	vld [tilespmem:s0+$0x18700]  }
0x2bf: {  	v19 =	vld [tilespmem:s0+$0x18800]  }
0x2c0: {  	v20 =	vld [tilespmem:s0+$0x18900]  }
0x2c1: {  	v21 =	vld [tilespmem:s0+$0x18A00]  }
0x2c2: {  	v22 =	vld [tilespmem:s0+$0x18B00]  }
0x2c3: {  	v23 =	vld [tilespmem:s0+$0x18C00]  }
0x2c4: {  	v24 =	vld [tilespmem:s0+$0x18D00]  }
0x2c5: {  	v25 =	vld [tilespmem:s0+$0x18E00]  }
0x2c6: {  	v26 =	vld [tilespmem:s0+$0x18F00]  }
0x2c7: {  	v11 =	vadd.s32 v11, v12;
	v12 =	vld [tilespmem:s1+$0xFFFFF800]  }
0x2c8: {  	v11 =	vadd.s32 v13, v11;
	v13 =	vld [tilespmem:s1+$0xFFFFF900]  }
0x2c9: {  	v11 =	vadd.s32 v14, v11;
	v14 =	vld [tilespmem:s1+$0xFFFFFA00]  }
0x2ca: {  	v11 =	vadd.s32 v15, v11;
	v15 =	vld [tilespmem:s1+$0xFFFFFB00]  }
0x2cb: {  	v11 =	vadd.s32 v16, v11;
	v16 =	vld [tilespmem:s1+$0xFFFFFC00]  }
0x2cc: {  	v11 =	vadd.s32 v17, v11;
	v17 =	vld [tilespmem:s1+$0xFFFFFD00]  }
0x2cd: {  	v11 =	vadd.s32 v18, v11;
	v12 =	vadd.s32 v12, v13;
	v13 =	vld [tilespmem:s1+$0xFFFFFE00]  }
0x2ce: {  	v11 =	vadd.s32 v19, v11;
	v12 =	vadd.s32 v14, v12;
	v14 =	vld [tilespmem:s1+$0xFFFFFF00]  }
0x2cf: {  	v11 =	vadd.s32 v20, v11;
	v12 =	vadd.s32 v15, v12;
	v15 =	vld [tilespmem:s1+$0x0]  }
0x2d0: {  	v11 =	vadd.s32 v21, v11;
	v12 =	vadd.s32 v16, v12;
	v16 =	vld [tilespmem:s1+$0x100]  }
0x2d1: {  	v11 =	vadd.s32 v22, v11;
	v12 =	vadd.s32 v17, v12;
	v17 =	vld [tilespmem:s1+$0x200]  }
0x2d2: {  	v18 =	vadd.s32 v23, v11;
	v12 =	vadd.s32 v13, v12;
	v11 =	vld [tilespmem:s1+$0x300]  }
0x2d3: {  	v13 =	vadd.s32 v24, v18;
	v14 =	vadd.s32 v14, v12;
	v12 =	vld [tilespmem:s1+$0x400]  }
0x2d4: {  	v18 =	vadd.s32 v25, v13;
	v14 =	vadd.s32 v15, v14;
	v13 =	vld [tilespmem:s1+$0x500]  }
0x2d5: {  	s21 =	simm.s32 $0x1C010;
	v15 =	vadd.s32 v26, v18;
	v16 =	vadd.s32 v16, v14;
	v14 =	vld [tilespmem:s1+$0x600]  }
0x2d6: {  	s8 =	simm.s32 $0x20;
	s0 =	simm.s32 $0x0;
	[tilespmem:s21+$0xFFFFFFF0] =	vst v15;
	v16 =	vadd.s32 v17, v16;
	v15 =	vld [tilespmem:s1+$0x700];
	s1 =	simm.s32 $0x18830  }
.LBB2_47:
0x2d7: {  	v17 =	vld [tilespmem:s1+$0xFFFFF7F0];
	s5 =	sand.u32 $0xE0, s8;
	s0 =	sadd.s32 $0x2, s0;
	v11 =	vadd.s32 v11, v16  }
0x2d8: {  	v16 =	vld [tilespmem:s5+$0x18100];
	p0 =	slt.u32 s0, $0xE;
	v11 =	vadd.s32 v12, v11  }
0x2d9: {  	v12 =	vld [tilespmem:s5+$0x18200];
	v11 =	vadd.s32 v13, v11  }
0x2da: {  	v13 =	vld [tilespmem:s5+$0x18300];
	v11 =	vadd.s32 v14, v11  }
0x2db: {  	v14 =	vld [tilespmem:s5+$0x18400];
	v11 =	vadd.s32 v15, v11  }
0x2dc: {  	v15 =	vld [tilespmem:s5+$0x18500];
	[tilespmem:s21+$0x0] =	vst v11  }
0x2dd: {  	v11 =	vadd.s32 v17, v16;
	v16 =	vld [tilespmem:s5+$0x18600]  }
0x2de: {  	v11 =	vadd.s32 v12, v11;
	v12 =	vld [tilespmem:s5+$0x18700]  }
0x2df: {  	v11 =	vadd.s32 v13, v11;
	v13 =	vld [tilespmem:s5+$0x18800]  }
0x2e0: {  	v11 =	vadd.s32 v14, v11;
	v14 =	vld [tilespmem:s5+$0x18900]  }
0x2e1: {  	v11 =	vadd.s32 v15, v11;
	v15 =	vld [tilespmem:s5+$0x18A00]  }
0x2e2: {  	v11 =	vadd.s32 v16, v11;
	v16 =	vld [tilespmem:s5+$0x18B00]  }
0x2e3: {  	v11 =	vadd.s32 v12, v11;
	v12 =	vld [tilespmem:s5+$0x18C00]  }
0x2e4: {  	v11 =	vadd.s32 v13, v11;
	v13 =	vld [tilespmem:s5+$0x18D00]  }
0x2e5: {  	v11 =	vadd.s32 v14, v11;
	v14 =	vld [tilespmem:s5+$0x18E00]  }
0x2e6: {  	v11 =	vadd.s32 v15, v11;
	v15 =	vld [tilespmem:s5+$0x18F00]  }
0x2e7: {  	v11 =	vadd.s32 v16, v11;
	v16 =	vld [tilespmem:s1+$0xFFFFF800]  }
0x2e8: {  	v11 =	vadd.s32 v12, v11;
	v12 =	vld [tilespmem:s1+$0xFFFFF900]  }
0x2e9: {  	v11 =	vadd.s32 v13, v11;
	v13 =	vld [tilespmem:s1+$0xFFFFFA00]  }
0x2ea: {  	v11 =	vadd.s32 v14, v11;
	v14 =	vld [tilespmem:s1+$0xFFFFFB00]  }
0x2eb: {  	s21 =	sadd.s32 $0x20, s21;
	v11 =	vadd.s32 v15, v11;
	v15 =	vld [tilespmem:s1+$0xFFFFFC00]  }
0x2ec: {  	[tilespmem:s21+$0xFFFFFFF0] =	vst v11;
	v11 =	vld [tilespmem:s1+$0xFFFFFD00]  }
0x2ed: {  	v12 =	vadd.s32 v16, v12;
	v16 =	vld [tilespmem:s1+$0xFFFFFE00]  }
0x2ee: {  	v12 =	vadd.s32 v13, v12;
	v13 =	vld [tilespmem:s1+$0xFFFFFF00]  }
0x2ef: {  	v12 =	vadd.s32 v14, v12;
	v14 =	vld [tilespmem:s1+$0x0]  }
0x2f0: {  	v12 =	vadd.s32 v15, v12;
	v15 =	vld [tilespmem:s1+$0x100]  }
0x2f1: {  	v11 =	vadd.s32 v11, v12;
	v17 =	vld [tilespmem:s1+$0x200]  }
.Ltmp28:
0x2f2: {  	v12 =	vadd.s32 v16, v11;
	v11 =	vld [tilespmem:s1+$0x300];
	(pc) =	sbr.rel @p0 .LBB2_47-.Ltmp28, $4  }
0x2f3: {  	v13 =	vadd.s32 v13, v12;
	v12 =	vld [tilespmem:s1+$0x400]  }
0x2f4: {  	v14 =	vadd.s32 v14, v13;
	v13 =	vld [tilespmem:s1+$0x500]  }
0x2f5: {  	v15 =	vadd.s32 v15, v14;
	v14 =	vld [tilespmem:s1+$0x600]  }
0x2f6: {  	s8 =	sadd.s32 $0x20, s8;
	v16 =	vadd.s32 v17, v15;
	v15 =	vld [tilespmem:s1+$0x700];
	s1 =	sadd.s32 $0x20, s1  }
0x2f7: {  	v11 =	vadd.s32 v11, v16  }
0x2f8: {  	v11 =	vadd.s32 v12, v11  }
0x2f9: {  	v11 =	vadd.s32 v13, v11  }
0x2fa: {  	v11 =	vadd.s32 v14, v11  }
0x2fb: {  	v11 =	vadd.s32 v15, v11  }
0x2fc: {  	(xrf0) =	vmax.scan.msk.u32 $0xffff, v10;
	s0 =	simm.s32 $0x1C0F0;
	[tilespmem:s21+$0x0] =	vst v11  }
0x2fd: {  	v10 =	vld [tilespmem:s0+$0x0];
	_ =	sdelay $0x4  }
0x2fe: {  	v11, _, _ =	vpop (xrf0);
	(xrf0) =	vadd.scan.msk.s32 $0xffff, v10  }
0x2ff: {  	(v2sf) =	vpush v11, $0xF  }
0x300: {  	s23 =	simm.s32 $0x1C0E0  }
0x301: {  	v11 =	vld [tilespmem:s23+$0x0];
	_ =	sdelay $0x1  }
0x302: {  	v10 =	vperm.xlane v10, v7  }
0x303: {  	v12, _, _ =	vpop (xrf0)  }
0x304: {  	(xrf0) =	vadd.scan.msk.s32 $0xffff, v10;
	(v2sf) =	vpush v12, $0xF  }
0x305: {  	(xrf0) =	vadd.scan.msk.s32 $0xffff, v11  }
0x306: {  	v10 =	vperm.xlane v11, v7  }
0x307: {  	s24 =	simm.s32 $0x1C0D0  }
0x308: {  	v12 =	vld [tilespmem:s24+$0x0];
	_ =	sdelay $0x1  }
0x309: {  	(xrf0) =	vadd.scan.msk.s32 $0xffff, v10;
	v10, _, _ =	vpop (xrf0)  }
0x30a: {  	v11, _, _ =	vpop (xrf0)  }
0x30b: {  	(v2sf) =	vpush v11, $0xF  }
0x30c: {  	(xrf0) =	vadd.scan.msk.s32 $0xffff, v12;
	s25 =	spop (v2sf)  }
0x30d: {  	v11 =	vperm.xlane v10, v7;
	s0 =	sxor.u32 $0x80000000, s25  }
0x30e: {  	s1 =	simm.s32 $0x0;
	s0 =	ssub.s32 $0x40, s0  }
0x30f: {  	v11 =	vadd.s32 s1, v11;
	v10 =	vmov s0  }
0x310: {  	vm0 =	vge.s32 v11, v10  }
0x311: {  	v13, _, _ =	vpop (xrf0);
	v12 =	vperm.xlane v12, v7;
	v11 =	vsel vm0, $0x1, v1  }
0x312: {  	s26 =	simm.s32 $0x1C0C0;
	v14, _, _ =	vpop (xrf0);
	(xrf0) =	vadd.scan.msk.s32 $0xffff, v11;
	v11 =	vperm.xlane v13, v7;
	s28 =	spop (v2sf)  }
0x313: {  	(v2sf) =	vpush v14, $0xF;
	v14 =	vld [tilespmem:s26+$0x0];
	(xrf0) =	vadd.scan.msk.s32 $0xffff, v12;
	s0 =	sadd.s32 $0x0, s28  }
0x314: {  	v11 =	vadd.s32 s0, v11  }
0x315: {  	s29 =	simm.s32 $0x1C0B0;
	vm14 =	vge.s32 v11, v10  }
0x316: {  	v12 =	vld [tilespmem:s29+$0x0];
	v11 =	vsel vm14, $0x1, v1;
	_ =	sdelay $0x1  }
0x317: {  	(xrf0) =	vadd.scan.msk.s32 $0xffff, v14;
	v13 =	vperm.xlane v14, v7;
	v14, _, _ =	vpop (xrf0)  }
0x318: {  	(xrf0) =	vadd.scan.msk.s32 $0xffff, v11;
	v11, _, _ =	vpop (xrf0)  }
0x319: {  	s30 =	spop (v2sf);
	(xrf0) =	vadd.scan.msk.s32 $0xffff, v13;
	v11 =	vperm.xlane v11, v7  }
0x31a: {  	(v2sf) =	vpush v14, $0xF;
	s0 =	sadd.s32 s0, s30;
	(xrf0) =	vadd.scan.msk.s32 $0xffff, v12  }
0x31b: {  	v15 =	vadd.s32 s0, v11  }
0x31c: {  	vm15 =	vge.s32 v15, v10  }
0x31d: {  	v13, _, _ =	vpop (xrf0);
	v14 =	vsel vm15, $0x1, v1  }
0x31e: {  	v15, _, _ =	vpop (xrf0)  }
0x31f: {  	(v2sf) =	vpush v13, $0xF;
	v63, _, _ =	vpop (xrf0)  }
0x320: {  	(xrf0) =	vadd.scan.msk.s32 $0xffff, v14;
	(v2sf) =	vpush v15, $0xF;
	v14, _, _ =	vpop (xrf0)  }
0x321: {  	s31 =	spop (v2sf);
	(v2sf) =	vpush v14, $0xF  }
0x322: {  	s5 =	simm.s32 $0x1C0A0  }
0x323: {  	v11 =	vld [tilespmem:s5+$0x0];
	_ =	sdelay $0x1  }
0x324: {  	v12 =	vperm.xlane v12, v7  }
0x325: {  	s9 =	simm.s32 $0xEF;
	s22 =	simm.s32 $0xCF;
	s8 =	simm.s32 $0xBF;
	v13 =	vperm.xlane v63, v7  }
0x326: {  	s7 =	simm.s32 $0x8F;
	s21 =	simm.s32 $0xFFFFFFFF;
	s24 =	sadd.s32 s0, s31;
	(xrf0) =	vadd.scan.msk.s32 $0xffff, v12  }
0x327: {  	s23 =	simm.s32 $0xDF;
	s1 =	simm.s32 $0xAF;
	s0 =	simm.s32 $0x9F;
	(xrf0) =	vadd.scan.msk.s32 $0xffff, v11;
	v12 =	vadd.s32 s24, v13  }
.LBB2_49:
0x328: {  	p0 =	sne.s32 s7, $0xFFFFFFFF;
	vm0 =	vge.s32 v12, v10;
	v12, _, _ =	vpop (xrf0);
	s17 =	spop (v2sf);
	s5 =	sadd.s32 $0xFFFFFFF0, s5  }
0x329: {  	v13 =	vsel vm0, $0x1, v1;
	(v2sf) =	vpush v12, $0xF;
	p1 =	sgt.s32 s17, $0x0;
	s9 =	sadd.s32 s9, s17;
	s17 =	smov.u32 s21  }
0x32a: {  	p2 =	slt.s32 s21, $0x0;
	v14 =	vld [tilespmem:s5+$0x0];
	(xrf0) =	vadd.scan.msk.s32 $0xffff, v13;
	s17 =	smov.u32 @p1 s9;
	s9 =	smov.u32 s23  }
.Ltmp29:
0x32b: {  	s23 =	smov.u32 s22;
	s21 =	smov.u32 @p2 s17;
	(pc) =	sbr.rel @p0 .LBB2_49-.Ltmp29, $4  }
0x32c: {  	v15 =	vperm.xlane v11, v7;
	s22 =	smov.u32 s8;
	s8 =	smov.u32 s1;
	s1 =	smov.u32 s0;
	v12, _, _ =	vpop (xrf0)  }
0x32d: {  	s0 =	smov.u32 s7;
	v13, _, _ =	vpop (xrf0);
	v12 =	vperm.xlane v12, v7;
	s17 =	spop (v2sf)  }
0x32e: {  	(xrf0) =	vadd.scan.msk.s32 $0xffff, v15;
	(v2sf) =	vpush v13, $0xF;
	s24 =	sadd.s32 s24, s17  }
0x32f: {  	s7 =	sadd.s32 $0xFFFFFFF0, s7;
	(xrf0) =	vadd.scan.msk.s32 $0xffff, v14;
	v12 =	vadd.s32 s24, v12;
	v11 =	vmov v14  }
0x330: {  	_ =	sdelay $0x2  }
0x331: {  	vm0 =	vge.s32 v12, v10  }
0x332: {  	v11 =	vperm.xlane v11, v7;
	v12 =	vsel vm0, $0x1, v1  }
0x333: {  	(xrf0) =	vadd.scan.msk.s32 $0xffff, v12  }
0x334: {  	(xrf0) =	vadd.scan.msk.s32 $0xffff, v11;
	_ =	sdelay $0x1  }
0x335: {  	v11, _, _ =	vpop (xrf0)  }
0x336: {  	s5 =	spop (v2sf);
	v61, _, _ =	vpop (xrf0)  }
0x337: {  	s7 =	spop (v2sf);
	v13, _, _ =	vpop (xrf0);
	v12 =	vperm.xlane v61, v7  }
0x338: {  	s7 =	sadd.s32 s24, s7;
	v14, _, _ =	vpop (xrf0)  }
0x339: {  	v12 =	vadd.s32 s7, v12;
	s17 =	spop (v2sf);
	v15, _, _ =	vpop (xrf0)  }
0x33a: {  	vm14 =	vge.s32 v12, v10;
	v62 =	vperm.xlane v15, v7;
	s26 =	spop (v2sf)  }
0x33b: {  	v63 =	vsel vm14, $0x1, v1;
	s7 =	sadd.s32 s7, s26  }
0x33c: {  	(xrf0) =	vadd.scan.msk.s32 $0xffff, v63;
	v12 =	vadd.s32 s7, v62  }
0x33d: {  	(v2sf) =	vpush v11, $0xF;
	vm15 =	vge.s32 v12, v10  }
0x33e: {  	v10 =	vsel vm15, $0x1, v1  }
0x33f: {  	(v2sf) =	vpush v13, $0xF;
	(xrf0) =	vadd.scan.msk.s32 $0xffff, v10  }
0x340: {  	(v2sf) =	vpush v14, $0xF;
	_ =	sdelay $0x1  }
0x341: {  	v10, _, _ =	vpop (xrf0)  }
0x342: {  	(v2sf) =	vpush v10, $0xF;
	_ =	sdelay $0x1  }
0x343: {  	v10, _, _ =	vpop (xrf0)  }
0x344: {  	(v2sf) =	vpush v10, $0xF  }
0x345: {  	p0 =	sgt.s32 s5, $0x0;
	s5 =	sadd.s32 s9, s5;
	s7 =	smov.u32 s21  }
0x346: {  	p1 =	slt.s32 s21, $0x0;
	s7 =	smov.u32 @p0 s5  }
0x347: {  	s21 =	smov.u32 @p1 s7  }
0x348: {  	p0 =	sgt.s32 s17, $0x0;
	s5 =	sadd.s32 s23, s17;
	s7 =	smov.u32 s21  }
0x349: {  	p1 =	slt.s32 s21, $0x0;
	s7 =	smov.u32 @p0 s5  }
0x34a: {  	s28 =	spop (v2sf);
	s21 =	smov.u32 @p1 s7  }
0x34b: {  	p0 =	sgt.s32 s28, $0x0;
	s5 =	sadd.s32 s22, s28;
	s7 =	smov.u32 s21  }
0x34c: {  	p1 =	slt.s32 s21, $0x0;
	s7 =	smov.u32 @p0 s5;
	s29 =	spop (v2sf)  }
0x34d: {  	s21 =	smov.u32 @p1 s7;
	s5 =	spop (v2sf)  }
0x34e: {  	s7 =	smov.u32 s21;
	p0 =	sgt.s32 s5, $0x0;
	s5 =	sadd.s32 s8, s5  }
0x34f: {  	p1 =	slt.s32 s21, $0x0;
	s7 =	smov.u32 @p0 s5;
	s5 =	simm.s32 $0x18040  }
0x350: {  	s21 =	smov.u32 @p1 s7;
	[tilespmem:s5+$0xFFFFFFC0] =	vst v1;
	s30 =	spop (v2sf)  }
0x351: {  	[tilespmem:s5+$0x30] =	vst v1;
	s7 =	smov.u32 s21;
	p0 =	sgt.s32 s30, $0x0;
	s1 =	sadd.s32 s1, s30  }
0x352: {  	[tilespmem:s5+$0x20] =	vst v1;
	p1 =	slt.s32 s21, $0x0;
	s7 =	smov.u32 @p0 s1  }
0x353: {  	[tilespmem:s5+$0x10] =	vst v1;
	s21 =	smov.u32 @p1 s7;
	s31 =	spop (v2sf)  }
0x354: {  	[tilespmem:s5+$0x0] =	vst v1;
	s1 =	smov.u32 s21;
	p0 =	sgt.s32 s31, $0x0;
	s0 =	sadd.s32 s0, s31  }
0x355: {  	[tilespmem:s5+$0xFFFFFFF0] =	vst v1;
	p1 =	slt.s32 s21, $0x0;
	s1 =	smov.u32 @p0 s0  }
0x356: {  	[tilespmem:s5+$0xFFFFFFE0] =	vst v1;
	s0 =	simm.s32 $0x0;
	s21 =	smov.u32 @p1 s1  }
.LBB2_51:
0x357: {  	s0 =	sadd.s32 $0x8, s0;
	[tilespmem:s5+$0xFFFFFFD0] =	vst v1;
	s5 =	sadd.s32 $0x80, s5  }
0x358: {  	[tilespmem:s5+$0xFFFFFFC0] =	vst v1;
	p0 =	slt.u32 s0, $0xF8  }
0x359: {  	[tilespmem:s5+$0x30] =	vst v1  }
.Ltmp30:
0x35a: {  	[tilespmem:s5+$0x20] =	vst v1;
	(pc) =	sbr.rel @p0 .LBB2_51-.Ltmp30, $4  }
0x35b: {  	[tilespmem:s5+$0x10] =	vst v1  }
0x35c: {  	[tilespmem:s5+$0x0] =	vst v1  }
0x35d: {  	[tilespmem:s5+$0xFFFFFFF0] =	vst v1  }
0x35e: {  	[tilespmem:s5+$0xFFFFFFE0] =	vst v1  }
0x35f: {  	(xrf0) =	vmax.scan.msk.u32 $0xffff, v9;
	_ =	sdelay $0x5  }
0x360: {  	v9, _, _ =	vpop (xrf0)  }
0x361: {  	(v2sf) =	vpush v9, $0xF;
	_ =	sdelay $0xe  }
0x362: {  	s1 =	spop (v2sf)  }
0x363: {  	s0 =	sadd.s32 $0x8000000F, s1  }
0x364: {  	s7 =	sand.u32 $0xF, s0  }
0x365: {  	s30 =	sshra.s32 s0, $0x1F;
	p1 =	slt.s32 s0, $0x1;
	p0 =	sne.s32 s7, $0x0  }
0x366: {  	s7 =	sshrl.u32 s30, $0x1C;
	p0 =	por !p1, !p0  }
0x367: {  	s0 =	sadd.s32 s7, s0;
	s7 =	simm.s32 $0x1;
	p0 =	por !p0, !p0  }
0x368: {  	s0 =	sshra.s32 s0, $0x4;
	s7 =	simm.s32 @!p0 $0x0  }
0x369: {  	s0 =	ssub.s32 s0, s7  }
0x36a: {  	p0 =	slt.s32 s0, $0x1  }
.Ltmp31:
0x36b: {  	_ = 	snop;
	(pc) =	sbr.rel @p0 .LBB2_53-.Ltmp31, $3  }
0x36c: {  	_ =	sdelay $0x1  }
0x36d: {  	s31 =	sshll.u32 s20, $0x8  }
0x36e: {  	[tilespmem:s5+$0xFFFFFFD0] =	vst v1;
	s20 =	sadd.s32 s31, s21  }
0x36f: {  	s1 =	sxor.u32 $0x80000000, s1;
	v11 =	vmov s20  }
0x370: {  	v9 =	vimm.s32 $0x0;
	s5 =	simm.s32 $0x0;
	v12 =	vimm.s32 $0x0;
	v10 =	vmov s1;
	s1 =	simm.s32 $0x10000  }
.LBB2_64:
0x371: {  	v13 =	vld [tilespmem:s1+$0x0]  }
0x372: {  	v14 =	vor.u32 s5, v0  }
0x373: {  	vm0 =	vlt.s32 v14, v10;
	_ =	sdelay $0x5  }
0x374: {  	v14 =	vld.idx.msk [tilespmem:v13+s3+$0x0], vm0;
	_ =	sdelay $0x4  }
0x375: {  	v15 =	vshra.s32 v14, $0x8  }
0x376: {  	vm1 =	veq.s32 v15, v11;
	vm2 =	vgt.s32 v15, v11  }
0x377: {  	vm1 =	vmand vm0, vm1;
	vm0 =	vmand vm0, vm2  }
0x378: {  	vm2 =	vmor vm1, vm0  }
0x379: {  	v15 =	vsel vm2, $0x1, v1  }
0x37a: {  	(xrf0) =	vadd.scan.msk.s32 $0xffff, v15;
	_ =	sdelay $0x5  }
0x37b: {  	v14 =	vand.u32 $0xFF, v14;
	v15, _, _ =	vpop (xrf0)  }
0x37c: {  	v14 =	vor.u32 v8, v14;
	v15 =	vadd.s32 v15, v9  }
0x37d: {  	p0 =	seq.s32 s0, $0x1;
	v15 =	vadd.s32 $0xFFFFFFFF, v15  }
.Ltmp32:
0x37e: {  	_ = 	snop;
	(pc) =	sbr.rel @!p0 .LBB2_64-.Ltmp32, $4  }
0x37f: {  	_ = 	snop  }
0x380: {  	v16 =	vmpcnt.ones.xlane vm0;
	v17 =	vmpcnt.ones.xlane vm2  }
0x381: {  	[tilespmem:v14+s13+$0x0] =	vst.idx.add.s32.msk vm1, v3  }
0x382: {  	s1 =	sadd.s32 $0x10, s1;
	s5 =	sadd.s32 $0x10, s5;
	s0 =	sadd.s32 $0xFFFFFFFF, s0;
	v12 =	vadd.s32 v12, v16;
	v9 =	vadd.s32 v9, v17;
	[tilespmem:v15+s12+$0x0] =	vst.idx.msk vm2, v13  }
.Ltmp33:
0x383: {  	(pc) =	sbr.rel .LBB2_57-.Ltmp33, $2  }
0x384: {  	_ =	sdelay $0x2  }
0x385: {  	v10 =	vxor.u32 $0x80000000, v12;
	v9 =	vxor.u32 $0x80000000, v9  }
.LBB2_53:
0x386: {  	v10 =	vimm.s32 $0x80000000;
	v9 =	vimm.s32 $0x80000000  }
.LBB2_57:
0x387: {  	s1 =	simm.s32 $0x18810;
	s0 =	simm.s32 $0x0  }
0x388: {  	v11 =	vld [tilespmem:s1+$0xFFFFF7F0];
	s0 =	sand.u32 $0xE0, s0  }
0x389: {  	v12 =	vld [tilespmem:s0+$0x18100]  }
0x38a: {  	v13 =	vld [tilespmem:s0+$0x18200]  }
0x38b: {  	v14 =	vld [tilespmem:s0+$0x18300]  }
0x38c: {  	v15 =	vld [tilespmem:s0+$0x18400]  }
0x38d: {  	v16 =	vld [tilespmem:s0+$0x18500]  }
0x38e: {  	v17 =	vld [tilespmem:s0+$0x18600]  }
0x38f: {  	v18 =	vld [tilespmem:s0+$0x18700]  }
0x390: {  	v19 =	vld [tilespmem:s0+$0x18800]  }
0x391: {  	v20 =	vld [tilespmem:s0+$0x18900]  }
0x392: {  	v21 =	vld [tilespmem:s0+$0x18A00]  }
0x393: {  	v22 =	vld [tilespmem:s0+$0x18B00]  }
0x394: {  	v23 =	vld [tilespmem:s0+$0x18C00]  }
0x395: {  	v24 =	vld [tilespmem:s0+$0x18D00]  }
0x396: {  	v25 =	vld [tilespmem:s0+$0x18E00]  }
0x397: {  	v26 =	vld [tilespmem:s0+$0x18F00]  }
0x398: {  	v11 =	vadd.s32 v11, v12;
	v12 =	vld [tilespmem:s1+$0xFFFFF800]  }
0x399: {  	v11 =	vadd.s32 v13, v11;
	v13 =	vld [tilespmem:s1+$0xFFFFF900]  }
0x39a: {  	v11 =	vadd.s32 v14, v11;
	v14 =	vld [tilespmem:s1+$0xFFFFFA00]  }
0x39b: {  	v11 =	vadd.s32 v15, v11;
	v15 =	vld [tilespmem:s1+$0xFFFFFB00]  }
0x39c: {  	v11 =	vadd.s32 v16, v11;
	v16 =	vld [tilespmem:s1+$0xFFFFFC00]  }
0x39d: {  	v11 =	vadd.s32 v17, v11;
	v17 =	vld [tilespmem:s1+$0xFFFFFD00]  }
0x39e: {  	v11 =	vadd.s32 v18, v11;
	v12 =	vadd.s32 v12, v13;
	v13 =	vld [tilespmem:s1+$0xFFFFFE00]  }
0x39f: {  	v11 =	vadd.s32 v19, v11;
	v12 =	vadd.s32 v14, v12;
	v14 =	vld [tilespmem:s1+$0xFFFFFF00]  }
0x3a0: {  	v11 =	vadd.s32 v20, v11;
	v12 =	vadd.s32 v15, v12;
	v15 =	vld [tilespmem:s1+$0x0]  }
0x3a1: {  	v11 =	vadd.s32 v21, v11;
	v12 =	vadd.s32 v16, v12;
	v16 =	vld [tilespmem:s1+$0x100]  }
0x3a2: {  	v11 =	vadd.s32 v22, v11;
	v12 =	vadd.s32 v17, v12;
	v17 =	vld [tilespmem:s1+$0x200]  }
0x3a3: {  	v18 =	vadd.s32 v23, v11;
	v12 =	vadd.s32 v13, v12;
	v11 =	vld [tilespmem:s1+$0x300]  }
0x3a4: {  	v13 =	vadd.s32 v24, v18;
	v14 =	vadd.s32 v14, v12;
	v12 =	vld [tilespmem:s1+$0x400]  }
0x3a5: {  	v18 =	vadd.s32 v25, v13;
	v14 =	vadd.s32 v15, v14;
	v13 =	vld [tilespmem:s1+$0x500]  }
0x3a6: {  	s21 =	simm.s32 $0x1C010;
	v15 =	vadd.s32 v26, v18;
	v16 =	vadd.s32 v16, v14;
	v14 =	vld [tilespmem:s1+$0x600]  }
0x3a7: {  	s8 =	simm.s32 $0x20;
	s0 =	simm.s32 $0x0;
	[tilespmem:s21+$0xFFFFFFF0] =	vst v15;
	v16 =	vadd.s32 v17, v16;
	v15 =	vld [tilespmem:s1+$0x700];
	s1 =	simm.s32 $0x18830  }
.LBB2_58:
0x3a8: {  	v17 =	vld [tilespmem:s1+$0xFFFFF7F0];
	s5 =	sand.u32 $0xE0, s8;
	s0 =	sadd.s32 $0x2, s0;
	v11 =	vadd.s32 v11, v16  }
0x3a9: {  	v16 =	vld [tilespmem:s5+$0x18100];
	p0 =	slt.u32 s0, $0xE;
	v11 =	vadd.s32 v12, v11  }
0x3aa: {  	v12 =	vld [tilespmem:s5+$0x18200];
	v11 =	vadd.s32 v13, v11  }
0x3ab: {  	v13 =	vld [tilespmem:s5+$0x18300];
	v11 =	vadd.s32 v14, v11  }
0x3ac: {  	v14 =	vld [tilespmem:s5+$0x18400];
	v11 =	vadd.s32 v15, v11  }
0x3ad: {  	v15 =	vld [tilespmem:s5+$0x18500];
	[tilespmem:s21+$0x0] =	vst v11  }
0x3ae: {  	v11 =	vadd.s32 v17, v16;
	v16 =	vld [tilespmem:s5+$0x18600]  }
0x3af: {  	v11 =	vadd.s32 v12, v11;
	v12 =	vld [tilespmem:s5+$0x18700]  }
0x3b0: {  	v11 =	vadd.s32 v13, v11;
	v13 =	vld [tilespmem:s5+$0x18800]  }
0x3b1: {  	v11 =	vadd.s32 v14, v11;
	v14 =	vld [tilespmem:s5+$0x18900]  }
0x3b2: {  	v11 =	vadd.s32 v15, v11;
	v15 =	vld [tilespmem:s5+$0x18A00]  }
0x3b3: {  	v11 =	vadd.s32 v16, v11;
	v16 =	vld [tilespmem:s5+$0x18B00]  }
0x3b4: {  	v11 =	vadd.s32 v12, v11;
	v12 =	vld [tilespmem:s5+$0x18C00]  }
0x3b5: {  	v11 =	vadd.s32 v13, v11;
	v13 =	vld [tilespmem:s5+$0x18D00]  }
0x3b6: {  	v11 =	vadd.s32 v14, v11;
	v14 =	vld [tilespmem:s5+$0x18E00]  }
0x3b7: {  	v11 =	vadd.s32 v15, v11;
	v15 =	vld [tilespmem:s5+$0x18F00]  }
0x3b8: {  	v11 =	vadd.s32 v16, v11;
	v16 =	vld [tilespmem:s1+$0xFFFFF800]  }
0x3b9: {  	v11 =	vadd.s32 v12, v11;
	v12 =	vld [tilespmem:s1+$0xFFFFF900]  }
0x3ba: {  	v11 =	vadd.s32 v13, v11;
	v13 =	vld [tilespmem:s1+$0xFFFFFA00]  }
0x3bb: {  	v11 =	vadd.s32 v14, v11;
	v14 =	vld [tilespmem:s1+$0xFFFFFB00]  }
0x3bc: {  	s21 =	sadd.s32 $0x20, s21;
	v11 =	vadd.s32 v15, v11;
	v15 =	vld [tilespmem:s1+$0xFFFFFC00]  }
0x3bd: {  	[tilespmem:s21+$0xFFFFFFF0] =	vst v11;
	v11 =	vld [tilespmem:s1+$0xFFFFFD00]  }
0x3be: {  	v12 =	vadd.s32 v16, v12;
	v16 =	vld [tilespmem:s1+$0xFFFFFE00]  }
0x3bf: {  	v12 =	vadd.s32 v13, v12;
	v13 =	vld [tilespmem:s1+$0xFFFFFF00]  }
0x3c0: {  	v12 =	vadd.s32 v14, v12;
	v14 =	vld [tilespmem:s1+$0x0]  }
0x3c1: {  	v12 =	vadd.s32 v15, v12;
	v15 =	vld [tilespmem:s1+$0x100]  }
0x3c2: {  	v11 =	vadd.s32 v11, v12;
	v17 =	vld [tilespmem:s1+$0x200]  }
.Ltmp34:
0x3c3: {  	v12 =	vadd.s32 v16, v11;
	v11 =	vld [tilespmem:s1+$0x300];
	(pc) =	sbr.rel @p0 .LBB2_58-.Ltmp34, $4  }
0x3c4: {  	v13 =	vadd.s32 v13, v12;
	v12 =	vld [tilespmem:s1+$0x400]  }
0x3c5: {  	v14 =	vadd.s32 v14, v13;
	v13 =	vld [tilespmem:s1+$0x500]  }
0x3c6: {  	v15 =	vadd.s32 v15, v14;
	v14 =	vld [tilespmem:s1+$0x600]  }
0x3c7: {  	s8 =	sadd.s32 $0x20, s8;
	v16 =	vadd.s32 v17, v15;
	v15 =	vld [tilespmem:s1+$0x700];
	s1 =	sadd.s32 $0x20, s1  }
0x3c8: {  	v11 =	vadd.s32 v11, v16  }
0x3c9: {  	v11 =	vadd.s32 v12, v11  }
0x3ca: {  	v11 =	vadd.s32 v13, v11  }
0x3cb: {  	v11 =	vadd.s32 v14, v11  }
0x3cc: {  	v11 =	vadd.s32 v15, v11  }
0x3cd: {  	(xrf0) =	vmax.scan.msk.u32 $0xffff, v10;
	s0 =	simm.s32 $0x1C0F0;
	[tilespmem:s21+$0x0] =	vst v11  }
0x3ce: {  	v10 =	vld [tilespmem:s0+$0x0];
	_ =	sdelay $0x4  }
0x3cf: {  	v11, _, _ =	vpop (xrf0);
	(xrf0) =	vadd.scan.msk.s32 $0xffff, v10  }
0x3d0: {  	(v2sf) =	vpush v11, $0xF  }
0x3d1: {  	s23 =	simm.s32 $0x1C0E0  }
0x3d2: {  	v11 =	vld [tilespmem:s23+$0x0];
	_ =	sdelay $0x1  }
0x3d3: {  	v10 =	vperm.xlane v10, v7  }
0x3d4: {  	v12, _, _ =	vpop (xrf0)  }
0x3d5: {  	(xrf0) =	vadd.scan.msk.s32 $0xffff, v10;
	(v2sf) =	vpush v12, $0xF  }
0x3d6: {  	(xrf0) =	vadd.scan.msk.s32 $0xffff, v11  }
0x3d7: {  	v10 =	vperm.xlane v11, v7  }
0x3d8: {  	s24 =	simm.s32 $0x1C0D0  }
0x3d9: {  	v12 =	vld [tilespmem:s24+$0x0];
	_ =	sdelay $0x1  }
0x3da: {  	(xrf0) =	vadd.scan.msk.s32 $0xffff, v10;
	v10, _, _ =	vpop (xrf0)  }
0x3db: {  	v11, _, _ =	vpop (xrf0)  }
0x3dc: {  	(v2sf) =	vpush v11, $0xF  }
0x3dd: {  	(xrf0) =	vadd.scan.msk.s32 $0xffff, v12;
	s25 =	spop (v2sf)  }
0x3de: {  	v11 =	vperm.xlane v10, v7;
	s0 =	sxor.u32 $0x80000000, s25  }
0x3df: {  	s1 =	simm.s32 $0x0;
	s0 =	ssub.s32 $0x40, s0  }
0x3e0: {  	v11 =	vadd.s32 s1, v11;
	v10 =	vmov s0  }
0x3e1: {  	vm0 =	vge.s32 v11, v10  }
0x3e2: {  	v13, _, _ =	vpop (xrf0);
	v12 =	vperm.xlane v12, v7;
	v11 =	vsel vm0, $0x1, v1  }
0x3e3: {  	s26 =	simm.s32 $0x1C0C0;
	v14, _, _ =	vpop (xrf0);
	(xrf0) =	vadd.scan.msk.s32 $0xffff, v11;
	v11 =	vperm.xlane v13, v7;
	s28 =	spop (v2sf)  }
0x3e4: {  	(v2sf) =	vpush v14, $0xF;
	v14 =	vld [tilespmem:s26+$0x0];
	(xrf0) =	vadd.scan.msk.s32 $0xffff, v12;
	s0 =	sadd.s32 $0x0, s28  }
0x3e5: {  	v11 =	vadd.s32 s0, v11  }
0x3e6: {  	s29 =	simm.s32 $0x1C0B0;
	vm14 =	vge.s32 v11, v10  }
0x3e7: {  	v12 =	vld [tilespmem:s29+$0x0];
	v11 =	vsel vm14, $0x1, v1;
	_ =	sdelay $0x1  }
0x3e8: {  	(xrf0) =	vadd.scan.msk.s32 $0xffff, v14;
	v13 =	vperm.xlane v14, v7;
	v14, _, _ =	vpop (xrf0)  }
0x3e9: {  	(xrf0) =	vadd.scan.msk.s32 $0xffff, v11;
	v11, _, _ =	vpop (xrf0)  }
0x3ea: {  	s30 =	spop (v2sf);
	(xrf0) =	vadd.scan.msk.s32 $0xffff, v13;
	v11 =	vperm.xlane v11, v7  }
0x3eb: {  	(v2sf) =	vpush v14, $0xF;
	s0 =	sadd.s32 s0, s30;
	(xrf0) =	vadd.scan.msk.s32 $0xffff, v12  }
0x3ec: {  	v15 =	vadd.s32 s0, v11  }
0x3ed: {  	vm15 =	vge.s32 v15, v10  }
0x3ee: {  	v13, _, _ =	vpop (xrf0);
	v14 =	vsel vm15, $0x1, v1  }
0x3ef: {  	v15, _, _ =	vpop (xrf0)  }
0x3f0: {  	(v2sf) =	vpush v13, $0xF;
	v63, _, _ =	vpop (xrf0)  }
0x3f1: {  	(xrf0) =	vadd.scan.msk.s32 $0xffff, v14;
	(v2sf) =	vpush v15, $0xF;
	v14, _, _ =	vpop (xrf0)  }
0x3f2: {  	s31 =	spop (v2sf);
	(v2sf) =	vpush v14, $0xF  }
0x3f3: {  	s24 =	simm.s32 $0x1C0A0  }
0x3f4: {  	v11 =	vld [tilespmem:s24+$0x0];
	_ =	sdelay $0x1  }
0x3f5: {  	v12 =	vperm.xlane v12, v7  }
0x3f6: {  	s9 =	simm.s32 $0xEF;
	s22 =	simm.s32 $0xCF;
	s8 =	simm.s32 $0xBF;
	v13 =	vperm.xlane v63, v7  }
0x3f7: {  	s7 =	simm.s32 $0x8F;
	s21 =	simm.s32 $0xFFFFFFFF;
	s5 =	sadd.s32 s0, s31;
	(xrf0) =	vadd.scan.msk.s32 $0xffff, v12  }
0x3f8: {  	s23 =	simm.s32 $0xDF;
	s1 =	simm.s32 $0xAF;
	s0 =	simm.s32 $0x9F;
	(xrf0) =	vadd.scan.msk.s32 $0xffff, v11;
	v12 =	vadd.s32 s5, v13  }
.LBB2_60:
0x3f9: {  	p0 =	sne.s32 s7, $0xFFFFFFFF;
	vm0 =	vge.s32 v12, v10;
	v12, _, _ =	vpop (xrf0);
	s17 =	spop (v2sf);
	s24 =	sadd.s32 $0xFFFFFFF0, s24  }
0x3fa: {  	v13 =	vsel vm0, $0x1, v1;
	(v2sf) =	vpush v12, $0xF;
	p1 =	sgt.s32 s17, $0x0;
	s9 =	sadd.s32 s9, s17;
	s17 =	smov.u32 s21  }
0x3fb: {  	p2 =	slt.s32 s21, $0x0;
	v14 =	vld [tilespmem:s24+$0x0];
	(xrf0) =	vadd.scan.msk.s32 $0xffff, v13;
	s17 =	smov.u32 @p1 s9;
	s9 =	smov.u32 s23  }
.Ltmp35:
0x3fc: {  	s23 =	smov.u32 s22;
	s21 =	smov.u32 @p2 s17;
	(pc) =	sbr.rel @p0 .LBB2_60-.Ltmp35, $4  }
0x3fd: {  	v15 =	vperm.xlane v11, v7;
	s22 =	smov.u32 s8;
	s8 =	smov.u32 s1;
	s1 =	smov.u32 s0;
	v12, _, _ =	vpop (xrf0)  }
0x3fe: {  	s0 =	smov.u32 s7;
	v13, _, _ =	vpop (xrf0);
	v12 =	vperm.xlane v12, v7;
	s17 =	spop (v2sf)  }
0x3ff: {  	(xrf0) =	vadd.scan.msk.s32 $0xffff, v15;
	(v2sf) =	vpush v13, $0xF;
	s5 =	sadd.s32 s5, s17  }
0x400: {  	s7 =	sadd.s32 $0xFFFFFFF0, s7;
	(xrf0) =	vadd.scan.msk.s32 $0xffff, v14;
	v12 =	vadd.s32 s5, v12;
	v11 =	vmov v14  }
0x401: {  	_ =	sdelay $0x2  }
0x402: {  	vm0 =	vge.s32 v12, v10  }
0x403: {  	v11 =	vperm.xlane v11, v7;
	v12 =	vsel vm0, $0x1, v1  }
0x404: {  	(xrf0) =	vadd.scan.msk.s32 $0xffff, v12  }
0x405: {  	(xrf0) =	vadd.scan.msk.s32 $0xffff, v11;
	_ =	sdelay $0x1  }
0x406: {  	v11, _, _ =	vpop (xrf0)  }
0x407: {  	v63, _, _ =	vpop (xrf0)  }
0x408: {  	s7 =	spop (v2sf);
	v13, _, _ =	vpop (xrf0)  }
0x409: {  	s17 =	spop (v2sf);
	v14, _, _ =	vpop (xrf0)  }
0x40a: {  	v12 =	vperm.xlane v63, v7;
	s24 =	spop (v2sf);
	v15, _, _ =	vpop (xrf0)  }
0x40b: {  	s5 =	sadd.s32 s5, s17;
	v15 =	vperm.xlane v15, v7;
	s31 =	spop (v2sf)  }
0x40c: {  	v12 =	vadd.s32 s5, v12;
	s5 =	sadd.s32 s5, s31  }
0x40d: {  	vm14 =	vge.s32 v12, v10;
	v15 =	vadd.s32 s5, v15  }
0x40e: {  	v12 =	vsel vm14, $0x1, v1;
	vm15 =	vge.s32 v15, v10  }
0x40f: {  	(xrf0) =	vadd.scan.msk.s32 $0xffff, v12;
	v10 =	vsel vm15, $0x1, v1  }
0x410: {  	(xrf0) =	vadd.scan.msk.s32 $0xffff, v10  }
0x411: {  	(v2sf) =	vpush v11, $0xF;
	(xrf0) =	vmax.scan.msk.u32 $0xffff, v9;
	_ =	sdelay $0x2  }
0x412: {  	(v2sf) =	vpush v13, $0xF  }
0x413: {  	(v2sf) =	vpush v14, $0xF;
	v9, _, _ =	vpop (xrf0)  }
0x414: {  	(v2sf) =	vpush v9, $0xF;
	v9, _, _ =	vpop (xrf0)  }
0x415: {  	(v2sf) =	vpush v9, $0xF;
	v9, _, _ =	vpop (xrf0)  }
0x416: {  	(v2sf) =	vpush v9, $0xF;
	_ =	sdelay $0x2  }
0x417: {  	p0 =	sgt.s32 s7, $0x0;
	s5 =	sadd.s32 s9, s7;
	s7 =	smov.u32 s21  }
0x418: {  	p1 =	slt.s32 s21, $0x0;
	s7 =	smov.u32 @p0 s5  }
0x419: {  	s21 =	smov.u32 @p1 s7  }
0x41a: {  	p0 =	sgt.s32 s24, $0x0;
	s5 =	sadd.s32 s23, s24;
	s7 =	smov.u32 s21  }
0x41b: {  	p1 =	slt.s32 s21, $0x0;
	s7 =	smov.u32 @p0 s5  }
0x41c: {  	s23 =	spop (v2sf);
	s21 =	smov.u32 @p1 s7  }
0x41d: {  	p0 =	sgt.s32 s23, $0x0;
	s5 =	sadd.s32 s22, s23;
	s7 =	smov.u32 s21  }
0x41e: {  	p1 =	slt.s32 s21, $0x0;
	s7 =	smov.u32 @p0 s5  }
0x41f: {  	s24 =	spop (v2sf);
	s21 =	smov.u32 @p1 s7  }
0x420: {  	s25 =	spop (v2sf);
	s7 =	smov.u32 s21  }
0x421: {  	p0 =	sgt.s32 s25, $0x0;
	s5 =	sadd.s32 s8, s25;
	s26 =	spop (v2sf)  }
0x422: {  	p1 =	slt.s32 s21, $0x0;
	s7 =	smov.u32 @p0 s5;
	s9 =	spop (v2sf)  }
0x423: {  	s8 =	simm.s32 $0x1;
	s21 =	smov.u32 @p1 s7;
	s5 =	spop (v2sf)  }
0x424: {  	s7 =	smov.u32 s21;
	p1 =	slt.s32 s21, $0x0;
	s28 =	sadd.s32 $0x8000000F, s5  }
0x425: {  	p0 =	sgt.s32 s26, $0x0;
	s1 =	sadd.s32 s1, s26;
	s29 =	sand.u32 $0xF, s28  }
0x426: {  	s30 =	sshra.s32 s28, $0x1F;
	p5 =	slt.s32 s28, $0x1;
	p6 =	sne.s32 s29, $0x0  }
0x427: {  	s7 =	smov.u32 @p0 s1;
	s31 =	sshrl.u32 s30, $0x1C;
	p0 =	por !p5, !p6  }
0x428: {  	s21 =	smov.u32 @p1 s7;
	s1 =	sadd.s32 s31, s28;
	p0 =	por !p0, !p0  }
0x429: {  	s7 =	sadd.s32 s0, s9;
	s1 =	sshra.s32 s1, $0x4;
	s8 =	simm.s32 @!p0 $0x0  }
0x42a: {  	p0 =	sgt.s32 s9, $0x0;
	s9 =	smov.u32 s21;
	s0 =	ssub.s32 s1, s8  }
0x42b: {  	s9 =	smov.u32 @p0 s7;
	p0 =	slt.s32 s0, $0x1  }
.Ltmp36:
0x42c: {  	_ = 	snop;
	(pc) =	sbr.rel @p0 .LBB2_62-.Ltmp36, $3  }
0x42d: {  	_ =	sdelay $0x1  }
0x42e: {  	p1 =	slt.s32 s21, $0x0  }
0x42f: {  	s21 =	smov.u32 @p1 s9  }
0x430: {  	s31 =	sshll.u32 s20, $0x8  }
0x431: {  	s1 =	sxor.u32 $0x80000000, s5;
	v9 =	vimm.s32 $0x0;
	s5 =	sadd.s32 s31, s21  }
0x432: {  	v12 =	vimm.s32 $0x0;
	v10 =	vmov s1;
	s1 =	simm.s32 $0x8000;
	v11 =	vmov s5;
	s5 =	simm.s32 $0x0  }
.LBB2_66:
0x433: {  	v13 =	vld [tilespmem:s1+$0x0]  }
0x434: {  	v14 =	vor.u32 s5, v0  }
0x435: {  	vm0 =	vlt.s32 v14, v10;
	_ =	sdelay $0x5  }
0x436: {  	v14 =	vld.idx.msk [tilespmem:v13+s3+$0x0], vm0;
	_ =	sdelay $0x4  }
0x437: {  	vm1 =	vlt.s32 v11, v14  }
0x438: {  	vm2 =	veq.s32 v11, v14;
	vm1 =	vmand vm0, vm1  }
0x439: {  	vm0 =	vmand vm0, vm2;
	v14 =	vsel vm1, $0x1, v1  }
0x43a: {  	(xrf0) =	vadd.scan.msk.s32 $0xffff, v14;
	v14 =	vsel vm0, $0x1, v1  }
0x43b: {  	(xrf0) =	vadd.scan.msk.s32 $0xffff, v14;
	_ =	sdelay $0x4  }
0x43c: {  	v14, _, _ =	vpop (xrf0)  }
0x43d: {  	v14 =	vadd.s32 v14, v9;
	v15, _, _ =	vpop (xrf0)  }
0x43e: {  	v14 =	vadd.s32 $0xFFFFFFFF, v14;
	v15 =	vadd.s32 v15, v12  }
0x43f: {  	p0 =	sne.s32 s0, $0x1;
	v15 =	vadd.s32 $0xFFFFFFFF, v15  }
.Ltmp37:
0x440: {  	_ = 	snop;
	(pc) =	sbr.rel @p0 .LBB2_66-.Ltmp37, $4  }
0x441: {  	_ = 	snop  }
0x442: {  	v16 =	vmpcnt.ones.xlane vm1;
	v17 =	vmpcnt.ones.xlane vm0  }
0x443: {  	[tilespmem:v14+s15+$0x0] =	vst.idx.msk vm1, v13  }
0x444: {  	s1 =	sadd.s32 $0x10, s1;
	s5 =	sadd.s32 $0x10, s5;
	s0 =	sadd.s32 $0xFFFFFFFF, s0;
	v9 =	vadd.s32 v9, v16;
	v12 =	vadd.s32 v12, v17;
	[tilespmem:v15+s14+$0x0] =	vst.idx.msk vm0, v13  }
.Ltmp38:
0x445: {  	_ = 	snop;
	(pc) =	sbr.rel .LBB2_67-.Ltmp38, $1  }
0x446: {  	_ =	sdelay $0x3  }
.LBB2_62:
0x447: {  	v9 =	vimm.s32 $0x0  }
.LBB2_67:
0x448: {  	v10 =	vxor.u32 $0x80000000, v9  }
0x449: {  	(xrf0) =	vmax.scan.msk.u32 $0xffff, v10;
	_ =	sdelay $0x5  }
0x44a: {  	v10, _, _ =	vpop (xrf0)  }
0x44b: {  	(v2sf) =	vpush v10, $0xF;
	_ =	sdelay $0xe  }
0x44c: {  	s1 =	spop (v2sf)  }
0x44d: {  	s0 =	sxor.u32 $0x80000000, s1  }
0x44e: {  	p0 =	sne.s32 s1, $0x8000004F;
	s1 =	simm.s32 $0x1;
	s5 =	ssub.s32 $0x4F, s0  }
0x44f: {  	s1 =	simm.s32 @!p0 $0x0;
	s7 =	sshra.s32 s5, $0x1F  }
0x450: {  	s8 =	sand.u32 $0xF, s5;
	s1 =	sor.u32 s1, s7  }
0x451: {  	p1 =	sne.s32 s8, $0x0;
	p6 =	sne.s32 s1, $0x1  }
0x452: {  	s31 =	sshrl.u32 s7, $0x1C;
	p0 =	por !p1, !p6  }
0x453: {  	s1 =	sadd.s32 s31, s5;
	s5 =	simm.s32 $0x1;
	p0 =	por !p0, !p0  }
0x454: {  	s1 =	sshra.s32 s1, $0x4;
	s5 =	simm.s32 @!p0 $0x0  }
0x455: {  	s1 =	ssub.s32 s1, s5  }
0x456: {  	p0 =	slt.s32 s1, $0x1  }
.Ltmp39:
0x457: {  	_ = 	snop;
	(pc) =	sbr.rel @p0 .LBB2_71-.Ltmp39, $1  }
0x458: {  	_ =	sdelay $0x3  }
0x459: {  	s0 =	ssub.s32 $0x40, s0;
	s5 =	simm.s32 $0x0  }
0x45a: {  	p0 =	sne.s32 s1, $0x1;
	v10 =	vmov s0;
	v11 =	vor.u32 s5, v0  }
.Ltmp40:
0x45b: {  	s0 =	simm.s32 $0x10000;
	vm0 =	vlt.s32 v11, v10;
	(pc) =	sbr.rel @!p0 .LBB2_70-.Ltmp40, $2  }
0x45c: {  	v12 =	vadd.s32 v0, v9;
	v11 =	vld [tilespmem:s0+$0x0];
	_ =	sdelay $0x2  }
0x45d: {  	s1 =	sadd.s32 $0xFFFFFFFF, s1;
	s5 =	simm.s32 $0x10;
	v13 =	vmpcnt.ones.xlane vm0  }
.LBB2_69:
0x45e: {  	v14 =	vor.u32 s5, v0;
	p0 =	sne.s32 s1, $0x1;
	s1 =	sadd.s32 $0xFFFFFFFF, s1  }
.Ltmp41:
0x45f: {  	s0 =	sadd.s32 $0x10, s0;
	[tilespmem:v12+s15+$0x0] =	vst.idx.msk vm0, v11;
	vm0 =	vlt.s32 v14, v10;
	v9 =	vadd.s32 v9, v13;
	(pc) =	sbr.rel @p0 .LBB2_69-.Ltmp41, $2  }
0x460: {  	v11 =	vld [tilespmem:s0+$0x0];
	v12 =	vadd.s32 v0, v9;
	_ =	sdelay $0x2  }
0x461: {  	s5 =	sadd.s32 $0x10, s5;
	v13 =	vmpcnt.ones.xlane vm0  }
.LBB2_70:
0x462: {  	_ =	sdelay $0x4  }
0x463: {  	[tilespmem:v12+s15+$0x0] =	vst.idx.msk vm0, v11  }
.LBB2_71:
0x464: {  	v9 =	vld [tilespmem:$0x1C100]  }
0x465: {  	v10 =	vld [tilespmem:$0x1C110]  }
0x466: {  	v11 =	vld [tilespmem:$0x1C120]  }
0x467: {  	v12 =	vld [tilespmem:$0x1C130];
	_ =	sdelay $0x4  }
0x468: {  	v14 =	vld.idx.msk [tilespmem:v9+s3+$0x0], $0xffff  }
0x469: {  	v15 =	vld.idx.msk [tilespmem:v10+s3+$0x0], $0xffff  }
0x46a: {  	v16 =	vld.idx.msk [tilespmem:v11+s3+$0x0], $0xffff  }
0x46b: {  	v12 =	vld.idx.msk [tilespmem:v12+s3+$0x0], $0xffff;
	_ =	sdelay $0x4  }
0x46c: {  	vm0 =	vgt.s32 v14, v15;
	vm1 =	vgt.s32 v16, v12  }
0x46d: {  	v9 =	vsel vm0, v14, v15;
	v10 =	vsel vm1, v16, v12  }
0x46e: {  	vm0 =	vgt.s32 v9, v10  }
0x46f: {  	v9 =	vsel vm0, v9, v10  }
0x470: {  	v9 =	vxor.u32 $0x80000000, v9  }
0x471: {  	(xrf0) =	vmax.scan.msk.u32 $0xffff, v9;
	_ =	sdelay $0x5  }
0x472: {  	v9, _, _ =	vpop (xrf0)  }
0x473: {  	(v2sf) =	vpush v9, $0xF;
	_ =	sdelay $0xe  }
0x474: {  	s0 =	spop (v2sf)  }
0x475: {  	s0 =	sxor.u32 $0x80000000, s0  }
0x476: {  	vm14 =	veq.s32 v14, s0  }
0x477: {  	v9 =	vmctz.xlane vm14  }
0x478: {  	vm15 =	veq.s32 v15, s0  }
0x479: {  	vm4 =	veq.s32 v16, s0;
	v10 =	vmctz.xlane vm15;
	vm5 =	vlt.s32 v9, $0x270F  }
0x47a: {  	v11 =	vmctz.xlane vm4;
	vm6 =	vlt.s32 v9, $0x10;
	v9 =	vnsel vm5, $0x270F, v9  }
0x47b: {  	vm7 =	veq.s32 v12, s0;
	v13 =	vadd.s32 $0x10, v10;
	v9 =	vnsel vm6, $0x270F, v9  }
0x47c: {  	v17 =	vmctz.xlane vm7;
	vm8 =	vlt.s32 v11, $0x10;
	vm1 =	vlt.s32 v9, v13  }
0x47d: {  	vm2 =	vlt.s32 v10, $0x10;
	v11 =	vadd.s32 $0x20, v11;
	v10 =	vsel vm1, v9, v13  }
0x47e: {  	v9 =	vsel vm2, v10, v9;
	v10 =	vnsel vm8, $0x270F, v11  }
0x47f: {  	vm9 =	vlt.s32 v17, $0x10;
	v11 =	vadd.s32 $0x30, v17;
	vm10 =	vlt.s32 v9, v10  }
0x480: {  	v11 =	vnsel vm9, $0x270F, v11;
	v10 =	vsel vm10, v9, v10  }
0x481: {  	vm0 =	vlt.s32 v10, v11  }
0x482: {  	v13 =	vor.u32 $0x20, v0;
	v17 =	vsel vm0, v10, v11;
	v10 =	vor.u32 $0x10, v0  }
0x483: {  	p0 =	seq.s32 s18, $0x3;
	v9 =	vor.u32 $0x30, v0;
	vm0 =	veq.s32 v17, v0;
	vm11 =	veq.s32 v17, v10  }
0x484: {  	s0 =	sadd.s32 @!p0 $0x1, s19;
	vm12 =	veq.s32 v17, v13;
	vm13 =	veq.s32 v17, v9;
	v11 =	vsel vm0, $0x80000000, v14  }
0x485: {  	s1 =	sshll.u32 @!p0 s0, $0x4;
	v14 =	vsel vm11, $0x80000000, v15;
	v15 =	vsel vm12, $0x80000000, v16;
	v12 =	vsel vm13, $0x80000000, v12  }
0x486: {  	s31 =	simm.s32 $0x0;
	s0 =	sshll.u32 @!p0 s0, $0xC;
	s1 =	sand.u32 @!p0 $0x70, s1;
	vm14 =	vgt.s32 v11, v14;
	vm15 =	vgt.s32 v15, v12  }
0x487: {  	s5 =	simm.s32 @!p0 $0x400;
	s0 =	sand.u32 @!p0 $0xFFF8000, s0;
	s1 =	sadd.s32 @!p0 s2, s1;
	v16 =	vsel vm14, v11, v14;
	v18 =	vsel vm15, v15, v12  }
0x488: {  	s7 =	simm.s32 @!p0 $0x0;
	s0 =	sadd.s32 @!p0 s0, s1;
	s1 =	simm.s32 @!p0 $0x80;
	vm0 =	vgt.s32 v16, v18  }
0x489: {  	[tilespmem:s7], [sflag:$0x1] =	stream.strided.gather @!p0 [hbm4b:s0+s1], $0x8000, s5, s1, $0x38;
	v16 =	vsel vm0, v16, v18;
	[tilespmem:$0x1C200] =	vst v63  }
0x48a: {  	v18 =	vxor.u32 $0x80000000, v16;
	v16 =	vld.idx.msk [tilespmem:v17+s15+$0x0], $0xffff;
	v17 =	vmov s31;
	_ =	sdelay $0x2  }
0x48b: {  	s0 =	simm.s32 $0x1;
	s1 =	simm.s32 $0x2;
	(xrf0) =	vmax.scan.msk.u32 $0xffff, v18  }
.LBB2_72:
0x48c: {  	_ = 	snop  }
0x48d: {  	p0 =	sne.s32 s1, $0x3F;
	[tilespmem:v17+s16+$0x0] =	vst.idx.msk $0x1, v16;
	s8 =	smov.u32 s1;
	s1 =	sadd.s32 $0x1, s1  }
0x48e: {  	_ =	sdelay $0x2  }
0x48f: {  	v16, _, _ =	vpop (xrf0)  }
0x490: {  	(v2sf) =	vpush v16, $0xF;
	_ =	sdelay $0xe  }
0x491: {  	s5 =	spop (v2sf)  }
0x492: {  	s5 =	sxor.u32 $0x80000000, s5  }
0x493: {  	vm0 =	veq.s32 v11, s5;
	vm1 =	veq.s32 v14, s5;
	vm2 =	veq.s32 v15, s5  }
0x494: {  	v16 =	vmctz.xlane vm0;
	v17 =	vmctz.xlane vm1;
	vm0 =	veq.s32 v12, s5  }
0x495: {  	v18 =	vmctz.xlane vm2;
	v19 =	vmctz.xlane vm0  }
0x496: {  	vm0 =	vlt.s32 v16, $0x270F  }
0x497: {  	vm1 =	vlt.s32 v16, $0x10;
	v16 =	vnsel vm0, $0x270F, v16;
	vm0 =	vlt.s32 v18, $0x10  }
0x498: {  	v20 =	vadd.s32 $0x10, v17;
	v16 =	vnsel vm1, $0x270F, v16;
	vm1 =	vlt.s32 v19, $0x10  }
0x499: {  	vm2 =	vlt.s32 v16, v20  }
0x49a: {  	vm3 =	vlt.s32 v17, $0x10;
	v18 =	vadd.s32 $0x20, v18;
	v17 =	vsel vm2, v16, v20  }
0x49b: {  	v16 =	vsel vm3, v17, v16;
	v17 =	vnsel vm0, $0x270F, v18  }
0x49c: {  	v18 =	vadd.s32 $0x30, v19;
	vm0 =	vlt.s32 v16, v17  }
0x49d: {  	v16 =	vsel vm0, v16, v17;
	v17 =	vnsel vm1, $0x270F, v18  }
0x49e: {  	vm0 =	vlt.s32 v16, v17  }
0x49f: {  	v16 =	vsel vm0, v16, v17  }
0x4a0: {  	vm0 =	veq.s32 v16, v0;
	vm1 =	veq.s32 v16, v10;
	vm2 =	veq.s32 v16, v13  }
0x4a1: {  	v11 =	vsel vm0, $0x80000000, v11;
	v14 =	vsel vm1, $0x80000000, v14;
	vm0 =	veq.s32 v16, v9  }
0x4a2: {  	v15 =	vsel vm2, $0x80000000, v15;
	vm1 =	vgt.s32 v11, v14;
	v12 =	vsel vm0, $0x80000000, v12  }
0x4a3: {  	vm0 =	vgt.s32 v15, v12  }
.Ltmp42:
0x4a4: {  	v18 =	vsel vm1, v11, v14;
	v19 =	vsel vm0, v15, v12;
	v16 =	vld.idx.msk [tilespmem:v16+s15+$0x0], $0xffff;
	(pc) =	sbr.rel @p0 .LBB2_72-.Ltmp42, $4  }
0x4a5: {  	v17 =	vmov s0;
	s0 =	smov.u32 s8;
	vm0 =	vgt.s32 v18, v19  }
0x4a6: {  	v18 =	vsel vm0, v18, v19  }
0x4a7: {  	v18 =	vxor.u32 $0x80000000, v18  }
0x4a8: {  	(xrf0) =	vmax.scan.msk.u32 $0xffff, v18  }
0x4a9: {  	_ =	sdelay $0x4  }
0x4aa: {  	v9, _, _ =	vpop (xrf0)  }
0x4ab: {  	(v2sf) =	vpush v9, $0xF;
	_ =	sdelay $0xe  }
0x4ac: {  	s1 =	spop (v2sf)  }
0x4ad: {  	s1 =	sxor.u32 $0x80000000, s1  }
0x4ae: {  	vm0 =	veq.s32 v11, s1  }
0x4af: {  	v9 =	vmctz.xlane vm0  }
0x4b0: {  	vm10 =	veq.s32 v14, s1  }
0x4b1: {  	vm1 =	veq.s32 v15, s1;
	v10 =	vmctz.xlane vm10;
	vm11 =	vlt.s32 v9, $0x270F  }
0x4b2: {  	vm2 =	veq.s32 v12, s1;
	vm3 =	vlt.s32 v9, $0x10;
	v9 =	vnsel vm11, $0x270F, v9  }
0x4b3: {  	v11 =	vmctz.xlane vm1;
	v63 =	vadd.s32 $0x10, v10;
	v9 =	vnsel vm3, $0x270F, v9  }
0x4b4: {  	vm12 =	vlt.s32 v10, $0x10;
	v10 =	vmctz.xlane vm2;
	vm13 =	vlt.s32 v9, v63  }
0x4b5: {  	vm14 =	vlt.s32 v11, $0x10;
	v11 =	vadd.s32 $0x20, v11;
	v12 =	vsel vm13, v9, v63  }
0x4b6: {  	v11 =	vnsel vm14, $0x270F, v11;
	v9 =	vsel vm12, v12, v9  }
0x4b7: {  	vm15 =	vlt.s32 v10, $0x10;
	v10 =	vadd.s32 $0x30, v10;
	vm1 =	vlt.s32 v9, v11  }
0x4b8: {  	v10 =	vnsel vm15, $0x270F, v10;
	v9 =	vsel vm1, v9, v11  }
0x4b9: {  	vm0 =	vlt.s32 v9, v10  }
0x4ba: {  	v9 =	vsel vm0, v9, v10;
	_ =	sdelay $0x3  }
0x4bb: {  	[tilespmem:v17+s16+$0x0] =	vst.idx.msk $0x1, v16  }
0x4bc: {  	v10 =	vmov s0;
	v9 =	vld.idx.msk [tilespmem:v9+s15+$0x0], $0xffff;
	_ =	sdelay $0x2  }
0x4bd: {  	s31 =	sshll.u32 s19, $0x4  }
0x4be: {  	s18 =	sadd.s32 $0x1, s18;
	s0 =	sand.u32 $0x70, s31  }
0x4bf: {  	p0 =	sne.s32 s18, $0x4;
	s0 =	sadd.s32 s0, s6;
	[tilespmem:v10+s16+$0x0] =	vst.idx.msk $0x1, v9  }
0x4c0: {  	[hbm4b:s0+s3] =	stream.linear.scatter [tilespmem:s16], [sflag:$0x2], $0x80, $0x38;
	[tilespmem:$0x1C200] =	vst v63  }
.Ltmp43:
0x4c1: {  	_ = 	snop;
	(pc) =	sbr.rel @p0 .LBB2_2-.Ltmp43, $4  }
.Ltmp44:
0x4c2: {  	_ = 	snop;
	(pc) =	sbr.rel @!p0 .LBB2_74-.Ltmp44, $4  }
0x4c3: {  	_ =	swait.ge [sflag:s10], $0x80  }
0x4c4: {  	[sflag:s10] =	ssyncset.done $0x0  }
0x4c5: {  	[sflag:s10] =	ssyncadd.s32 $0xFFFFFF80  }
0x4c6: {  	_ = 	snop  }
.LBB2_9:
.Ltmp45:
0x4c7: {  	(pc) =	sbr.rel .LBB2_14-.Ltmp45, $2  }
0x4c8: {  	_ =	sdelay $0x2  }
0x4c9: {  	_ = 	snop  }
.LBB2_26:
.Ltmp46:
0x4ca: {  	(pc) =	sbr.rel .LBB2_41-.Ltmp46, $2  }
0x4cb: {  	_ =	sdelay $0x2  }
0x4cc: {  	s30 =	simm.s32 $0xFFFFFFFF;
	s9 =	simm.s32 $0xEF;
	s31 =	simm.s32 $0x0  }
.LBB2_11:
.Ltmp47:
0x4cd: {  	(pc) =	sbr.rel .LBB2_14-.Ltmp47, $2  }
0x4ce: {  	_ =	sdelay $0x2  }
0x4cf: {  	s0 =	simm.s32 $0x4  }
.LBB2_30:
.Ltmp48:
0x4d0: {  	(pc) =	sbr.rel .LBB2_41-.Ltmp48, $3  }
0x4d1: {  	_ =	sdelay $0x1  }
0x4d2: {  	s30 =	simm.s32 $0xFFFFFFFF  }
0x4d3: {  	v11 =	vmov v12;
	s29 =	simm.s32 $0xEF;
	s9 =	simm.s32 $0xDF;
	s31 =	simm.s32 $0x0  }
.LBB2_32:
.Ltmp49:
0x4d4: {  	(pc) =	sbr.rel .LBB2_41-.Ltmp49, $3  }
0x4d5: {  	_ =	sdelay $0x1  }
0x4d6: {  	s30 =	simm.s32 $0xFFFFFFFF;
	s5 =	simm.s32 $0xEF  }
0x4d7: {  	s29 =	simm.s32 $0xDF;
	s9 =	simm.s32 $0xCF;
	s31 =	simm.s32 $0x0  }
.LBB2_34:
.Ltmp50:
0x4d8: {  	(pc) =	sbr.rel .LBB2_41-.Ltmp50, $3  }
0x4d9: {  	_ =	sdelay $0x1  }
0x4da: {  	s30 =	simm.s32 $0xFFFFFFFF;
	_ =	sdelay $0x1  }
0x4db: {  	s8 =	simm.s32 $0xEF;
	v11 =	vmov v12;
	s5 =	simm.s32 $0xDF;
	s29 =	simm.s32 $0xCF  }
.LBB2_36:
.Ltmp51:
0x4dc: {  	(pc) =	sbr.rel .LBB2_41-.Ltmp51, $3  }
0x4dd: {  	_ =	sdelay $0x1  }
0x4de: {  	s30 =	simm.s32 $0xFFFFFFFF;
	s0 =	simm.s32 $0xEF;
	s8 =	simm.s32 $0xDF  }
0x4df: {  	v13 =	vmov v12;
	s5 =	simm.s32 $0xCF;
	s29 =	simm.s32 $0xBF;
	s9 =	simm.s32 $0xAF  }
.LBB2_38:
.Ltmp52:
0x4e0: {  	(pc) =	sbr.rel .LBB2_41-.Ltmp52, $4  }
0x4e1: {  	_ = 	snop  }
0x4e2: {  	s1 =	simm.s32 $0xEF  }
0x4e3: {  	s30 =	simm.s32 $0xFFFFFFFF;
	s0 =	simm.s32 $0xDF;
	s8 =	simm.s32 $0xCF  }
0x4e4: {  	v11 =	vmov v14;
	s5 =	simm.s32 $0xBF;
	s9 =	simm.s32 $0x9F;
	p5 =	por $0x1, $0x1  }
.LBB2_75:
0x4e5: {  	_ =	sfence.sel $0x180000  }
0x4e6: {  	[bflag:$0x0] =	sbarrier.arrive $0xFFFF  }
0x4e7: {  	_ =	strace $0x90000047  }
0x4e8: {  	s0 =	stileid.u32;
	[bflag:$0x2] =	sbarrier.arrive $0xFFFF  }
0x4e9: {  	p0 =	sne.s32 s0, $0x0;
	s0 =	rddreg [dreg:$0x2]  }
0x4ea: {  	s0 =	sadd.s32 @!p0 $0x100000, s0  }
0x4eb: {  	[sflag:s0] =	ssyncadd.tile.s32 @!p0 $0x1;
	_ =	shalt  }
.Lfunc_end2:
_tile_overlayer_lowered:
.L_overlay_start_2:
0x4ec: {  	(tag) =	ssettag $0x2  }
0x4ed: {  	s0 =	rddreg [dreg:$0x0];
	s2 =	stileid.u32  }
0x4ee: {  	s1 =	rddreg [dreg:$0x1];
	p0 =	sne.s32 s2, $0x0  }
0x4ef: {  	s3 =	rddreg [dreg:$0x2];
	[bflag:$0x3] =	sbarrier.arrive $0xFFFF;
	s2 =	simm.s32 @!p0 $0x1C02  }
0x4f0: {  	[timem:s3], [sflag:s2] =	dma.local @!p0 [hbm:s0], s1  }
0x4f1: {  	s0 =	simm.s32 @!p0 $0x2  }
0x4f2: {  	_ =	swait.ge @!p0 [sflag:s0], s1  }
0x4f3: {  	s1 =	ssub.s32 @!p0 $0x0, s1;
	[sflag:s0] =	ssyncset.done @!p0 $0x0  }
0x4f4: {  	[sflag:s0] =	ssyncadd.s32 @!p0 s1  }
0x4f5: {  	[bflag:$0x3] =	sbarrier.arrive $0xFFFF  }
0x4f6: {  	_ =	shalt  }

</sc_bundles>
